<compile_context>
chip_gen: v7x
topology: tpu7x:2x2x1
jax: 0.10.2.dev20260603
libtpu: 0.0.44.dev20260713+nightly
codegen_flags: <defaults>
</compile_context>

<pallas_src>
import functools

import jax
import jax.numpy as jnp
from jax import lax
from jax.experimental import pallas as pl
from jax.experimental.pallas import tpu as pltpu
from jax.experimental.pallas import tpu_sc as plsc

N = 10000
E = 320000
NHID = 128
NLAYER = 3
NGRAPH = 128
NCLASS = 10

CHUNK = 128
NCORES = 2
NSUB = 16
NWORKERS = NCORES * NSUB
CHLOC = 10240 // CHUNK
NCHUNKS = NWORKERS * CHLOC
E_PAD = NCHUNKS * CHUNK
NBUF = 2
CHHALF = CHLOC // 2
EDGES_W = E // NWORKERS
PADS_W = CHLOC * CHUNK - EDGES_W
N_PAD = N + PADS_W
ROWS_T = N_PAD // NSUB

BR = 1024
NBLK = N_PAD // BR


def _sc_aggregate(h_pad, src2, dst2):
    mesh = plsc.VectorSubcoreMesh(core_axis_name="c", subcore_axis_name="s")

    @functools.partial(
        pl.kernel,
        mesh=mesh,
        out_type=jax.ShapeDtypeStruct((NCORES, N_PAD, NHID), jnp.float32),
        scratch_types=[
            pltpu.VMEM((CHHALF, CHUNK), jnp.int32),
            pltpu.VMEM((CHHALF, CHUNK), jnp.int32),
        ] + [pltpu.VMEM((CHUNK, NHID), jnp.float32) for _ in range(NBUF)] + [
            pltpu.VMEM_SHARED((N_PAD, NHID), jnp.float32),
        ] + [pltpu.SemaphoreType.DMA for _ in range(NBUF)],
    )
    def agg_kernel(h_hbm, src_hbm, dst_hbm, out_hbm, src_buf, dst_buf,
                   *scratches):
        rows = scratches[:NBUF]
        acc = scratches[NBUF]
        gsem = scratches[NBUF + 1:2 * NBUF + 1]

        c = lax.axis_index("c")
        s = lax.axis_index("s")
        w = s * NCORES + c

        row0 = pl.multiple_of(s * ROWS_T, 8)
        zbuf = rows[0]

        @pl.loop(0, CHUNK)
        def _zr(r):
            @pl.loop(0, NHID, step=16)
            def _zc(cc):
                zbuf[r, pl.ds(cc, 16)] = jnp.zeros((16,), jnp.float32)

        for k in range(ROWS_T // CHUNK):
            pltpu.sync_copy(zbuf, acc.at[pl.ds(row0 + k * CHUNK, CHUNK)])
        plsc.subcore_barrier()

        def g_start(j, b):
            pltpu.async_copy(h_hbm.at[src_buf.at[j]], rows[b], gsem[b])

        def g_wait(b):
            pltpu.make_async_copy(h_hbm.at[src_buf.at[0]], rows[b],
                                  gsem[b]).wait()

        def s_add(j, b):
            pltpu.sync_copy(rows[b], acc.at[dst_buf.at[j]], add=True)

        for half in range(2):
            ch0 = pl.multiple_of(w * CHLOC + half * CHHALF, 8)
            pltpu.sync_copy(src_hbm.at[pl.ds(ch0, CHHALF)], src_buf)
            pltpu.sync_copy(dst_hbm.at[pl.ds(ch0, CHHALF)], dst_buf)

            for b in range(NBUF):
                g_start(b, b)

            @pl.loop(0, CHHALF - NBUF, step=NBUF)
            def _ring(g):
                for b in range(NBUF):
                    j = g + b
                    g_wait(b)
                    s_add(j, b)
                    g_start(j + NBUF, b)

            for b in range(NBUF):
                j = CHHALF - NBUF + b
                g_wait(b)
                s_add(j, b)

        plsc.subcore_barrier()

        pltpu.sync_copy(acc.at[pl.ds(row0, ROWS_T)],
                        out_hbm.at[c, pl.ds(row0, ROWS_T)])

    return agg_kernel(h_pad, src2, dst2)


def _mlp_block(i, p_ref, h_ref, w1_ref, b1_ref, w2_ref, b2_ref):
    z = p_ref[0] + p_ref[1] + h_ref[...]
    z = jnp.dot(z, w1_ref[...], preferred_element_type=jnp.float32) + b1_ref[...]
    z = jnp.maximum(z, 0.0)
    z = jnp.dot(z, w2_ref[...], preferred_element_type=jnp.float32) + b2_ref[...]
    z = jnp.maximum(z, 0.0)
    row = i * BR + lax.broadcasted_iota(jnp.int32, (BR, NHID), 0)
    return jnp.where(row < N, z, 0.0)


def _mlp_body(p_ref, h_ref, w1_ref, b1_ref, w2_ref, b2_ref, o_ref):
    o_ref[...] = _mlp_block(pl.program_id(0), p_ref, h_ref,
                            w1_ref, b1_ref, w2_ref, b2_ref)


_WSPECS = [
    pl.BlockSpec((NHID, NHID), lambda i: (0, 0)),
    pl.BlockSpec((1, NHID), lambda i: (0, 0)),
    pl.BlockSpec((NHID, NHID), lambda i: (0, 0)),
    pl.BlockSpec((1, NHID), lambda i: (0, 0)),
]


def _tc_mlp(p, h, w1, b1, w2, b2):
    return pl.pallas_call(
        _mlp_body,
        grid=(NBLK,),
        in_specs=[
            pl.BlockSpec((NCORES, BR, NHID), lambda i: (0, i, 0)),
            pl.BlockSpec((BR, NHID), lambda i: (i, 0)),
        ] + _WSPECS,
        out_specs=pl.BlockSpec((BR, NHID), lambda i: (i, 0)),
        out_shape=jax.ShapeDtypeStruct((N_PAD, NHID), jnp.float32),
    )(p, h, w1, b1, w2, b2)


def _mlp_pool_head_body(p_ref, h_ref, w1_ref, b1_ref, w2_ref, b2_ref,
                        b_ref, pw_ref, pb_ref, rw_ref, rb_ref, o_ref, g_acc):
    i = pl.program_id(0)

    @pl.when(i == 0)
    def _init():
        g_acc[...] = jnp.zeros_like(g_acc)

    hv = _mlp_block(i, p_ref, h_ref, w1_ref, b1_ref, w2_ref, b2_ref)
    bvals = b_ref[0]
    mask = (lax.broadcasted_iota(jnp.int32, (NGRAPH, BR), 0) == bvals
            ).astype(jnp.float32)
    g_acc[...] += jnp.dot(mask, hv, preferred_element_type=jnp.float32)

    @pl.when(i == NBLK - 1)
    def _head():
        g = g_acc[...]
        z = jnp.dot(g, pw_ref[...], preferred_element_type=jnp.float32) + pb_ref[...]
        z = jnp.maximum(z, 0.0)
        logits = jnp.dot(z, rw_ref[...], preferred_element_type=jnp.float32) + rb_ref[...]
        col = lax.broadcasted_iota(jnp.int32, (NGRAPH, NHID), 1)
        logits = jnp.where(col < NCLASS, logits, jnp.float32(-1e30))
        m = jnp.max(logits, axis=1, keepdims=True)
        lse = m + jnp.log(jnp.sum(jnp.exp(logits - m), axis=1, keepdims=True))
        o_ref[...] = logits - lse


def _tc_mlp_pool_head(p, h, w1, b1, w2, b2, batch3, post_w, post_b,
                      rw_pad, rb_pad):
    return pl.pallas_call(
        _mlp_pool_head_body,
        grid=(NBLK,),
        in_specs=[
            pl.BlockSpec((NCORES, BR, NHID), lambda i: (0, i, 0)),
            pl.BlockSpec((BR, NHID), lambda i: (i, 0)),
        ] + _WSPECS + [
            pl.BlockSpec((1, 1, BR), lambda i: (i, 0, 0)),
        ] + _WSPECS,
        out_specs=pl.BlockSpec((NGRAPH, NHID), lambda i: (0, 0)),
        out_shape=jax.ShapeDtypeStruct((NGRAPH, NHID), jnp.float32),
        scratch_shapes=[pltpu.VMEM((NGRAPH, NHID), jnp.float32)],
    )(p, h, w1, b1, w2, b2, batch3, post_w, post_b, rw_pad, rb_pad)


def kernel(x, edge_index, batch, conv_w1, conv_b1, conv_w2, conv_b2,
           post_w, post_b, read_w, read_b):
    pad_src = jnp.broadcast_to(N + jnp.arange(PADS_W, dtype=jnp.int32),
                               (NWORKERS, PADS_W))
    pad_dst = (jnp.arange(NWORKERS, dtype=jnp.int32)[:, None] * 313
               + jnp.arange(PADS_W, dtype=jnp.int32)[None, :]) % N
    src2 = jnp.concatenate(
        [edge_index[0].reshape(NWORKERS, EDGES_W), pad_src],
        axis=1).reshape(NCHUNKS, CHUNK)
    dst2 = jnp.concatenate(
        [edge_index[1].reshape(NWORKERS, EDGES_W), pad_dst],
        axis=1).reshape(NCHUNKS, CHUNK)
    h = jnp.pad(x, ((0, N_PAD - N), (0, 0)))
    for l in range(NLAYER - 1):
        p = _sc_aggregate(h, src2, dst2)
        h = _tc_mlp(p, h, conv_w1[l], conv_b1[l].reshape(1, NHID),
                    conv_w2[l], conv_b2[l].reshape(1, NHID))

    p = _sc_aggregate(h, src2, dst2)
    batch3 = jnp.pad(batch, (0, N_PAD - N)).reshape(NBLK, 1, BR)
    rw_pad = jnp.zeros((NHID, NHID), jnp.float32).at[:, :NCLASS].set(read_w)
    rb_pad = jnp.zeros((1, NHID), jnp.float32).at[0, :NCLASS].set(read_b)
    out = _tc_mlp_pool_head(
        p, h, conv_w1[NLAYER - 1], conv_b1[NLAYER - 1].reshape(1, NHID),
        conv_w2[NLAYER - 1], conv_b2[NLAYER - 1].reshape(1, NHID),
        batch3, post_w, post_b.reshape(1, NHID), rw_pad, rb_pad)
    return out[:, :NCLASS]

# --- scband reference (transcript-rebuilt; emitter-appended) ---
"""Pipeline reference for scband-server-gin-7997229105407 (READ-ONLY COPY).

The authoritative reference and input builder live on the scoring server;
editing this copy changes nothing except your own understanding.
"""

import jax, jax.numpy as jnp
import numpy as np

N = 10000
E = 320000
NHID = 128
NLAYER = 3
NGRAPH = 128
NCLASS = 10


def setup_inputs(seed: int = 0) -> dict:
    key = jax.random.key(seed)
    ks = jax.random.split(key, 12)
    x = jax.random.normal(ks[0], (N, NHID), dtype=jnp.float32)
    edge_index = jax.random.randint(ks[1], (2, E), 0, N, dtype=jnp.int32)
    batch = jnp.sort(jax.random.randint(ks[2], (N,), 0, NGRAPH, dtype=jnp.int32))
    s = 1.0 / np.sqrt(NHID)
    conv_w1 = jax.random.uniform(ks[3], (NLAYER, NHID, NHID), jnp.float32, -s, s)
    conv_b1 = jax.random.uniform(ks[4], (NLAYER, NHID), jnp.float32, -s, s)
    conv_w2 = jax.random.uniform(ks[5], (NLAYER, NHID, NHID), jnp.float32, -s, s)
    conv_b2 = jax.random.uniform(ks[6], (NLAYER, NHID), jnp.float32, -s, s)
    post_w = jax.random.uniform(ks[7], (NHID, NHID), jnp.float32, -s, s)
    post_b = jax.random.uniform(ks[8], (NHID,), jnp.float32, -s, s)
    read_w = jax.random.uniform(ks[9], (NHID, NCLASS), jnp.float32, -s, s)
    read_b = jax.random.uniform(ks[10], (NCLASS,), jnp.float32, -s, s)
    return {"x": x, "edge_index": edge_index, "batch": batch,
            "conv_w1": conv_w1, "conv_b1": conv_b1, "conv_w2": conv_w2, "conv_b2": conv_b2,
            "post_w": post_w, "post_b": post_b, "read_w": read_w, "read_b": read_b}


def reference(x, edge_index, batch, conv_w1, conv_b1, conv_w2, conv_b2, post_w, post_b, read_w, read_b):
    # pre is not defined in __init__ -> identity; dropout inactive (eval mode)
    src = edge_index[0]
    dst = edge_index[1]
    h = x
    for l in range(NLAYER):
        # GINConv (eps=0): nn((1+eps)*x + sum_{j in N(i)} x_j)
        agg = jnp.zeros_like(h).at[dst].add(h[src])
        z = h + agg
        z = jnp.maximum(z @ conv_w1[l] + conv_b1[l], 0.0)
        z = z @ conv_w2[l] + conv_b2[l]
        h = jnp.maximum(z, 0.0)  # F.relu after each conv
    g = jax.ops.segment_sum(h, batch, num_segments=NGRAPH)  # global_add_pool
    g = jnp.maximum(g @ post_w + post_b, 0.0)  # post: Linear + ReLU
    logits = g @ read_w + read_b  # readout (assumed Linear nhid->nclass)
    return jax.nn.log_softmax(logits, axis=1)

if __name__ == "__main__":
    import jax
    _d = setup_inputs()
    print(jax.jit(kernel)(*tuple(_d.values())))

</pallas_src>

<mosaic_0001>
#map = affine_map<(d0, d1) -> (0, 0)>
#map1 = affine_map<(d0, d1) -> (0, 0, 0)>
module attributes {stable_mosaic.version = 14 : i64} {
  func.func @agg_kernel(%arg0: i32, %arg1: i32, %arg2: memref<10240x128xf32, #tpu.memory_space<hbm>>, %arg3: memref<2560x128xi32, #tpu.memory_space<hbm>>, %arg4: memref<2560x128xi32, #tpu.memory_space<hbm>>, %arg5: memref<2x10240x128xf32, #tpu.memory_space<hbm>>, %arg6: memref<40x128xi32, #tpu.memory_space<vmem>>, %arg7: memref<40x128xi32, #tpu.memory_space<vmem>>, %arg8: memref<128x128xf32, #tpu.memory_space<vmem>>, %arg9: memref<128x128xf32, #tpu.memory_space<vmem>>, %arg10: memref<10240x128xf32, #tpu.memory_space<vmem_shared>>, %arg11: memref<!tpu.dma_semaphore, #tpu.memory_space<semaphore_mem>>, %arg12: memref<!tpu.dma_semaphore, #tpu.memory_space<semaphore_mem>>) attributes {dimension_semantics = [#tpu.dimension_semantics<core_parallel>, #tpu.dimension_semantics<subcore_parallel>], iteration_bounds = array<i64: 2, 16>, scalar_prefetch = 0 : i64, scratch_operands = 7 : i64, tpu.core_type = #tpu.core_type<sc_vector_subcore>, window_params = [{transform_indices = #map}, {transform_indices = #map}, {transform_indices = #map}, {transform_indices = #map1}]} {
    %mul3A = arith.constant 2 : i32
    %mul3A_0 = arith.muli %arg1, %mul3A : i32
    %add3A = arith.addi %mul3A_0, %arg0 : i32
    %mul3A_1 = arith.constant 640 : i32
    %mul3A_2 = arith.muli %arg1, %mul3A_1 : i32
    %multiple_of3A = tpu.assume_multiple %mul3A_2, 8 : i32
    %scan3A = arith.constant 0 : i32
    %scan3A_3 = arith.constant 128 : i32
    %scan3A_4 = arith.addi %scan3A, %scan3A_3 : i32
    %scan3A_5 = arith.constant 1 : i32
    scf.for %scan3A_95 = %scan3A to %scan3A_4 step %scan3A_5  : i32 {
      %mul3A_96 = arith.constant 1 : i32
      %mul3A_97 = arith.muli %scan3A_95, %mul3A_96 : i32
      %add3A_98 = arith.constant 0 : i32
      %add3A_99 = arith.addi %add3A_98, %mul3A_97 : i32
      %scan3A_100 = arith.constant 0 : i32
      %scan3A_101 = arith.constant 8 : i32
      %scan3A_102 = arith.addi %scan3A_100, %scan3A_101 : i32
      %scan3A_103 = arith.constant 1 : i32
      scf.for %scan3A_105 = %scan3A_100 to %scan3A_102 step %scan3A_103  : i32 {
        %mul3A_106 = arith.constant 16 : i32
        %mul3A_107 = arith.muli %scan3A_105, %mul3A_106 : i32
        %add3A_108 = arith.constant 0 : i32
        %add3A_109 = arith.addi %add3A_108, %mul3A_107 : i32
        %broadcast_in_dim3A = arith.constant 0.000000e+00 : f32
        %broadcast_in_dim3A_110 = vector.broadcast %broadcast_in_dim3A : f32 to vector<16xf32>
        %swap3A = arith.index_cast %add3A_99 : i32 to index
        %swap3A_111 = arith.index_cast %add3A_109 : i32 to index
        %swap3A_112 = tpu.vector_load %arg8[%swap3A, %swap3A_111] {strides = array<i32>} : memref<128x128xf32, #tpu.memory_space<vmem>>, vector<1x16xf32>,
        %swap3A_113 = vector.shape_cast %swap3A_112 : vector<1x16xf32> to vector<16xf32>
        %swap3A_114 = vector.shape_cast %broadcast_in_dim3A_110 : vector<16xf32> to vector<1x16xf32>
        tpu.vector_store %arg8[%swap3A, %swap3A_111], %swap3A_114 {strides = array<i32>} : memref<128x128xf32, #tpu.memory_space<vmem>>, vector<1x16xf32>,
      }
      %scan3A_104 = arith.constant 8 : i32
    }
    %scan3A_6 = arith.constant 128 : i32
    %add3A_7 = arith.constant 0 : i32
    %add3A_8 = arith.addi %multiple_of3A, %add3A_7 : i32
    "tpu.region"() ({
      %run_scoped3A_95 = tpu.sem_alloc : memref<!tpu.dma_semaphore, #tpu.memory_space<semaphore_mem>>
      %dma_start3A_96 = arith.constant 0 : i32
      %dma_start3A_97 = tpu.memref_slice %arg10[%add3A_8, %dma_start3A_96] : memref<10240x128xf32, #tpu.memory_space<vmem_shared>> -> memref<128x128xf32, #tpu.memory_space<vmem_shared>>
      %dma_start3A_98 = arith.constant 0 : i32
      %dma_start3A_99 = tpu.memref_slice %arg10[%add3A_8, %dma_start3A_98] : memref<10240x128xf32, #tpu.memory_space<vmem_shared>> -> memref<128x128xf32, #tpu.memory_space<vmem_shared>>
      tpu.enqueue_dma source(%arg8 : memref<128x128xf32, #tpu.memory_space<vmem>>) target(%dma_start3A_99 : memref<128x128xf32, #tpu.memory_space<vmem_shared>>) target_semaphore(%run_scoped3A_95 : memref<!tpu.dma_semaphore, #tpu.memory_space<semaphore_mem>>)
      %dma_wait3A_100 = arith.constant 0 : i32
      %dma_wait3A_101 = tpu.memref_slice %arg10[%add3A_8, %dma_wait3A_100] : memref<10240x128xf32, #tpu.memory_space<vmem_shared>> -> memref<128x128xf32, #tpu.memory_space<vmem_shared>>
      %dma_wait3A_102 = arith.constant 0 : i32
      %dma_wait3A_103 = tpu.memref_slice %arg10[%add3A_8, %dma_wait3A_102] : memref<10240x128xf32, #tpu.memory_space<vmem_shared>> -> memref<128x128xf32, #tpu.memory_space<vmem_shared>>
      tpu.wait_dma2 semaphore(%run_scoped3A_95 : memref<!tpu.dma_semaphore, #tpu.memory_space<semaphore_mem>>) src(%arg8 : memref<128x128xf32, #tpu.memory_space<vmem>>) dst(%dma_wait3A_103 : memref<128x128xf32, #tpu.memory_space<vmem_shared>>)
      tpu.yield
    }) : () -> ()
    %add3A_9 = arith.constant 128 : i32
    %add3A_10 = arith.addi %multiple_of3A, %add3A_9 : i32
    "tpu.region"() ({
      %run_scoped3A_95 = tpu.sem_alloc : memref<!tpu.dma_semaphore, #tpu.memory_space<semaphore_mem>>
      %dma_start3A_96 = arith.constant 0 : i32
      %dma_start3A_97 = tpu.memref_slice %arg10[%add3A_10, %dma_start3A_96] : memref<10240x128xf32, #tpu.memory_space<vmem_shared>> -> memref<128x128xf32, #tpu.memory_space<vmem_shared>>
      %dma_start3A_98 = arith.constant 0 : i32
      %dma_start3A_99 = tpu.memref_slice %arg10[%add3A_10, %dma_start3A_98] : memref<10240x128xf32, #tpu.memory_space<vmem_shared>> -> memref<128x128xf32, #tpu.memory_space<vmem_shared>>
      tpu.enqueue_dma source(%arg8 : memref<128x128xf32, #tpu.memory_space<vmem>>) target(%dma_start3A_99 : memref<128x128xf32, #tpu.memory_space<vmem_shared>>) target_semaphore(%run_scoped3A_95 : memref<!tpu.dma_semaphore, #tpu.memory_space<semaphore_mem>>)
      %dma_wait3A_100 = arith.constant 0 : i32
      %dma_wait3A_101 = tpu.memref_slice %arg10[%add3A_10, %dma_wait3A_100] : memref<10240x128xf32, #tpu.memory_space<vmem_shared>> -> memref<128x128xf32, #tpu.memory_space<vmem_shared>>
      %dma_wait3A_102 = arith.constant 0 : i32
      %dma_wait3A_103 = tpu.memref_slice %arg10[%add3A_10, %dma_wait3A_102] : memref<10240x128xf32, #tpu.memory_space<vmem_shared>> -> memref<128x128xf32, #tpu.memory_space<vmem_shared>>
      tpu.wait_dma2 semaphore(%run_scoped3A_95 : memref<!tpu.dma_semaphore, #tpu.memory_space<semaphore_mem>>) src(%arg8 : memref<128x128xf32, #tpu.memory_space<vmem>>) dst(%dma_wait3A_103 : memref<128x128xf32, #tpu.memory_space<vmem_shared>>)
      tpu.yield
    }) : () -> ()
    %add3A_11 = arith.constant 256 : i32
    %add3A_12 = arith.addi %multiple_of3A, %add3A_11 : i32
    "tpu.region"() ({
      %run_scoped3A_95 = tpu.sem_alloc : memref<!tpu.dma_semaphore, #tpu.memory_space<semaphore_mem>>
      %dma_start3A_96 = arith.constant 0 : i32
      %dma_start3A_97 = tpu.memref_slice %arg10[%add3A_12, %dma_start3A_96] : memref<10240x128xf32, #tpu.memory_space<vmem_shared>> -> memref<128x128xf32, #tpu.memory_space<vmem_shared>>
      %dma_start3A_98 = arith.constant 0 : i32
      %dma_start3A_99 = tpu.memref_slice %arg10[%add3A_12, %dma_start3A_98] : memref<10240x128xf32, #tpu.memory_space<vmem_shared>> -> memref<128x128xf32, #tpu.memory_space<vmem_shared>>
      tpu.enqueue_dma source(%arg8 : memref<128x128xf32, #tpu.memory_space<vmem>>) target(%dma_start3A_99 : memref<128x128xf32, #tpu.memory_space<vmem_shared>>) target_semaphore(%run_scoped3A_95 : memref<!tpu.dma_semaphore, #tpu.memory_space<semaphore_mem>>)
      %dma_wait3A_100 = arith.constant 0 : i32
      %dma_wait3A_101 = tpu.memref_slice %arg10[%add3A_12, %dma_wait3A_100] : memref<10240x128xf32, #tpu.memory_space<vmem_shared>> -> memref<128x128xf32, #tpu.memory_space<vmem_shared>>
      %dma_wait3A_102 = arith.constant 0 : i32
      %dma_wait3A_103 = tpu.memref_slice %arg10[%add3A_12, %dma_wait3A_102] : memref<10240x128xf32, #tpu.memory_space<vmem_shared>> -> memref<128x128xf32, #tpu.memory_space<vmem_shared>>
      tpu.wait_dma2 semaphore(%run_scoped3A_95 : memref<!tpu.dma_semaphore, #tpu.memory_space<semaphore_mem>>) src(%arg8 : memref<128x128xf32, #tpu.memory_space<vmem>>) dst(%dma_wait3A_103 : memref<128x128xf32, #tpu.memory_space<vmem_shared>>)
      tpu.yield
    }) : () -> ()
    %add3A_13 = arith.constant 384 : i32
    %add3A_14 = arith.addi %multiple_of3A, %add3A_13 : i32
    "tpu.region"() ({
      %run_scoped3A_95 = tpu.sem_alloc : memref<!tpu.dma_semaphore, #tpu.memory_space<semaphore_mem>>
      %dma_start3A_96 = arith.constant 0 : i32
      %dma_start3A_97 = tpu.memref_slice %arg10[%add3A_14, %dma_start3A_96] : memref<10240x128xf32, #tpu.memory_space<vmem_shared>> -> memref<128x128xf32, #tpu.memory_space<vmem_shared>>
      %dma_start3A_98 = arith.constant 0 : i32
      %dma_start3A_99 = tpu.memref_slice %arg10[%add3A_14, %dma_start3A_98] : memref<10240x128xf32, #tpu.memory_space<vmem_shared>> -> memref<128x128xf32, #tpu.memory_space<vmem_shared>>
      tpu.enqueue_dma source(%arg8 : memref<128x128xf32, #tpu.memory_space<vmem>>) target(%dma_start3A_99 : memref<128x128xf32, #tpu.memory_space<vmem_shared>>) target_semaphore(%run_scoped3A_95 : memref<!tpu.dma_semaphore, #tpu.memory_space<semaphore_mem>>)
      %dma_wait3A_100 = arith.constant 0 : i32
      %dma_wait3A_101 = tpu.memref_slice %arg10[%add3A_14, %dma_wait3A_100] : memref<10240x128xf32, #tpu.memory_space<vmem_shared>> -> memref<128x128xf32, #tpu.memory_space<vmem_shared>>
      %dma_wait3A_102 = arith.constant 0 : i32
      %dma_wait3A_103 = tpu.memref_slice %arg10[%add3A_14, %dma_wait3A_102] : memref<10240x128xf32, #tpu.memory_space<vmem_shared>> -> memref<128x128xf32, #tpu.memory_space<vmem_shared>>
      tpu.wait_dma2 semaphore(%run_scoped3A_95 : memref<!tpu.dma_semaphore, #tpu.memory_space<semaphore_mem>>) src(%arg8 : memref<128x128xf32, #tpu.memory_space<vmem>>) dst(%dma_wait3A_103 : memref<128x128xf32, #tpu.memory_space<vmem_shared>>)
      tpu.yield
    }) : () -> ()
    %add3A_15 = arith.constant 512 : i32
    %add3A_16 = arith.addi %multiple_of3A, %add3A_15 : i32
    "tpu.region"() ({
      %run_scoped3A_95 = tpu.sem_alloc : memref<!tpu.dma_semaphore, #tpu.memory_space<semaphore_mem>>
      %dma_start3A_96 = arith.constant 0 : i32
      %dma_start3A_97 = tpu.memref_slice %arg10[%add3A_16, %dma_start3A_96] : memref<10240x128xf32, #tpu.memory_space<vmem_shared>> -> memref<128x128xf32, #tpu.memory_space<vmem_shared>>
      %dma_start3A_98 = arith.constant 0 : i32
      %dma_start3A_99 = tpu.memref_slice %arg10[%add3A_16, %dma_start3A_98] : memref<10240x128xf32, #tpu.memory_space<vmem_shared>> -> memref<128x128xf32, #tpu.memory_space<vmem_shared>>
      tpu.enqueue_dma source(%arg8 : memref<128x128xf32, #tpu.memory_space<vmem>>) target(%dma_start3A_99 : memref<128x128xf32, #tpu.memory_space<vmem_shared>>) target_semaphore(%run_scoped3A_95 : memref<!tpu.dma_semaphore, #tpu.memory_space<semaphore_mem>>)
      %dma_wait3A_100 = arith.constant 0 : i32
      %dma_wait3A_101 = tpu.memref_slice %arg10[%add3A_16, %dma_wait3A_100] : memref<10240x128xf32, #tpu.memory_space<vmem_shared>> -> memref<128x128xf32, #tpu.memory_space<vmem_shared>>
      %dma_wait3A_102 = arith.constant 0 : i32
      %dma_wait3A_103 = tpu.memref_slice %arg10[%add3A_16, %dma_wait3A_102] : memref<10240x128xf32, #tpu.memory_space<vmem_shared>> -> memref<128x128xf32, #tpu.memory_space<vmem_shared>>
      tpu.wait_dma2 semaphore(%run_scoped3A_95 : memref<!tpu.dma_semaphore, #tpu.memory_space<semaphore_mem>>) src(%arg8 : memref<128x128xf32, #tpu.memory_space<vmem>>) dst(%dma_wait3A_103 : memref<128x128xf32, #tpu.memory_space<vmem_shared>>)
      tpu.yield
    }) : () -> ()
    %barrier3A = arith.constant 0 : index
    tpu.barrier barrier_id(%barrier3A)
    %mul3A_17 = arith.constant 80 : i32
    %mul3A_18 = arith.muli %add3A, %mul3A_17 : i32
    %add3A_19 = arith.constant 0 : i32
    %add3A_20 = arith.addi %mul3A_18, %add3A_19 : i32
    %multiple_of3A_21 = tpu.assume_multiple %add3A_20, 8 : i32
    "tpu.region"() ({
      %run_scoped3A_95 = tpu.sem_alloc : memref<!tpu.dma_semaphore, #tpu.memory_space<semaphore_mem>>
      %dma_start3A_96 = arith.constant 0 : i32
      %dma_start3A_97 = tpu.memref_slice %arg3[%multiple_of3A_21, %dma_start3A_96] : memref<2560x128xi32, #tpu.memory_space<hbm>> -> memref<40x128xi32, #tpu.memory_space<hbm>>
      %dma_start3A_98 = arith.constant 0 : i32
      %dma_start3A_99 = tpu.memref_slice %arg3[%multiple_of3A_21, %dma_start3A_98] : memref<2560x128xi32, #tpu.memory_space<hbm>> -> memref<40x128xi32, #tpu.memory_space<hbm>>
      tpu.enqueue_dma source(%dma_start3A_99 : memref<40x128xi32, #tpu.memory_space<hbm>>) target(%arg6 : memref<40x128xi32, #tpu.memory_space<vmem>>) target_semaphore(%run_scoped3A_95 : memref<!tpu.dma_semaphore, #tpu.memory_space<semaphore_mem>>)
      %dma_wait3A_100 = arith.constant 0 : i32
      %dma_wait3A_101 = tpu.memref_slice %arg3[%multiple_of3A_21, %dma_wait3A_100] : memref<2560x128xi32, #tpu.memory_space<hbm>> -> memref<40x128xi32, #tpu.memory_space<hbm>>
      %dma_wait3A_102 = arith.constant 0 : i32
      %dma_wait3A_103 = tpu.memref_slice %arg3[%multiple_of3A_21, %dma_wait3A_102] : memref<2560x128xi32, #tpu.memory_space<hbm>> -> memref<40x128xi32, #tpu.memory_space<hbm>>
      tpu.wait_dma2 semaphore(%run_scoped3A_95 : memref<!tpu.dma_semaphore, #tpu.memory_space<semaphore_mem>>) src(%dma_wait3A_103 : memref<40x128xi32, #tpu.memory_space<hbm>>) dst(%arg6 : memref<40x128xi32, #tpu.memory_space<vmem>>)
      tpu.yield
    }) : () -> ()
    "tpu.region"() ({
      %run_scoped3A_95 = tpu.sem_alloc : memref<!tpu.dma_semaphore, #tpu.memory_space<semaphore_mem>>
      %dma_start3A_96 = arith.constant 0 : i32
      %dma_start3A_97 = tpu.memref_slice %arg4[%multiple_of3A_21, %dma_start3A_96] : memref<2560x128xi32, #tpu.memory_space<hbm>> -> memref<40x128xi32, #tpu.memory_space<hbm>>
      %dma_start3A_98 = arith.constant 0 : i32
      %dma_start3A_99 = tpu.memref_slice %arg4[%multiple_of3A_21, %dma_start3A_98] : memref<2560x128xi32, #tpu.memory_space<hbm>> -> memref<40x128xi32, #tpu.memory_space<hbm>>
      tpu.enqueue_dma source(%dma_start3A_99 : memref<40x128xi32, #tpu.memory_space<hbm>>) target(%arg7 : memref<40x128xi32, #tpu.memory_space<vmem>>) target_semaphore(%run_scoped3A_95 : memref<!tpu.dma_semaphore, #tpu.memory_space<semaphore_mem>>)
      %dma_wait3A_100 = arith.constant 0 : i32
      %dma_wait3A_101 = tpu.memref_slice %arg4[%multiple_of3A_21, %dma_wait3A_100] : memref<2560x128xi32, #tpu.memory_space<hbm>> -> memref<40x128xi32, #tpu.memory_space<hbm>>
      %dma_wait3A_102 = arith.constant 0 : i32
      %dma_wait3A_103 = tpu.memref_slice %arg4[%multiple_of3A_21, %dma_wait3A_102] : memref<2560x128xi32, #tpu.memory_space<hbm>> -> memref<40x128xi32, #tpu.memory_space<hbm>>
      tpu.wait_dma2 semaphore(%run_scoped3A_95 : memref<!tpu.dma_semaphore, #tpu.memory_space<semaphore_mem>>) src(%dma_wait3A_103 : memref<40x128xi32, #tpu.memory_space<hbm>>) dst(%arg7 : memref<40x128xi32, #tpu.memory_space<vmem>>)
      tpu.yield
    }) : () -> ()
    %dma_start3A = arith.constant 0 : i32
    %dma_start3A_22 = arith.constant 0 : i32
    %dma_start3A_23 = tpu.memref_slice %arg6[%dma_start3A, %dma_start3A_22] : memref<40x128xi32, #tpu.memory_space<vmem>> -> memref<1x128xi32, #tpu.memory_space<vmem>>
    %dma_start3A_24 = tpu.memref_squeeze %dma_start3A_23 : memref<1x128xi32, #tpu.memory_space<vmem>> -> memref<128xi32, #tpu.memory_space<vmem>>
    %dma_start3A_25 = arith.constant 0 : i32
    %dma_start3A_26 = arith.constant 0 : i32
    %dma_start3A_27 = tpu.memref_slice %arg2[%dma_start3A_25, %dma_start3A_26] : memref<10240x128xf32, #tpu.memory_space<hbm>> -> memref<10240x128xf32, #tpu.memory_space<hbm>>
    tpu.enqueue_indirect_dma source(%dma_start3A_27 : memref<10240x128xf32, #tpu.memory_space<hbm>>) target(%arg8 : memref<128x128xf32, #tpu.memory_space<vmem>>) offsets(%dma_start3A_24 : memref<128xi32, #tpu.memory_space<vmem>>) semaphore(%arg11 : memref<!tpu.dma_semaphore, #tpu.memory_space<semaphore_mem>>)
    %dma_start3A_28 = arith.constant 1 : i32
    %dma_start3A_29 = arith.constant 0 : i32
    %dma_start3A_30 = tpu.memref_slice %arg6[%dma_start3A_28, %dma_start3A_29] : memref<40x128xi32, #tpu.memory_space<vmem>> -> memref<1x128xi32, #tpu.memory_space<vmem>>
    %dma_start3A_31 = tpu.memref_squeeze %dma_start3A_30 : memref<1x128xi32, #tpu.memory_space<vmem>> -> memref<128xi32, #tpu.memory_space<vmem>>
    %dma_start3A_32 = arith.constant 0 : i32
    %dma_start3A_33 = arith.constant 0 : i32
    %dma_start3A_34 = tpu.memref_slice %arg2[%dma_start3A_32, %dma_start3A_33] : memref<10240x128xf32, #tpu.memory_space<hbm>> -> memref<10240x128xf32, #tpu.memory_space<hbm>>
    tpu.enqueue_indirect_dma source(%dma_start3A_34 : memref<10240x128xf32, #tpu.memory_space<hbm>>) target(%arg9 : memref<128x128xf32, #tpu.memory_space<vmem>>) offsets(%dma_start3A_31 : memref<128xi32, #tpu.memory_space<vmem>>) semaphore(%arg12 : memref<!tpu.dma_semaphore, #tpu.memory_space<semaphore_mem>>)
    %scan3A_35 = arith.constant 0 : i32
    %scan3A_36 = arith.constant 19 : i32
    %scan3A_37 = arith.addi %scan3A_35, %scan3A_36 : i32
    %scan3A_38 = arith.constant 1 : i32
    scf.for %scan3A_95 = %scan3A_35 to %scan3A_37 step %scan3A_38  : i32 {
      %mul3A_96 = arith.constant 2 : i32
      %mul3A_97 = arith.muli %scan3A_95, %mul3A_96 : i32
      %add3A_98 = arith.constant 0 : i32
      %add3A_99 = arith.addi %add3A_98, %mul3A_97 : i32
      %add3A_100 = arith.constant 0 : i32
      %add3A_101 = arith.addi %add3A_99, %add3A_100 : i32
      %dma_wait3A_102 = arith.constant 0 : i32
      %dma_wait3A_103 = arith.constant 0 : i32
      %dma_wait3A_104 = tpu.memref_slice %arg6[%dma_wait3A_102, %dma_wait3A_103] : memref<40x128xi32, #tpu.memory_space<vmem>> -> memref<1x128xi32, #tpu.memory_space<vmem>>
      %dma_wait3A_105 = tpu.memref_squeeze %dma_wait3A_104 : memref<1x128xi32, #tpu.memory_space<vmem>> -> memref<128xi32, #tpu.memory_space<vmem>>
      %dma_wait3A_106 = arith.constant 0 : i32
      %dma_wait3A_107 = arith.constant 0 : i32
      %dma_wait3A_108 = tpu.memref_slice %arg2[%dma_wait3A_106, %dma_wait3A_107] : memref<10240x128xf32, #tpu.memory_space<hbm>> -> memref<10240x128xf32, #tpu.memory_space<hbm>>
      tpu.wait_indirect_dma semaphore(%arg11 : memref<!tpu.dma_semaphore, #tpu.memory_space<semaphore_mem>>) src(%dma_wait3A_108 : memref<10240x128xf32, #tpu.memory_space<hbm>>) dst(%arg8 : memref<128x128xf32, #tpu.memory_space<vmem>>)
      "tpu.region"() ({
        %run_scoped3A_134 = tpu.sem_alloc : memref<!tpu.dma_semaphore, #tpu.memory_space<semaphore_mem>>
        %dma_start3A_135 = arith.constant 0 : i32
        %dma_start3A_136 = tpu.memref_slice %arg7[%add3A_101, %dma_start3A_135] : memref<40x128xi32, #tpu.memory_space<vmem>> -> memref<1x128xi32, #tpu.memory_space<vmem>>
        %dma_start3A_137 = tpu.memref_squeeze %dma_start3A_136 : memref<1x128xi32, #tpu.memory_space<vmem>> -> memref<128xi32, #tpu.memory_space<vmem>>
        %dma_start3A_138 = arith.constant 0 : i32
        %dma_start3A_139 = arith.constant 0 : i32
        %dma_start3A_140 = tpu.memref_slice %arg10[%dma_start3A_138, %dma_start3A_139] : memref<10240x128xf32, #tpu.memory_space<vmem_shared>> -> memref<10240x128xf32, #tpu.memory_space<vmem_shared>>
        tpu.enqueue_indirect_dma source(%arg8 : memref<128x128xf32, #tpu.memory_space<vmem>>) target(%dma_start3A_140 : memref<10240x128xf32, #tpu.memory_space<vmem_shared>>) offsets(%dma_start3A_137 : memref<128xi32, #tpu.memory_space<vmem>>) semaphore(%run_scoped3A_134 : memref<!tpu.dma_semaphore, #tpu.memory_space<semaphore_mem>>) {add = true}
        %dma_wait3A_141 = arith.constant 0 : i32
        %dma_wait3A_142 = tpu.memref_slice %arg7[%add3A_101, %dma_wait3A_141] : memref<40x128xi32, #tpu.memory_space<vmem>> -> memref<1x128xi32, #tpu.memory_space<vmem>>
        %dma_wait3A_143 = tpu.memref_squeeze %dma_wait3A_142 : memref<1x128xi32, #tpu.memory_space<vmem>> -> memref<128xi32, #tpu.memory_space<vmem>>
        %dma_wait3A_144 = arith.constant 0 : i32
        %dma_wait3A_145 = arith.constant 0 : i32
        %dma_wait3A_146 = tpu.memref_slice %arg10[%dma_wait3A_144, %dma_wait3A_145] : memref<10240x128xf32, #tpu.memory_space<vmem_shared>> -> memref<10240x128xf32, #tpu.memory_space<vmem_shared>>
        tpu.wait_indirect_dma semaphore(%run_scoped3A_134 : memref<!tpu.dma_semaphore, #tpu.memory_space<semaphore_mem>>) src(%arg8 : memref<128x128xf32, #tpu.memory_space<vmem>>) dst(%dma_wait3A_146 : memref<10240x128xf32, #tpu.memory_space<vmem_shared>>)
        tpu.yield
      }) : () -> ()
      %add3A_109 = arith.constant 2 : i32
      %add3A_110 = arith.addi %add3A_101, %add3A_109 : i32
      %dma_start3A_111 = arith.constant 0 : i32
      %dma_start3A_112 = tpu.memref_slice %arg6[%add3A_110, %dma_start3A_111] : memref<40x128xi32, #tpu.memory_space<vmem>> -> memref<1x128xi32, #tpu.memory_space<vmem>>
      %dma_start3A_113 = tpu.memref_squeeze %dma_start3A_112 : memref<1x128xi32, #tpu.memory_space<vmem>> -> memref<128xi32, #tpu.memory_space<vmem>>
      %dma_start3A_114 = arith.constant 0 : i32
      %dma_start3A_115 = arith.constant 0 : i32
      %dma_start3A_116 = tpu.memref_slice %arg2[%dma_start3A_114, %dma_start3A_115] : memref<10240x128xf32, #tpu.memory_space<hbm>> -> memref<10240x128xf32, #tpu.memory_space<hbm>>
      tpu.enqueue_indirect_dma source(%dma_start3A_116 : memref<10240x128xf32, #tpu.memory_space<hbm>>) target(%arg8 : memref<128x128xf32, #tpu.memory_space<vmem>>) offsets(%dma_start3A_113 : memref<128xi32, #tpu.memory_space<vmem>>) semaphore(%arg11 : memref<!tpu.dma_semaphore, #tpu.memory_space<semaphore_mem>>)
      %add3A_117 = arith.constant 1 : i32
      %add3A_118 = arith.addi %add3A_99, %add3A_117 : i32
      %dma_wait3A_119 = arith.constant 0 : i32
      %dma_wait3A_120 = arith.constant 0 : i32
      %dma_wait3A_121 = tpu.memref_slice %arg6[%dma_wait3A_119, %dma_wait3A_120] : memref<40x128xi32, #tpu.memory_space<vmem>> -> memref<1x128xi32, #tpu.memory_space<vmem>>
      %dma_wait3A_122 = tpu.memref_squeeze %dma_wait3A_121 : memref<1x128xi32, #tpu.memory_space<vmem>> -> memref<128xi32, #tpu.memory_space<vmem>>
      %dma_wait3A_123 = arith.constant 0 : i32
      %dma_wait3A_124 = arith.constant 0 : i32
      %dma_wait3A_125 = tpu.memref_slice %arg2[%dma_wait3A_123, %dma_wait3A_124] : memref<10240x128xf32, #tpu.memory_space<hbm>> -> memref<10240x128xf32, #tpu.memory_space<hbm>>
      tpu.wait_indirect_dma semaphore(%arg12 : memref<!tpu.dma_semaphore, #tpu.memory_space<semaphore_mem>>) src(%dma_wait3A_125 : memref<10240x128xf32, #tpu.memory_space<hbm>>) dst(%arg9 : memref<128x128xf32, #tpu.memory_space<vmem>>)
      "tpu.region"() ({
        %run_scoped3A_134 = tpu.sem_alloc : memref<!tpu.dma_semaphore, #tpu.memory_space<semaphore_mem>>
        %dma_start3A_135 = arith.constant 0 : i32
        %dma_start3A_136 = tpu.memref_slice %arg7[%add3A_118, %dma_start3A_135] : memref<40x128xi32, #tpu.memory_space<vmem>> -> memref<1x128xi32, #tpu.memory_space<vmem>>
        %dma_start3A_137 = tpu.memref_squeeze %dma_start3A_136 : memref<1x128xi32, #tpu.memory_space<vmem>> -> memref<128xi32, #tpu.memory_space<vmem>>
        %dma_start3A_138 = arith.constant 0 : i32
        %dma_start3A_139 = arith.constant 0 : i32
        %dma_start3A_140 = tpu.memref_slice %arg10[%dma_start3A_138, %dma_start3A_139] : memref<10240x128xf32, #tpu.memory_space<vmem_shared>> -> memref<10240x128xf32, #tpu.memory_space<vmem_shared>>
        tpu.enqueue_indirect_dma source(%arg9 : memref<128x128xf32, #tpu.memory_space<vmem>>) target(%dma_start3A_140 : memref<10240x128xf32, #tpu.memory_space<vmem_shared>>) offsets(%dma_start3A_137 : memref<128xi32, #tpu.memory_space<vmem>>) semaphore(%run_scoped3A_134 : memref<!tpu.dma_semaphore, #tpu.memory_space<semaphore_mem>>) {add = true}
        %dma_wait3A_141 = arith.constant 0 : i32
        %dma_wait3A_142 = tpu.memref_slice %arg7[%add3A_118, %dma_wait3A_141] : memref<40x128xi32, #tpu.memory_space<vmem>> -> memref<1x128xi32, #tpu.memory_space<vmem>>
        %dma_wait3A_143 = tpu.memref_squeeze %dma_wait3A_142 : memref<1x128xi32, #tpu.memory_space<vmem>> -> memref<128xi32, #tpu.memory_space<vmem>>
        %dma_wait3A_144 = arith.constant 0 : i32
        %dma_wait3A_145 = arith.constant 0 : i32
        %dma_wait3A_146 = tpu.memref_slice %arg10[%dma_wait3A_144, %dma_wait3A_145] : memref<10240x128xf32, #tpu.memory_space<vmem_shared>> -> memref<10240x128xf32, #tpu.memory_space<vmem_shared>>
        tpu.wait_indirect_dma semaphore(%run_scoped3A_134 : memref<!tpu.dma_semaphore, #tpu.memory_space<semaphore_mem>>) src(%arg9 : memref<128x128xf32, #tpu.memory_space<vmem>>) dst(%dma_wait3A_146 : memref<10240x128xf32, #tpu.memory_space<vmem_shared>>)
        tpu.yield
      }) : () -> ()
      %add3A_126 = arith.constant 2 : i32
      %add3A_127 = arith.addi %add3A_118, %add3A_126 : i32
      %dma_start3A_128 = arith.constant 0 : i32
      %dma_start3A_129 = tpu.memref_slice %arg6[%add3A_127, %dma_start3A_128] : memref<40x128xi32, #tpu.memory_space<vmem>> -> memref<1x128xi32, #tpu.memory_space<vmem>>
      %dma_start3A_130 = tpu.memref_squeeze %dma_start3A_129 : memref<1x128xi32, #tpu.memory_space<vmem>> -> memref<128xi32, #tpu.memory_space<vmem>>
      %dma_start3A_131 = arith.constant 0 : i32
      %dma_start3A_132 = arith.constant 0 : i32
      %dma_start3A_133 = tpu.memref_slice %arg2[%dma_start3A_131, %dma_start3A_132] : memref<10240x128xf32, #tpu.memory_space<hbm>> -> memref<10240x128xf32, #tpu.memory_space<hbm>>
      tpu.enqueue_indirect_dma source(%dma_start3A_133 : memref<10240x128xf32, #tpu.memory_space<hbm>>) target(%arg9 : memref<128x128xf32, #tpu.memory_space<vmem>>) offsets(%dma_start3A_130 : memref<128xi32, #tpu.memory_space<vmem>>) semaphore(%arg12 : memref<!tpu.dma_semaphore, #tpu.memory_space<semaphore_mem>>)
    }
    %scan3A_39 = arith.constant 19 : i32
    %dma_wait3A = arith.constant 0 : i32
    %dma_wait3A_40 = arith.constant 0 : i32
    %dma_wait3A_41 = tpu.memref_slice %arg6[%dma_wait3A, %dma_wait3A_40] : memref<40x128xi32, #tpu.memory_space<vmem>> -> memref<1x128xi32, #tpu.memory_space<vmem>>
    %dma_wait3A_42 = tpu.memref_squeeze %dma_wait3A_41 : memref<1x128xi32, #tpu.memory_space<vmem>> -> memref<128xi32, #tpu.memory_space<vmem>>
    %dma_wait3A_43 = arith.constant 0 : i32
    %dma_wait3A_44 = arith.constant 0 : i32
    %dma_wait3A_45 = tpu.memref_slice %arg2[%dma_wait3A_43, %dma_wait3A_44] : memref<10240x128xf32, #tpu.memory_space<hbm>> -> memref<10240x128xf32, #tpu.memory_space<hbm>>
    tpu.wait_indirect_dma semaphore(%arg11 : memref<!tpu.dma_semaphore, #tpu.memory_space<semaphore_mem>>) src(%dma_wait3A_45 : memref<10240x128xf32, #tpu.memory_space<hbm>>) dst(%arg8 : memref<128x128xf32, #tpu.memory_space<vmem>>)
    %run_scoped3A = arith.constant 38 : i32
    "tpu.region"() ({
      %run_scoped3A_95 = tpu.sem_alloc : memref<!tpu.dma_semaphore, #tpu.memory_space<semaphore_mem>>
      %dma_start3A_96 = arith.constant 0 : i32
      %dma_start3A_97 = tpu.memref_slice %arg7[%run_scoped3A, %dma_start3A_96] : memref<40x128xi32, #tpu.memory_space<vmem>> -> memref<1x128xi32, #tpu.memory_space<vmem>>
      %dma_start3A_98 = tpu.memref_squeeze %dma_start3A_97 : memref<1x128xi32, #tpu.memory_space<vmem>> -> memref<128xi32, #tpu.memory_space<vmem>>
      %dma_start3A_99 = arith.constant 0 : i32
      %dma_start3A_100 = arith.constant 0 : i32
      %dma_start3A_101 = tpu.memref_slice %arg10[%dma_start3A_99, %dma_start3A_100] : memref<10240x128xf32, #tpu.memory_space<vmem_shared>> -> memref<10240x128xf32, #tpu.memory_space<vmem_shared>>
      tpu.enqueue_indirect_dma source(%arg8 : memref<128x128xf32, #tpu.memory_space<vmem>>) target(%dma_start3A_101 : memref<10240x128xf32, #tpu.memory_space<vmem_shared>>) offsets(%dma_start3A_98 : memref<128xi32, #tpu.memory_space<vmem>>) semaphore(%run_scoped3A_95 : memref<!tpu.dma_semaphore, #tpu.memory_space<semaphore_mem>>) {add = true}
      %dma_wait3A_102 = arith.constant 0 : i32
      %dma_wait3A_103 = tpu.memref_slice %arg7[%run_scoped3A, %dma_wait3A_102] : memref<40x128xi32, #tpu.memory_space<vmem>> -> memref<1x128xi32, #tpu.memory_space<vmem>>
      %dma_wait3A_104 = tpu.memref_squeeze %dma_wait3A_103 : memref<1x128xi32, #tpu.memory_space<vmem>> -> memref<128xi32, #tpu.memory_space<vmem>>
      %dma_wait3A_105 = arith.constant 0 : i32
      %dma_wait3A_106 = arith.constant 0 : i32
      %dma_wait3A_107 = tpu.memref_slice %arg10[%dma_wait3A_105, %dma_wait3A_106] : memref<10240x128xf32, #tpu.memory_space<vmem_shared>> -> memref<10240x128xf32, #tpu.memory_space<vmem_shared>>
      tpu.wait_indirect_dma semaphore(%run_scoped3A_95 : memref<!tpu.dma_semaphore, #tpu.memory_space<semaphore_mem>>) src(%arg8 : memref<128x128xf32, #tpu.memory_space<vmem>>) dst(%dma_wait3A_107 : memref<10240x128xf32, #tpu.memory_space<vmem_shared>>)
      tpu.yield
    }) : () -> ()
    %dma_wait3A_46 = arith.constant 0 : i32
    %dma_wait3A_47 = arith.constant 0 : i32
    %dma_wait3A_48 = tpu.memref_slice %arg6[%dma_wait3A_46, %dma_wait3A_47] : memref<40x128xi32, #tpu.memory_space<vmem>> -> memref<1x128xi32, #tpu.memory_space<vmem>>
    %dma_wait3A_49 = tpu.memref_squeeze %dma_wait3A_48 : memref<1x128xi32, #tpu.memory_space<vmem>> -> memref<128xi32, #tpu.memory_space<vmem>>
    %dma_wait3A_50 = arith.constant 0 : i32
    %dma_wait3A_51 = arith.constant 0 : i32
    %dma_wait3A_52 = tpu.memref_slice %arg2[%dma_wait3A_50, %dma_wait3A_51] : memref<10240x128xf32, #tpu.memory_space<hbm>> -> memref<10240x128xf32, #tpu.memory_space<hbm>>
    tpu.wait_indirect_dma semaphore(%arg12 : memref<!tpu.dma_semaphore, #tpu.memory_space<semaphore_mem>>) src(%dma_wait3A_52 : memref<10240x128xf32, #tpu.memory_space<hbm>>) dst(%arg9 : memref<128x128xf32, #tpu.memory_space<vmem>>)
    %run_scoped3A_53 = arith.constant 39 : i32
    "tpu.region"() ({
      %run_scoped3A_95 = tpu.sem_alloc : memref<!tpu.dma_semaphore, #tpu.memory_space<semaphore_mem>>
      %dma_start3A_96 = arith.constant 0 : i32
      %dma_start3A_97 = tpu.memref_slice %arg7[%run_scoped3A_53, %dma_start3A_96] : memref<40x128xi32, #tpu.memory_space<vmem>> -> memref<1x128xi32, #tpu.memory_space<vmem>>
      %dma_start3A_98 = tpu.memref_squeeze %dma_start3A_97 : memref<1x128xi32, #tpu.memory_space<vmem>> -> memref<128xi32, #tpu.memory_space<vmem>>
      %dma_start3A_99 = arith.constant 0 : i32
      %dma_start3A_100 = arith.constant 0 : i32
      %dma_start3A_101 = tpu.memref_slice %arg10[%dma_start3A_99, %dma_start3A_100] : memref<10240x128xf32, #tpu.memory_space<vmem_shared>> -> memref<10240x128xf32, #tpu.memory_space<vmem_shared>>
      tpu.enqueue_indirect_dma source(%arg9 : memref<128x128xf32, #tpu.memory_space<vmem>>) target(%dma_start3A_101 : memref<10240x128xf32, #tpu.memory_space<vmem_shared>>) offsets(%dma_start3A_98 : memref<128xi32, #tpu.memory_space<vmem>>) semaphore(%run_scoped3A_95 : memref<!tpu.dma_semaphore, #tpu.memory_space<semaphore_mem>>) {add = true}
      %dma_wait3A_102 = arith.constant 0 : i32
      %dma_wait3A_103 = tpu.memref_slice %arg7[%run_scoped3A_53, %dma_wait3A_102] : memref<40x128xi32, #tpu.memory_space<vmem>> -> memref<1x128xi32, #tpu.memory_space<vmem>>
      %dma_wait3A_104 = tpu.memref_squeeze %dma_wait3A_103 : memref<1x128xi32, #tpu.memory_space<vmem>> -> memref<128xi32, #tpu.memory_space<vmem>>
      %dma_wait3A_105 = arith.constant 0 : i32
      %dma_wait3A_106 = arith.constant 0 : i32
      %dma_wait3A_107 = tpu.memref_slice %arg10[%dma_wait3A_105, %dma_wait3A_106] : memref<10240x128xf32, #tpu.memory_space<vmem_shared>> -> memref<10240x128xf32, #tpu.memory_space<vmem_shared>>
      tpu.wait_indirect_dma semaphore(%run_scoped3A_95 : memref<!tpu.dma_semaphore, #tpu.memory_space<semaphore_mem>>) src(%arg9 : memref<128x128xf32, #tpu.memory_space<vmem>>) dst(%dma_wait3A_107 : memref<10240x128xf32, #tpu.memory_space<vmem_shared>>)
      tpu.yield
    }) : () -> ()
    %mul3A_54 = arith.constant 80 : i32
    %mul3A_55 = arith.muli %add3A, %mul3A_54 : i32
    %add3A_56 = arith.constant 40 : i32
    %add3A_57 = arith.addi %mul3A_55, %add3A_56 : i32
    %multiple_of3A_58 = tpu.assume_multiple %add3A_57, 8 : i32
    "tpu.region"() ({
      %run_scoped3A_95 = tpu.sem_alloc : memref<!tpu.dma_semaphore, #tpu.memory_space<semaphore_mem>>
      %dma_start3A_96 = arith.constant 0 : i32
      %dma_start3A_97 = tpu.memref_slice %arg3[%multiple_of3A_58, %dma_start3A_96] : memref<2560x128xi32, #tpu.memory_space<hbm>> -> memref<40x128xi32, #tpu.memory_space<hbm>>
      %dma_start3A_98 = arith.constant 0 : i32
      %dma_start3A_99 = tpu.memref_slice %arg3[%multiple_of3A_58, %dma_start3A_98] : memref<2560x128xi32, #tpu.memory_space<hbm>> -> memref<40x128xi32, #tpu.memory_space<hbm>>
      tpu.enqueue_dma source(%dma_start3A_99 : memref<40x128xi32, #tpu.memory_space<hbm>>) target(%arg6 : memref<40x128xi32, #tpu.memory_space<vmem>>) target_semaphore(%run_scoped3A_95 : memref<!tpu.dma_semaphore, #tpu.memory_space<semaphore_mem>>)
      %dma_wait3A_100 = arith.constant 0 : i32
      %dma_wait3A_101 = tpu.memref_slice %arg3[%multiple_of3A_58, %dma_wait3A_100] : memref<2560x128xi32, #tpu.memory_space<hbm>> -> memref<40x128xi32, #tpu.memory_space<hbm>>
      %dma_wait3A_102 = arith.constant 0 : i32
      %dma_wait3A_103 = tpu.memref_slice %arg3[%multiple_of3A_58, %dma_wait3A_102] : memref<2560x128xi32, #tpu.memory_space<hbm>> -> memref<40x128xi32, #tpu.memory_space<hbm>>
      tpu.wait_dma2 semaphore(%run_scoped3A_95 : memref<!tpu.dma_semaphore, #tpu.memory_space<semaphore_mem>>) src(%dma_wait3A_103 : memref<40x128xi32, #tpu.memory_space<hbm>>) dst(%arg6 : memref<40x128xi32, #tpu.memory_space<vmem>>)
      tpu.yield
    }) : () -> ()
    "tpu.region"() ({
      %run_scoped3A_95 = tpu.sem_alloc : memref<!tpu.dma_semaphore, #tpu.memory_space<semaphore_mem>>
      %dma_start3A_96 = arith.constant 0 : i32
      %dma_start3A_97 = tpu.memref_slice %arg4[%multiple_of3A_58, %dma_start3A_96] : memref<2560x128xi32, #tpu.memory_space<hbm>> -> memref<40x128xi32, #tpu.memory_space<hbm>>
      %dma_start3A_98 = arith.constant 0 : i32
      %dma_start3A_99 = tpu.memref_slice %arg4[%multiple_of3A_58, %dma_start3A_98] : memref<2560x128xi32, #tpu.memory_space<hbm>> -> memref<40x128xi32, #tpu.memory_space<hbm>>
      tpu.enqueue_dma source(%dma_start3A_99 : memref<40x128xi32, #tpu.memory_space<hbm>>) target(%arg7 : memref<40x128xi32, #tpu.memory_space<vmem>>) target_semaphore(%run_scoped3A_95 : memref<!tpu.dma_semaphore, #tpu.memory_space<semaphore_mem>>)
      %dma_wait3A_100 = arith.constant 0 : i32
      %dma_wait3A_101 = tpu.memref_slice %arg4[%multiple_of3A_58, %dma_wait3A_100] : memref<2560x128xi32, #tpu.memory_space<hbm>> -> memref<40x128xi32, #tpu.memory_space<hbm>>
      %dma_wait3A_102 = arith.constant 0 : i32
      %dma_wait3A_103 = tpu.memref_slice %arg4[%multiple_of3A_58, %dma_wait3A_102] : memref<2560x128xi32, #tpu.memory_space<hbm>> -> memref<40x128xi32, #tpu.memory_space<hbm>>
      tpu.wait_dma2 semaphore(%run_scoped3A_95 : memref<!tpu.dma_semaphore, #tpu.memory_space<semaphore_mem>>) src(%dma_wait3A_103 : memref<40x128xi32, #tpu.memory_space<hbm>>) dst(%arg7 : memref<40x128xi32, #tpu.memory_space<vmem>>)
      tpu.yield
    }) : () -> ()
    %dma_start3A_59 = arith.constant 0 : i32
    %dma_start3A_60 = arith.constant 0 : i32
    %dma_start3A_61 = tpu.memref_slice %arg6[%dma_start3A_59, %dma_start3A_60] : memref<40x128xi32, #tpu.memory_space<vmem>> -> memref<1x128xi32, #tpu.memory_space<vmem>>
    %dma_start3A_62 = tpu.memref_squeeze %dma_start3A_61 : memref<1x128xi32, #tpu.memory_space<vmem>> -> memref<128xi32, #tpu.memory_space<vmem>>
    %dma_start3A_63 = arith.constant 0 : i32
    %dma_start3A_64 = arith.constant 0 : i32
    %dma_start3A_65 = tpu.memref_slice %arg2[%dma_start3A_63, %dma_start3A_64] : memref<10240x128xf32, #tpu.memory_space<hbm>> -> memref<10240x128xf32, #tpu.memory_space<hbm>>
    tpu.enqueue_indirect_dma source(%dma_start3A_65 : memref<10240x128xf32, #tpu.memory_space<hbm>>) target(%arg8 : memref<128x128xf32, #tpu.memory_space<vmem>>) offsets(%dma_start3A_62 : memref<128xi32, #tpu.memory_space<vmem>>) semaphore(%arg11 : memref<!tpu.dma_semaphore, #tpu.memory_space<semaphore_mem>>)
    %dma_start3A_66 = arith.constant 1 : i32
    %dma_start3A_67 = arith.constant 0 : i32
    %dma_start3A_68 = tpu.memref_slice %arg6[%dma_start3A_66, %dma_start3A_67] : memref<40x128xi32, #tpu.memory_space<vmem>> -> memref<1x128xi32, #tpu.memory_space<vmem>>
    %dma_start3A_69 = tpu.memref_squeeze %dma_start3A_68 : memref<1x128xi32, #tpu.memory_space<vmem>> -> memref<128xi32, #tpu.memory_space<vmem>>
    %dma_start3A_70 = arith.constant 0 : i32
    %dma_start3A_71 = arith.constant 0 : i32
    %dma_start3A_72 = tpu.memref_slice %arg2[%dma_start3A_70, %dma_start3A_71] : memref<10240x128xf32, #tpu.memory_space<hbm>> -> memref<10240x128xf32, #tpu.memory_space<hbm>>
    tpu.enqueue_indirect_dma source(%dma_start3A_72 : memref<10240x128xf32, #tpu.memory_space<hbm>>) target(%arg9 : memref<128x128xf32, #tpu.memory_space<vmem>>) offsets(%dma_start3A_69 : memref<128xi32, #tpu.memory_space<vmem>>) semaphore(%arg12 : memref<!tpu.dma_semaphore, #tpu.memory_space<semaphore_mem>>)
    %scan3A_73 = arith.constant 0 : i32
    %scan3A_74 = arith.constant 19 : i32
    %scan3A_75 = arith.addi %scan3A_73, %scan3A_74 : i32
    %scan3A_76 = arith.constant 1 : i32
    scf.for %scan3A_95 = %scan3A_73 to %scan3A_75 step %scan3A_76  : i32 {
      %mul3A_96 = arith.constant 2 : i32
      %mul3A_97 = arith.muli %scan3A_95, %mul3A_96 : i32
      %add3A_98 = arith.constant 0 : i32
      %add3A_99 = arith.addi %add3A_98, %mul3A_97 : i32
      %add3A_100 = arith.constant 0 : i32
      %add3A_101 = arith.addi %add3A_99, %add3A_100 : i32
      %dma_wait3A_102 = arith.constant 0 : i32
      %dma_wait3A_103 = arith.constant 0 : i32
      %dma_wait3A_104 = tpu.memref_slice %arg6[%dma_wait3A_102, %dma_wait3A_103] : memref<40x128xi32, #tpu.memory_space<vmem>> -> memref<1x128xi32, #tpu.memory_space<vmem>>
      %dma_wait3A_105 = tpu.memref_squeeze %dma_wait3A_104 : memref<1x128xi32, #tpu.memory_space<vmem>> -> memref<128xi32, #tpu.memory_space<vmem>>
      %dma_wait3A_106 = arith.constant 0 : i32
      %dma_wait3A_107 = arith.constant 0 : i32
      %dma_wait3A_108 = tpu.memref_slice %arg2[%dma_wait3A_106, %dma_wait3A_107] : memref<10240x128xf32, #tpu.memory_space<hbm>> -> memref<10240x128xf32, #tpu.memory_space<hbm>>
      tpu.wait_indirect_dma semaphore(%arg11 : memref<!tpu.dma_semaphore, #tpu.memory_space<semaphore_mem>>) src(%dma_wait3A_108 : memref<10240x128xf32, #tpu.memory_space<hbm>>) dst(%arg8 : memref<128x128xf32, #tpu.memory_space<vmem>>)
      "tpu.region"() ({
        %run_scoped3A_134 = tpu.sem_alloc : memref<!tpu.dma_semaphore, #tpu.memory_space<semaphore_mem>>
        %dma_start3A_135 = arith.constant 0 : i32
        %dma_start3A_136 = tpu.memref_slice %arg7[%add3A_101, %dma_start3A_135] : memref<40x128xi32, #tpu.memory_space<vmem>> -> memref<1x128xi32, #tpu.memory_space<vmem>>
        %dma_start3A_137 = tpu.memref_squeeze %dma_start3A_136 : memref<1x128xi32, #tpu.memory_space<vmem>> -> memref<128xi32, #tpu.memory_space<vmem>>
        %dma_start3A_138 = arith.constant 0 : i32
        %dma_start3A_139 = arith.constant 0 : i32
        %dma_start3A_140 = tpu.memref_slice %arg10[%dma_start3A_138, %dma_start3A_139] : memref<10240x128xf32, #tpu.memory_space<vmem_shared>> -> memref<10240x128xf32, #tpu.memory_space<vmem_shared>>
        tpu.enqueue_indirect_dma source(%arg8 : memref<128x128xf32, #tpu.memory_space<vmem>>) target(%dma_start3A_140 : memref<10240x128xf32, #tpu.memory_space<vmem_shared>>) offsets(%dma_start3A_137 : memref<128xi32, #tpu.memory_space<vmem>>) semaphore(%run_scoped3A_134 : memref<!tpu.dma_semaphore, #tpu.memory_space<semaphore_mem>>) {add = true}
        %dma_wait3A_141 = arith.constant 0 : i32
        %dma_wait3A_142 = tpu.memref_slice %arg7[%add3A_101, %dma_wait3A_141] : memref<40x128xi32, #tpu.memory_space<vmem>> -> memref<1x128xi32, #tpu.memory_space<vmem>>
        %dma_wait3A_143 = tpu.memref_squeeze %dma_wait3A_142 : memref<1x128xi32, #tpu.memory_space<vmem>> -> memref<128xi32, #tpu.memory_space<vmem>>
        %dma_wait3A_144 = arith.constant 0 : i32
        %dma_wait3A_145 = arith.constant 0 : i32
        %dma_wait3A_146 = tpu.memref_slice %arg10[%dma_wait3A_144, %dma_wait3A_145] : memref<10240x128xf32, #tpu.memory_space<vmem_shared>> -> memref<10240x128xf32, #tpu.memory_space<vmem_shared>>
        tpu.wait_indirect_dma semaphore(%run_scoped3A_134 : memref<!tpu.dma_semaphore, #tpu.memory_space<semaphore_mem>>) src(%arg8 : memref<128x128xf32, #tpu.memory_space<vmem>>) dst(%dma_wait3A_146 : memref<10240x128xf32, #tpu.memory_space<vmem_shared>>)
        tpu.yield
      }) : () -> ()
      %add3A_109 = arith.constant 2 : i32
      %add3A_110 = arith.addi %add3A_101, %add3A_109 : i32
      %dma_start3A_111 = arith.constant 0 : i32
      %dma_start3A_112 = tpu.memref_slice %arg6[%add3A_110, %dma_start3A_111] : memref<40x128xi32, #tpu.memory_space<vmem>> -> memref<1x128xi32, #tpu.memory_space<vmem>>
      %dma_start3A_113 = tpu.memref_squeeze %dma_start3A_112 : memref<1x128xi32, #tpu.memory_space<vmem>> -> memref<128xi32, #tpu.memory_space<vmem>>
      %dma_start3A_114 = arith.constant 0 : i32
      %dma_start3A_115 = arith.constant 0 : i32
      %dma_start3A_116 = tpu.memref_slice %arg2[%dma_start3A_114, %dma_start3A_115] : memref<10240x128xf32, #tpu.memory_space<hbm>> -> memref<10240x128xf32, #tpu.memory_space<hbm>>
      tpu.enqueue_indirect_dma source(%dma_start3A_116 : memref<10240x128xf32, #tpu.memory_space<hbm>>) target(%arg8 : memref<128x128xf32, #tpu.memory_space<vmem>>) offsets(%dma_start3A_113 : memref<128xi32, #tpu.memory_space<vmem>>) semaphore(%arg11 : memref<!tpu.dma_semaphore, #tpu.memory_space<semaphore_mem>>)
      %add3A_117 = arith.constant 1 : i32
      %add3A_118 = arith.addi %add3A_99, %add3A_117 : i32
      %dma_wait3A_119 = arith.constant 0 : i32
      %dma_wait3A_120 = arith.constant 0 : i32
      %dma_wait3A_121 = tpu.memref_slice %arg6[%dma_wait3A_119, %dma_wait3A_120] : memref<40x128xi32, #tpu.memory_space<vmem>> -> memref<1x128xi32, #tpu.memory_space<vmem>>
      %dma_wait3A_122 = tpu.memref_squeeze %dma_wait3A_121 : memref<1x128xi32, #tpu.memory_space<vmem>> -> memref<128xi32, #tpu.memory_space<vmem>>
      %dma_wait3A_123 = arith.constant 0 : i32
      %dma_wait3A_124 = arith.constant 0 : i32
      %dma_wait3A_125 = tpu.memref_slice %arg2[%dma_wait3A_123, %dma_wait3A_124] : memref<10240x128xf32, #tpu.memory_space<hbm>> -> memref<10240x128xf32, #tpu.memory_space<hbm>>
      tpu.wait_indirect_dma semaphore(%arg12 : memref<!tpu.dma_semaphore, #tpu.memory_space<semaphore_mem>>) src(%dma_wait3A_125 : memref<10240x128xf32, #tpu.memory_space<hbm>>) dst(%arg9 : memref<128x128xf32, #tpu.memory_space<vmem>>)
      "tpu.region"() ({
        %run_scoped3A_134 = tpu.sem_alloc : memref<!tpu.dma_semaphore, #tpu.memory_space<semaphore_mem>>
        %dma_start3A_135 = arith.constant 0 : i32
        %dma_start3A_136 = tpu.memref_slice %arg7[%add3A_118, %dma_start3A_135] : memref<40x128xi32, #tpu.memory_space<vmem>> -> memref<1x128xi32, #tpu.memory_space<vmem>>
        %dma_start3A_137 = tpu.memref_squeeze %dma_start3A_136 : memref<1x128xi32, #tpu.memory_space<vmem>> -> memref<128xi32, #tpu.memory_space<vmem>>
        %dma_start3A_138 = arith.constant 0 : i32
        %dma_start3A_139 = arith.constant 0 : i32
        %dma_start3A_140 = tpu.memref_slice %arg10[%dma_start3A_138, %dma_start3A_139] : memref<10240x128xf32, #tpu.memory_space<vmem_shared>> -> memref<10240x128xf32, #tpu.memory_space<vmem_shared>>
        tpu.enqueue_indirect_dma source(%arg9 : memref<128x128xf32, #tpu.memory_space<vmem>>) target(%dma_start3A_140 : memref<10240x128xf32, #tpu.memory_space<vmem_shared>>) offsets(%dma_start3A_137 : memref<128xi32, #tpu.memory_space<vmem>>) semaphore(%run_scoped3A_134 : memref<!tpu.dma_semaphore, #tpu.memory_space<semaphore_mem>>) {add = true}
        %dma_wait3A_141 = arith.constant 0 : i32
        %dma_wait3A_142 = tpu.memref_slice %arg7[%add3A_118, %dma_wait3A_141] : memref<40x128xi32, #tpu.memory_space<vmem>> -> memref<1x128xi32, #tpu.memory_space<vmem>>
        %dma_wait3A_143 = tpu.memref_squeeze %dma_wait3A_142 : memref<1x128xi32, #tpu.memory_space<vmem>> -> memref<128xi32, #tpu.memory_space<vmem>>
        %dma_wait3A_144 = arith.constant 0 : i32
        %dma_wait3A_145 = arith.constant 0 : i32
        %dma_wait3A_146 = tpu.memref_slice %arg10[%dma_wait3A_144, %dma_wait3A_145] : memref<10240x128xf32, #tpu.memory_space<vmem_shared>> -> memref<10240x128xf32, #tpu.memory_space<vmem_shared>>
        tpu.wait_indirect_dma semaphore(%run_scoped3A_134 : memref<!tpu.dma_semaphore, #tpu.memory_space<semaphore_mem>>) src(%arg9 : memref<128x128xf32, #tpu.memory_space<vmem>>) dst(%dma_wait3A_146 : memref<10240x128xf32, #tpu.memory_space<vmem_shared>>)
        tpu.yield
      }) : () -> ()
      %add3A_126 = arith.constant 2 : i32
      %add3A_127 = arith.addi %add3A_118, %add3A_126 : i32
      %dma_start3A_128 = arith.constant 0 : i32
      %dma_start3A_129 = tpu.memref_slice %arg6[%add3A_127, %dma_start3A_128] : memref<40x128xi32, #tpu.memory_space<vmem>> -> memref<1x128xi32, #tpu.memory_space<vmem>>
      %dma_start3A_130 = tpu.memref_squeeze %dma_start3A_129 : memref<1x128xi32, #tpu.memory_space<vmem>> -> memref<128xi32, #tpu.memory_space<vmem>>
      %dma_start3A_131 = arith.constant 0 : i32
      %dma_start3A_132 = arith.constant 0 : i32
      %dma_start3A_133 = tpu.memref_slice %arg2[%dma_start3A_131, %dma_start3A_132] : memref<10240x128xf32, #tpu.memory_space<hbm>> -> memref<10240x128xf32, #tpu.memory_space<hbm>>
      tpu.enqueue_indirect_dma source(%dma_start3A_133 : memref<10240x128xf32, #tpu.memory_space<hbm>>) target(%arg9 : memref<128x128xf32, #tpu.memory_space<vmem>>) offsets(%dma_start3A_130 : memref<128xi32, #tpu.memory_space<vmem>>) semaphore(%arg12 : memref<!tpu.dma_semaphore, #tpu.memory_space<semaphore_mem>>)
    }
    %scan3A_77 = arith.constant 19 : i32
    %dma_wait3A_78 = arith.constant 0 : i32
    %dma_wait3A_79 = arith.constant 0 : i32
    %dma_wait3A_80 = tpu.memref_slice %arg6[%dma_wait3A_78, %dma_wait3A_79] : memref<40x128xi32, #tpu.memory_space<vmem>> -> memref<1x128xi32, #tpu.memory_space<vmem>>
    %dma_wait3A_81 = tpu.memref_squeeze %dma_wait3A_80 : memref<1x128xi32, #tpu.memory_space<vmem>> -> memref<128xi32, #tpu.memory_space<vmem>>
    %dma_wait3A_82 = arith.constant 0 : i32
    %dma_wait3A_83 = arith.constant 0 : i32
    %dma_wait3A_84 = tpu.memref_slice %arg2[%dma_wait3A_82, %dma_wait3A_83] : memref<10240x128xf32, #tpu.memory_space<hbm>> -> memref<10240x128xf32, #tpu.memory_space<hbm>>
    tpu.wait_indirect_dma semaphore(%arg11 : memref<!tpu.dma_semaphore, #tpu.memory_space<semaphore_mem>>) src(%dma_wait3A_84 : memref<10240x128xf32, #tpu.memory_space<hbm>>) dst(%arg8 : memref<128x128xf32, #tpu.memory_space<vmem>>)
    %run_scoped3A_85 = arith.constant 38 : i32
    "tpu.region"() ({
      %run_scoped3A_95 = tpu.sem_alloc : memref<!tpu.dma_semaphore, #tpu.memory_space<semaphore_mem>>
      %dma_start3A_96 = arith.constant 0 : i32
      %dma_start3A_97 = tpu.memref_slice %arg7[%run_scoped3A_85, %dma_start3A_96] : memref<40x128xi32, #tpu.memory_space<vmem>> -> memref<1x128xi32, #tpu.memory_space<vmem>>
      %dma_start3A_98 = tpu.memref_squeeze %dma_start3A_97 : memref<1x128xi32, #tpu.memory_space<vmem>> -> memref<128xi32, #tpu.memory_space<vmem>>
      %dma_start3A_99 = arith.constant 0 : i32
      %dma_start3A_100 = arith.constant 0 : i32
      %dma_start3A_101 = tpu.memref_slice %arg10[%dma_start3A_99, %dma_start3A_100] : memref<10240x128xf32, #tpu.memory_space<vmem_shared>> -> memref<10240x128xf32, #tpu.memory_space<vmem_shared>>
      tpu.enqueue_indirect_dma source(%arg8 : memref<128x128xf32, #tpu.memory_space<vmem>>) target(%dma_start3A_101 : memref<10240x128xf32, #tpu.memory_space<vmem_shared>>) offsets(%dma_start3A_98 : memref<128xi32, #tpu.memory_space<vmem>>) semaphore(%run_scoped3A_95 : memref<!tpu.dma_semaphore, #tpu.memory_space<semaphore_mem>>) {add = true}
      %dma_wait3A_102 = arith.constant 0 : i32
      %dma_wait3A_103 = tpu.memref_slice %arg7[%run_scoped3A_85, %dma_wait3A_102] : memref<40x128xi32, #tpu.memory_space<vmem>> -> memref<1x128xi32, #tpu.memory_space<vmem>>
      %dma_wait3A_104 = tpu.memref_squeeze %dma_wait3A_103 : memref<1x128xi32, #tpu.memory_space<vmem>> -> memref<128xi32, #tpu.memory_space<vmem>>
      %dma_wait3A_105 = arith.constant 0 : i32
      %dma_wait3A_106 = arith.constant 0 : i32
      %dma_wait3A_107 = tpu.memref_slice %arg10[%dma_wait3A_105, %dma_wait3A_106] : memref<10240x128xf32, #tpu.memory_space<vmem_shared>> -> memref<10240x128xf32, #tpu.memory_space<vmem_shared>>
      tpu.wait_indirect_dma semaphore(%run_scoped3A_95 : memref<!tpu.dma_semaphore, #tpu.memory_space<semaphore_mem>>) src(%arg8 : memref<128x128xf32, #tpu.memory_space<vmem>>) dst(%dma_wait3A_107 : memref<10240x128xf32, #tpu.memory_space<vmem_shared>>)
      tpu.yield
    }) : () -> ()
    %dma_wait3A_86 = arith.constant 0 : i32
    %dma_wait3A_87 = arith.constant 0 : i32
    %dma_wait3A_88 = tpu.memref_slice %arg6[%dma_wait3A_86, %dma_wait3A_87] : memref<40x128xi32, #tpu.memory_space<vmem>> -> memref<1x128xi32, #tpu.memory_space<vmem>>
    %dma_wait3A_89 = tpu.memref_squeeze %dma_wait3A_88 : memref<1x128xi32, #tpu.memory_space<vmem>> -> memref<128xi32, #tpu.memory_space<vmem>>
    %dma_wait3A_90 = arith.constant 0 : i32
    %dma_wait3A_91 = arith.constant 0 : i32
    %dma_wait3A_92 = tpu.memref_slice %arg2[%dma_wait3A_90, %dma_wait3A_91] : memref<10240x128xf32, #tpu.memory_space<hbm>> -> memref<10240x128xf32, #tpu.memory_space<hbm>>
    tpu.wait_indirect_dma semaphore(%arg12 : memref<!tpu.dma_semaphore, #tpu.memory_space<semaphore_mem>>) src(%dma_wait3A_92 : memref<10240x128xf32, #tpu.memory_space<hbm>>) dst(%arg9 : memref<128x128xf32, #tpu.memory_space<vmem>>)
    %run_scoped3A_93 = arith.constant 39 : i32
    "tpu.region"() ({
      %run_scoped3A_95 = tpu.sem_alloc : memref<!tpu.dma_semaphore, #tpu.memory_space<semaphore_mem>>
      %dma_start3A_96 = arith.constant 0 : i32
      %dma_start3A_97 = tpu.memref_slice %arg7[%run_scoped3A_93, %dma_start3A_96] : memref<40x128xi32, #tpu.memory_space<vmem>> -> memref<1x128xi32, #tpu.memory_space<vmem>>
      %dma_start3A_98 = tpu.memref_squeeze %dma_start3A_97 : memref<1x128xi32, #tpu.memory_space<vmem>> -> memref<128xi32, #tpu.memory_space<vmem>>
      %dma_start3A_99 = arith.constant 0 : i32
      %dma_start3A_100 = arith.constant 0 : i32
      %dma_start3A_101 = tpu.memref_slice %arg10[%dma_start3A_99, %dma_start3A_100] : memref<10240x128xf32, #tpu.memory_space<vmem_shared>> -> memref<10240x128xf32, #tpu.memory_space<vmem_shared>>
      tpu.enqueue_indirect_dma source(%arg9 : memref<128x128xf32, #tpu.memory_space<vmem>>) target(%dma_start3A_101 : memref<10240x128xf32, #tpu.memory_space<vmem_shared>>) offsets(%dma_start3A_98 : memref<128xi32, #tpu.memory_space<vmem>>) semaphore(%run_scoped3A_95 : memref<!tpu.dma_semaphore, #tpu.memory_space<semaphore_mem>>) {add = true}
      %dma_wait3A_102 = arith.constant 0 : i32
      %dma_wait3A_103 = tpu.memref_slice %arg7[%run_scoped3A_93, %dma_wait3A_102] : memref<40x128xi32, #tpu.memory_space<vmem>> -> memref<1x128xi32, #tpu.memory_space<vmem>>
      %dma_wait3A_104 = tpu.memref_squeeze %dma_wait3A_103 : memref<1x128xi32, #tpu.memory_space<vmem>> -> memref<128xi32, #tpu.memory_space<vmem>>
      %dma_wait3A_105 = arith.constant 0 : i32
      %dma_wait3A_106 = arith.constant 0 : i32
      %dma_wait3A_107 = tpu.memref_slice %arg10[%dma_wait3A_105, %dma_wait3A_106] : memref<10240x128xf32, #tpu.memory_space<vmem_shared>> -> memref<10240x128xf32, #tpu.memory_space<vmem_shared>>
      tpu.wait_indirect_dma semaphore(%run_scoped3A_95 : memref<!tpu.dma_semaphore, #tpu.memory_space<semaphore_mem>>) src(%arg9 : memref<128x128xf32, #tpu.memory_space<vmem>>) dst(%dma_wait3A_107 : memref<10240x128xf32, #tpu.memory_space<vmem_shared>>)
      tpu.yield
    }) : () -> ()
    %barrier3A_94 = arith.constant 0 : index
    tpu.barrier barrier_id(%barrier3A_94)
    "tpu.region"() ({
      %run_scoped3A_95 = tpu.sem_alloc : memref<!tpu.dma_semaphore, #tpu.memory_space<semaphore_mem>>
      %dma_start3A_96 = arith.constant 0 : i32
      %dma_start3A_97 = tpu.memref_slice %arg5[%arg0, %multiple_of3A, %dma_start3A_96] : memref<2x10240x128xf32, #tpu.memory_space<hbm>> -> memref<1x640x128xf32, #tpu.memory_space<hbm>>
      %dma_start3A_98 = tpu.memref_squeeze %dma_start3A_97 : memref<1x640x128xf32, #tpu.memory_space<hbm>> -> memref<640x128xf32, #tpu.memory_space<hbm>>
      %dma_start3A_99 = arith.constant 0 : i32
      %dma_start3A_100 = tpu.memref_slice %arg10[%multiple_of3A, %dma_start3A_99] : memref<10240x128xf32, #tpu.memory_space<vmem_shared>> -> memref<640x128xf32, #tpu.memory_space<vmem_shared>>
      tpu.enqueue_dma source(%dma_start3A_100 : memref<640x128xf32, #tpu.memory_space<vmem_shared>>) target(%dma_start3A_98 : memref<640x128xf32, #tpu.memory_space<hbm>>) target_semaphore(%run_scoped3A_95 : memref<!tpu.dma_semaphore, #tpu.memory_space<semaphore_mem>>)
      %dma_wait3A_101 = arith.constant 0 : i32
      %dma_wait3A_102 = tpu.memref_slice %arg5[%arg0, %multiple_of3A, %dma_wait3A_101] : memref<2x10240x128xf32, #tpu.memory_space<hbm>> -> memref<1x640x128xf32, #tpu.memory_space<hbm>>
      %dma_wait3A_103 = tpu.memref_squeeze %dma_wait3A_102 : memref<1x640x128xf32, #tpu.memory_space<hbm>> -> memref<640x128xf32, #tpu.memory_space<hbm>>
      %dma_wait3A_104 = arith.constant 0 : i32
      %dma_wait3A_105 = tpu.memref_slice %arg10[%multiple_of3A, %dma_wait3A_104] : memref<10240x128xf32, #tpu.memory_space<vmem_shared>> -> memref<640x128xf32, #tpu.memory_space<vmem_shared>>
      tpu.wait_dma2 semaphore(%run_scoped3A_95 : memref<!tpu.dma_semaphore, #tpu.memory_space<semaphore_mem>>) src(%dma_wait3A_105 : memref<640x128xf32, #tpu.memory_space<vmem_shared>>) dst(%dma_wait3A_103 : memref<640x128xf32, #tpu.memory_space<hbm>>)
      tpu.yield
    }) : () -> ()
    return
  }
}

#map = affine_map<(d0, d1) -> (0, 0)>
#map1 = affine_map<(d0, d1) -> (0, 0, 0)>
module attributes {stable_mosaic.version = 14 : i64} {
  func.func @agg_kernel(%arg0: i32, %arg1: i32, %arg2: memref<10240x128xf32, #tpu.memory_space<hbm>>, %arg3: memref<2560x128xi32, #tpu.memory_space<hbm>>, %arg4: memref<2560x128xi32, #tpu.memory_space<hbm>>, %arg5: memref<2x10240x128xf32, #tpu.memory_space<hbm>>, %arg6: memref<40x128xi32, #tpu.memory_space<vmem>>, %arg7: memref<40x128xi32, #tpu.memory_space<vmem>>, %arg8: memref<128x128xf32, #tpu.memory_space<vmem>>, %arg9: memref<128x128xf32, #tpu.memory_space<vmem>>, %arg10: memref<10240x128xf32, #tpu.memory_space<vmem_shared>>, %arg11: memref<!tpu.dma_semaphore, #tpu.memory_space<semaphore_mem>>, %arg12: memref<!tpu.dma_semaphore, #tpu.memory_space<semaphore_mem>>) attributes {dimension_semantics = [#tpu.dimension_semantics<core_parallel>, #tpu.dimension_semantics<subcore_parallel>], iteration_bounds = array<i64: 2, 16>, scalar_prefetch = 0 : i64, scratch_operands = 7 : i64, tpu.core_type = #tpu.core_type<sc_vector_subcore>, window_params = [{transform_indices = #map}, {transform_indices = #map}, {transform_indices = #map}, {transform_indices = #map1}]} {
    %mul3A = arith.constant 2 : i32
    %mul3A_0 = arith.muli %arg1, %mul3A : i32
    %add3A = arith.addi %mul3A_0, %arg0 : i32
    %mul3A_1 = arith.constant 640 : i32
    %mul3A_2 = arith.muli %arg1, %mul3A_1 : i32
    %multiple_of3A = tpu.assume_multiple %mul3A_2, 8 : i32
    %scan3A = arith.constant 0 : i32
    %scan3A_3 = arith.constant 128 : i32
    %scan3A_4 = arith.addi %scan3A, %scan3A_3 : i32
    %scan3A_5 = arith.constant 1 : i32
    scf.for %scan3A_95 = %scan3A to %scan3A_4 step %scan3A_5  : i32 {
      %mul3A_96 = arith.constant 1 : i32
      %mul3A_97 = arith.muli %scan3A_95, %mul3A_96 : i32
      %add3A_98 = arith.constant 0 : i32
      %add3A_99 = arith.addi %add3A_98, %mul3A_97 : i32
      %scan3A_100 = arith.constant 0 : i32
      %scan3A_101 = arith.constant 8 : i32
      %scan3A_102 = arith.addi %scan3A_100, %scan3A_101 : i32
      %scan3A_103 = arith.constant 1 : i32
      scf.for %scan3A_105 = %scan3A_100 to %scan3A_102 step %scan3A_103  : i32 {
        %mul3A_106 = arith.constant 16 : i32
        %mul3A_107 = arith.muli %scan3A_105, %mul3A_106 : i32
        %add3A_108 = arith.constant 0 : i32
        %add3A_109 = arith.addi %add3A_108, %mul3A_107 : i32
        %broadcast_in_dim3A = arith.constant 0.000000e+00 : f32
        %broadcast_in_dim3A_110 = vector.broadcast %broadcast_in_dim3A : f32 to vector<16xf32>
        %swap3A = arith.index_cast %add3A_99 : i32 to index
        %swap3A_111 = arith.index_cast %add3A_109 : i32 to index
        %swap3A_112 = tpu.vector_load %arg8[%swap3A, %swap3A_111] {strides = array<i32>} : memref<128x128xf32, #tpu.memory_space<vmem>>, vector<1x16xf32>,
        %swap3A_113 = vector.shape_cast %swap3A_112 : vector<1x16xf32> to vector<16xf32>
        %swap3A_114 = vector.shape_cast %broadcast_in_dim3A_110 : vector<16xf32> to vector<1x16xf32>
        tpu.vector_store %arg8[%swap3A, %swap3A_111], %swap3A_114 {strides = array<i32>} : memref<128x128xf32, #tpu.memory_space<vmem>>, vector<1x16xf32>,
      }
      %scan3A_104 = arith.constant 8 : i32
    }
    %scan3A_6 = arith.constant 128 : i32
    %add3A_7 = arith.constant 0 : i32
    %add3A_8 = arith.addi %multiple_of3A, %add3A_7 : i32
    "tpu.region"() ({
      %run_scoped3A_95 = tpu.sem_alloc : memref<!tpu.dma_semaphore, #tpu.memory_space<semaphore_mem>>
      %dma_start3A_96 = arith.constant 0 : i32
      %dma_start3A_97 = tpu.memref_slice %arg10[%add3A_8, %dma_start3A_96] : memref<10240x128xf32, #tpu.memory_space<vmem_shared>> -> memref<128x128xf32, #tpu.memory_space<vmem_shared>>
      %dma_start3A_98 = arith.constant 0 : i32
      %dma_start3A_99 = tpu.memref_slice %arg10[%add3A_8, %dma_start3A_98] : memref<10240x128xf32, #tpu.memory_space<vmem_shared>> -> memref<128x128xf32, #tpu.memory_space<vmem_shared>>
      tpu.enqueue_dma source(%arg8 : memref<128x128xf32, #tpu.memory_space<vmem>>) target(%dma_start3A_99 : memref<128x128xf32, #tpu.memory_space<vmem_shared>>) target_semaphore(%run_scoped3A_95 : memref<!tpu.dma_semaphore, #tpu.memory_space<semaphore_mem>>)
      %dma_wait3A_100 = arith.constant 0 : i32
      %dma_wait3A_101 = tpu.memref_slice %arg10[%add3A_8, %dma_wait3A_100] : memref<10240x128xf32, #tpu.memory_space<vmem_shared>> -> memref<128x128xf32, #tpu.memory_space<vmem_shared>>
      %dma_wait3A_102 = arith.constant 0 : i32
      %dma_wait3A_103 = tpu.memref_slice %arg10[%add3A_8, %dma_wait3A_102] : memref<10240x128xf32, #tpu.memory_space<vmem_shared>> -> memref<128x128xf32, #tpu.memory_space<vmem_shared>>
      tpu.wait_dma2 semaphore(%run_scoped3A_95 : memref<!tpu.dma_semaphore, #tpu.memory_space<semaphore_mem>>) src(%arg8 : memref<128x128xf32, #tpu.memory_space<vmem>>) dst(%dma_wait3A_103 : memref<128x128xf32, #tpu.memory_space<vmem_shared>>)
      tpu.yield
    }) : () -> ()
    %add3A_9 = arith.constant 128 : i32
    %add3A_10 = arith.addi %multiple_of3A, %add3A_9 : i32
    "tpu.region"() ({
      %run_scoped3A_95 = tpu.sem_alloc : memref<!tpu.dma_semaphore, #tpu.memory_space<semaphore_mem>>
      %dma_start3A_96 = arith.constant 0 : i32
      %dma_start3A_97 = tpu.memref_slice %arg10[%add3A_10, %dma_start3A_96] : memref<10240x128xf32, #tpu.memory_space<vmem_shared>> -> memref<128x128xf32, #tpu.memory_space<vmem_shared>>
      %dma_start3A_98 = arith.constant 0 : i32
      %dma_start3A_99 = tpu.memref_slice %arg10[%add3A_10, %dma_start3A_98] : memref<10240x128xf32, #tpu.memory_space<vmem_shared>> -> memref<128x128xf32, #tpu.memory_space<vmem_shared>>
      tpu.enqueue_dma source(%arg8 : memref<128x128xf32, #tpu.memory_space<vmem>>) target(%dma_start3A_99 : memref<128x128xf32, #tpu.memory_space<vmem_shared>>) target_semaphore(%run_scoped3A_95 : memref<!tpu.dma_semaphore, #tpu.memory_space<semaphore_mem>>)
      %dma_wait3A_100 = arith.constant 0 : i32
      %dma_wait3A_101 = tpu.memref_slice %arg10[%add3A_10, %dma_wait3A_100] : memref<10240x128xf32, #tpu.memory_space<vmem_shared>> -> memref<128x128xf32, #tpu.memory_space<vmem_shared>>
      %dma_wait3A_102 = arith.constant 0 : i32
      %dma_wait3A_103 = tpu.memref_slice %arg10[%add3A_10, %dma_wait3A_102] : memref<10240x128xf32, #tpu.memory_space<vmem_shared>> -> memref<128x128xf32, #tpu.memory_space<vmem_shared>>
      tpu.wait_dma2 semaphore(%run_scoped3A_95 : memref<!tpu.dma_semaphore, #tpu.memory_space<semaphore_mem>>) src(%arg8 : memref<128x128xf32, #tpu.memory_space<vmem>>) dst(%dma_wait3A_103 : memref<128x128xf32, #tpu.memory_space<vmem_shared>>)
      tpu.yield
    }) : () -> ()
    %add3A_11 = arith.constant 256 : i32
    %add3A_12 = arith.addi %multiple_of3A, %add3A_11 : i32
    "tpu.region"() ({
      %run_scoped3A_95 = tpu.sem_alloc : memref<!tpu.dma_semaphore, #tpu.memory_space<semaphore_mem>>
      %dma_start3A_96 = arith.constant 0 : i32
      %dma_start3A_97 = tpu.memref_slice %arg10[%add3A_12, %dma_start3A_96] : memref<10240x128xf32, #tpu.memory_space<vmem_shared>> -> memref<128x128xf32, #tpu.memory_space<vmem_shared>>
      %dma_start3A_98 = arith.constant 0 : i32
      %dma_start3A_99 = tpu.memref_slice %arg10[%add3A_12, %dma_start3A_98] : memref<10240x128xf32, #tpu.memory_space<vmem_shared>> -> memref<128x128xf32, #tpu.memory_space<vmem_shared>>
      tpu.enqueue_dma source(%arg8 : memref<128x128xf32, #tpu.memory_space<vmem>>) target(%dma_start3A_99 : memref<128x128xf32, #tpu.memory_space<vmem_shared>>) target_semaphore(%run_scoped3A_95 : memref<!tpu.dma_semaphore, #tpu.memory_space<semaphore_mem>>)
      %dma_wait3A_100 = arith.constant 0 : i32
      %dma_wait3A_101 = tpu.memref_slice %arg10[%add3A_12, %dma_wait3A_100] : memref<10240x128xf32, #tpu.memory_space<vmem_shared>> -> memref<128x128xf32, #tpu.memory_space<vmem_shared>>
      %dma_wait3A_102 = arith.constant 0 : i32
      %dma_wait3A_103 = tpu.memref_slice %arg10[%add3A_12, %dma_wait3A_102] : memref<10240x128xf32, #tpu.memory_space<vmem_shared>> -> memref<128x128xf32, #tpu.memory_space<vmem_shared>>
      tpu.wait_dma2 semaphore(%run_scoped3A_95 : memref<!tpu.dma_semaphore, #tpu.memory_space<semaphore_mem>>) src(%arg8 : memref<128x128xf32, #tpu.memory_space<vmem>>) dst(%dma_wait3A_103 : memref<128x128xf32, #tpu.memory_space<vmem_shared>>)
      tpu.yield
    }) : () -> ()
    %add3A_13 = arith.constant 384 : i32
    %add3A_14 = arith.addi %multiple_of3A, %add3A_13 : i32
    "tpu.region"() ({
      %run_scoped3A_95 = tpu.sem_alloc : memref<!tpu.dma_semaphore, #tpu.memory_space<semaphore_mem>>
      %dma_start3A_96 = arith.constant 0 : i32
      %dma_start3A_97 = tpu.memref_slice %arg10[%add3A_14, %dma_start3A_96] : memref<10240x128xf32, #tpu.memory_space<vmem_shared>> -> memref<128x128xf32, #tpu.memory_space<vmem_shared>>
      %dma_start3A_98 = arith.constant 0 : i32
      %dma_start3A_99 = tpu.memref_slice %arg10[%add3A_14, %dma_start3A_98] : memref<10240x128xf32, #tpu.memory_space<vmem_shared>> -> memref<128x128xf32, #tpu.memory_space<vmem_shared>>
      tpu.enqueue_dma source(%arg8 : memref<128x128xf32, #tpu.memory_space<vmem>>) target(%dma_start3A_99 : memref<128x128xf32, #tpu.memory_space<vmem_shared>>) target_semaphore(%run_scoped3A_95 : memref<!tpu.dma_semaphore, #tpu.memory_space<semaphore_mem>>)
      %dma_wait3A_100 = arith.constant 0 : i32
      %dma_wait3A_101 = tpu.memref_slice %arg10[%add3A_14, %dma_wait3A_100] : memref<10240x128xf32, #tpu.memory_space<vmem_shared>> -> memref<128x128xf32, #tpu.memory_space<vmem_shared>>
      %dma_wait3A_102 = arith.constant 0 : i32
      %dma_wait3A_103 = tpu.memref_slice %arg10[%add3A_14, %dma_wait3A_102] : memref<10240x128xf32, #tpu.memory_space<vmem_shared>> -> memref<128x128xf32, #tpu.memory_space<vmem_shared>>
      tpu.wait_dma2 semaphore(%run_scoped3A_95 : memref<!tpu.dma_semaphore, #tpu.memory_space<semaphore_mem>>) src(%arg8 : memref<128x128xf32, #tpu.memory_space<vmem>>) dst(%dma_wait3A_103 : memref<128x128xf32, #tpu.memory_space<vmem_shared>>)
      tpu.yield
    }) : () -> ()
    %add3A_15 = arith.constant 512 : i32
    %add3A_16 = arith.addi %multiple_of3A, %add3A_15 : i32
    "tpu.region"() ({
      %run_scoped3A_95 = tpu.sem_alloc : memref<!tpu.dma_semaphore, #tpu.memory_space<semaphore_mem>>
      %dma_start3A_96 = arith.constant 0 : i32
      %dma_start3A_97 = tpu.memref_slice %arg10[%add3A_16, %dma_start3A_96] : memref<10240x128xf32, #tpu.memory_space<vmem_shared>> -> memref<128x128xf32, #tpu.memory_space<vmem_shared>>
      %dma_start3A_98 = arith.constant 0 : i32
      %dma_start3A_99 = tpu.memref_slice %arg10[%add3A_16, %dma_start3A_98] : memref<10240x128xf32, #tpu.memory_space<vmem_shared>> -> memref<128x128xf32, #tpu.memory_space<vmem_shared>>
      tpu.enqueue_dma source(%arg8 : memref<128x128xf32, #tpu.memory_space<vmem>>) target(%dma_start3A_99 : memref<128x128xf32, #tpu.memory_space<vmem_shared>>) target_semaphore(%run_scoped3A_95 : memref<!tpu.dma_semaphore, #tpu.memory_space<semaphore_mem>>)
      %dma_wait3A_100 = arith.constant 0 : i32
      %dma_wait3A_101 = tpu.memref_slice %arg10[%add3A_16, %dma_wait3A_100] : memref<10240x128xf32, #tpu.memory_space<vmem_shared>> -> memref<128x128xf32, #tpu.memory_space<vmem_shared>>
      %dma_wait3A_102 = arith.constant 0 : i32
      %dma_wait3A_103 = tpu.memref_slice %arg10[%add3A_16, %dma_wait3A_102] : memref<10240x128xf32, #tpu.memory_space<vmem_shared>> -> memref<128x128xf32, #tpu.memory_space<vmem_shared>>
      tpu.wait_dma2 semaphore(%run_scoped3A_95 : memref<!tpu.dma_semaphore, #tpu.memory_space<semaphore_mem>>) src(%arg8 : memref<128x128xf32, #tpu.memory_space<vmem>>) dst(%dma_wait3A_103 : memref<128x128xf32, #tpu.memory_space<vmem_shared>>)
      tpu.yield
    }) : () -> ()
    %barrier3A = arith.constant 0 : index
    tpu.barrier barrier_id(%barrier3A)
    %mul3A_17 = arith.constant 80 : i32
    %mul3A_18 = arith.muli %add3A, %mul3A_17 : i32
    %add3A_19 = arith.constant 0 : i32
    %add3A_20 = arith.addi %mul3A_18, %add3A_19 : i32
    %multiple_of3A_21 = tpu.assume_multiple %add3A_20, 8 : i32
    "tpu.region"() ({
      %run_scoped3A_95 = tpu.sem_alloc : memref<!tpu.dma_semaphore, #tpu.memory_space<semaphore_mem>>
      %dma_start3A_96 = arith.constant 0 : i32
      %dma_start3A_97 = tpu.memref_slice %arg3[%multiple_of3A_21, %dma_start3A_96] : memref<2560x128xi32, #tpu.memory_space<hbm>> -> memref<40x128xi32, #tpu.memory_space<hbm>>
      %dma_start3A_98 = arith.constant 0 : i32
      %dma_start3A_99 = tpu.memref_slice %arg3[%multiple_of3A_21, %dma_start3A_98] : memref<2560x128xi32, #tpu.memory_space<hbm>> -> memref<40x128xi32, #tpu.memory_space<hbm>>
      tpu.enqueue_dma source(%dma_start3A_99 : memref<40x128xi32, #tpu.memory_space<hbm>>) target(%arg6 : memref<40x128xi32, #tpu.memory_space<vmem>>) target_semaphore(%run_scoped3A_95 : memref<!tpu.dma_semaphore, #tpu.memory_space<semaphore_mem>>)
      %dma_wait3A_100 = arith.constant 0 : i32
      %dma_wait3A_101 = tpu.memref_slice %arg3[%multiple_of3A_21, %dma_wait3A_100] : memref<2560x128xi32, #tpu.memory_space<hbm>> -> memref<40x128xi32, #tpu.memory_space<hbm>>
      %dma_wait3A_102 = arith.constant 0 : i32
      %dma_wait3A_103 = tpu.memref_slice %arg3[%multiple_of3A_21, %dma_wait3A_102] : memref<2560x128xi32, #tpu.memory_space<hbm>> -> memref<40x128xi32, #tpu.memory_space<hbm>>
      tpu.wait_dma2 semaphore(%run_scoped3A_95 : memref<!tpu.dma_semaphore, #tpu.memory_space<semaphore_mem>>) src(%dma_wait3A_103 : memref<40x128xi32, #tpu.memory_space<hbm>>) dst(%arg6 : memref<40x128xi32, #tpu.memory_space<vmem>>)
      tpu.yield
    }) : () -> ()
    "tpu.region"() ({
      %run_scoped3A_95 = tpu.sem_alloc : memref<!tpu.dma_semaphore, #tpu.memory_space<semaphore_mem>>
      %dma_start3A_96 = arith.constant 0 : i32
      %dma_start3A_97 = tpu.memref_slice %arg4[%multiple_of3A_21, %dma_start3A_96] : memref<2560x128xi32, #tpu.memory_space<hbm>> -> memref<40x128xi32, #tpu.memory_space<hbm>>
      %dma_start3A_98 = arith.constant 0 : i32
      %dma_start3A_99 = tpu.memref_slice %arg4[%multiple_of3A_21, %dma_start3A_98] : memref<2560x128xi32, #tpu.memory_space<hbm>> -> memref<40x128xi32, #tpu.memory_space<hbm>>
      tpu.enqueue_dma source(%dma_start3A_99 : memref<40x128xi32, #tpu.memory_space<hbm>>) target(%arg7 : memref<40x128xi32, #tpu.memory_space<vmem>>) target_semaphore(%run_scoped3A_95 : memref<!tpu.dma_semaphore, #tpu.memory_space<semaphore_mem>>)
      %dma_wait3A_100 = arith.constant 0 : i32
      %dma_wait3A_101 = tpu.memref_slice %arg4[%multiple_of3A_21, %dma_wait3A_100] : memref<2560x128xi32, #tpu.memory_space<hbm>> -> memref<40x128xi32, #tpu.memory_space<hbm>>
      %dma_wait3A_102 = arith.constant 0 : i32
      %dma_wait3A_103 = tpu.memref_slice %arg4[%multiple_of3A_21, %dma_wait3A_102] : memref<2560x128xi32, #tpu.memory_space<hbm>> -> memref<40x128xi32, #tpu.memory_space<hbm>>
      tpu.wait_dma2 semaphore(%run_scoped3A_95 : memref<!tpu.dma_semaphore, #tpu.memory_space<semaphore_mem>>) src(%dma_wait3A_103 : memref<40x128xi32, #tpu.memory_space<hbm>>) dst(%arg7 : memref<40x128xi32, #tpu.memory_space<vmem>>)
      tpu.yield
    }) : () -> ()
    %dma_start3A = arith.constant 0 : i32
    %dma_start3A_22 = arith.constant 0 : i32
    %dma_start3A_23 = tpu.memref_slice %arg6[%dma_start3A, %dma_start3A_22] : memref<40x128xi32, #tpu.memory_space<vmem>> -> memref<1x128xi32, #tpu.memory_space<vmem>>
    %dma_start3A_24 = tpu.memref_squeeze %dma_start3A_23 : memref<1x128xi32, #tpu.memory_space<vmem>> -> memref<128xi32, #tpu.memory_space<vmem>>
    %dma_start3A_25 = arith.constant 0 : i32
    %dma_start3A_26 = arith.constant 0 : i32
    %dma_start3A_27 = tpu.memref_slice %arg2[%dma_start3A_25, %dma_start3A_26] : memref<10240x128xf32, #tpu.memory_space<hbm>> -> memref<10240x128xf32, #tpu.memory_space<hbm>>
    tpu.enqueue_indirect_dma source(%dma_start3A_27 : memref<10240x128xf32, #tpu.memory_space<hbm>>) target(%arg8 : memref<128x128xf32, #tpu.memory_space<vmem>>) offsets(%dma_start3A_24 : memref<128xi32, #tpu.memory_space<vmem>>) semaphore(%arg11 : memref<!tpu.dma_semaphore, #tpu.memory_space<semaphore_mem>>)
    %dma_start3A_28 = arith.constant 1 : i32
    %dma_start3A_29 = arith.constant 0 : i32
    %dma_start3A_30 = tpu.memref_slice %arg6[%dma_start3A_28, %dma_start3A_29] : memref<40x128xi32, #tpu.memory_space<vmem>> -> memref<1x128xi32, #tpu.memory_space<vmem>>
    %dma_start3A_31 = tpu.memref_squeeze %dma_start3A_30 : memref<1x128xi32, #tpu.memory_space<vmem>> -> memref<128xi32, #tpu.memory_space<vmem>>
    %dma_start3A_32 = arith.constant 0 : i32
    %dma_start3A_33 = arith.constant 0 : i32
    %dma_start3A_34 = tpu.memref_slice %arg2[%dma_start3A_32, %dma_start3A_33] : memref<10240x128xf32, #tpu.memory_space<hbm>> -> memref<10240x128xf32, #tpu.memory_space<hbm>>
    tpu.enqueue_indirect_dma source(%dma_start3A_34 : memref<10240x128xf32, #tpu.memory_space<hbm>>) target(%arg9 : memref<128x128xf32, #tpu.memory_space<vmem>>) offsets(%dma_start3A_31 : memref<128xi32, #tpu.memory_space<vmem>>) semaphore(%arg12 : memref<!tpu.dma_semaphore, #tpu.memory_space<semaphore_mem>>)
    %scan3A_35 = arith.constant 0 : i32
    %scan3A_36 = arith.constant 19 : i32
    %scan3A_37 = arith.addi %scan3A_35, %scan3A_36 : i32
    %scan3A_38 = arith.constant 1 : i32
    scf.for %scan3A_95 = %scan3A_35 to %scan3A_37 step %scan3A_38  : i32 {
      %mul3A_96 = arith.constant 2 : i32
      %mul3A_97 = arith.muli %scan3A_95, %mul3A_96 : i32
      %add3A_98 = arith.constant 0 : i32
      %add3A_99 = arith.addi %add3A_98, %mul3A_97 : i32
      %add3A_100 = arith.constant 0 : i32
      %add3A_101 = arith.addi %add3A_99, %add3A_100 : i32
      %dma_wait3A_102 = arith.constant 0 : i32
      %dma_wait3A_103 = arith.constant 0 : i32
      %dma_wait3A_104 = tpu.memref_slice %arg6[%dma_wait3A_102, %dma_wait3A_103] : memref<40x128xi32, #tpu.memory_space<vmem>> -> memref<1x128xi32, #tpu.memory_space<vmem>>
      %dma_wait3A_105 = tpu.memref_squeeze %dma_wait3A_104 : memref<1x128xi32, #tpu.memory_space<vmem>> -> memref<128xi32, #tpu.memory_space<vmem>>
      %dma_wait3A_106 = arith.constant 0 : i32
      %dma_wait3A_107 = arith.constant 0 : i32
      %dma_wait3A_108 = tpu.memref_slice %arg2[%dma_wait3A_106, %dma_wait3A_107] : memref<10240x128xf32, #tpu.memory_space<hbm>> -> memref<10240x128xf32, #tpu.memory_space<hbm>>
      tpu.wait_indirect_dma semaphore(%arg11 : memref<!tpu.dma_semaphore, #tpu.memory_space<semaphore_mem>>) src(%dma_wait3A_108 : memref<10240x128xf32, #tpu.memory_space<hbm>>) dst(%arg8 : memref<128x128xf32, #tpu.memory_space<vmem>>)
      "tpu.region"() ({
        %run_scoped3A_134 = tpu.sem_alloc : memref<!tpu.dma_semaphore, #tpu.memory_space<semaphore_mem>>
        %dma_start3A_135 = arith.constant 0 : i32
        %dma_start3A_136 = tpu.memref_slice %arg7[%add3A_101, %dma_start3A_135] : memref<40x128xi32, #tpu.memory_space<vmem>> -> memref<1x128xi32, #tpu.memory_space<vmem>>
        %dma_start3A_137 = tpu.memref_squeeze %dma_start3A_136 : memref<1x128xi32, #tpu.memory_space<vmem>> -> memref<128xi32, #tpu.memory_space<vmem>>
        %dma_start3A_138 = arith.constant 0 : i32
        %dma_start3A_139 = arith.constant 0 : i32
        %dma_start3A_140 = tpu.memref_slice %arg10[%dma_start3A_138, %dma_start3A_139] : memref<10240x128xf32, #tpu.memory_space<vmem_shared>> -> memref<10240x128xf32, #tpu.memory_space<vmem_shared>>
        tpu.enqueue_indirect_dma source(%arg8 : memref<128x128xf32, #tpu.memory_space<vmem>>) target(%dma_start3A_140 : memref<10240x128xf32, #tpu.memory_space<vmem_shared>>) offsets(%dma_start3A_137 : memref<128xi32, #tpu.memory_space<vmem>>) semaphore(%run_scoped3A_134 : memref<!tpu.dma_semaphore, #tpu.memory_space<semaphore_mem>>) {add = true}
        %dma_wait3A_141 = arith.constant 0 : i32
        %dma_wait3A_142 = tpu.memref_slice %arg7[%add3A_101, %dma_wait3A_141] : memref<40x128xi32, #tpu.memory_space<vmem>> -> memref<1x128xi32, #tpu.memory_space<vmem>>
        %dma_wait3A_143 = tpu.memref_squeeze %dma_wait3A_142 : memref<1x128xi32, #tpu.memory_space<vmem>> -> memref<128xi32, #tpu.memory_space<vmem>>
        %dma_wait3A_144 = arith.constant 0 : i32
        %dma_wait3A_145 = arith.constant 0 : i32
        %dma_wait3A_146 = tpu.memref_slice %arg10[%dma_wait3A_144, %dma_wait3A_145] : memref<10240x128xf32, #tpu.memory_space<vmem_shared>> -> memref<10240x128xf32, #tpu.memory_space<vmem_shared>>
        tpu.wait_indirect_dma semaphore(%run_scoped3A_134 : memref<!tpu.dma_semaphore, #tpu.memory_space<semaphore_mem>>) src(%arg8 : memref<128x128xf32, #tpu.memory_space<vmem>>) dst(%dma_wait3A_146 : memref<10240x128xf32, #tpu.memory_space<vmem_shared>>)
        tpu.yield
      }) : () -> ()
      %add3A_109 = arith.constant 2 : i32
      %add3A_110 = arith.addi %add3A_101, %add3A_109 : i32
      %dma_start3A_111 = arith.constant 0 : i32
      %dma_start3A_112 = tpu.memref_slice %arg6[%add3A_110, %dma_start3A_111] : memref<40x128xi32, #tpu.memory_space<vmem>> -> memref<1x128xi32, #tpu.memory_space<vmem>>
      %dma_start3A_113 = tpu.memref_squeeze %dma_start3A_112 : memref<1x128xi32, #tpu.memory_space<vmem>> -> memref<128xi32, #tpu.memory_space<vmem>>
      %dma_start3A_114 = arith.constant 0 : i32
      %dma_start3A_115 = arith.constant 0 : i32
      %dma_start3A_116 = tpu.memref_slice %arg2[%dma_start3A_114, %dma_start3A_115] : memref<10240x128xf32, #tpu.memory_space<hbm>> -> memref<10240x128xf32, #tpu.memory_space<hbm>>
      tpu.enqueue_indirect_dma source(%dma_start3A_116 : memref<10240x128xf32, #tpu.memory_space<hbm>>) target(%arg8 : memref<128x128xf32, #tpu.memory_space<vmem>>) offsets(%dma_start3A_113 : memref<128xi32, #tpu.memory_space<vmem>>) semaphore(%arg11 : memref<!tpu.dma_semaphore, #tpu.memory_space<semaphore_mem>>)
      %add3A_117 = arith.constant 1 : i32
      %add3A_118 = arith.addi %add3A_99, %add3A_117 : i32
      %dma_wait3A_119 = arith.constant 0 : i32
      %dma_wait3A_120 = arith.constant 0 : i32
      %dma_wait3A_121 = tpu.memref_slice %arg6[%dma_wait3A_119, %dma_wait3A_120] : memref<40x128xi32, #tpu.memory_space<vmem>> -> memref<1x128xi32, #tpu.memory_space<vmem>>
      %dma_wait3A_122 = tpu.memref_squeeze %dma_wait3A_121 : memref<1x128xi32, #tpu.memory_space<vmem>> -> memref<128xi32, #tpu.memory_space<vmem>>
      %dma_wait3A_123 = arith.constant 0 : i32
      %dma_wait3A_124 = arith.constant 0 : i32
      %dma_wait3A_125 = tpu.memref_slice %arg2[%dma_wait3A_123, %dma_wait3A_124] : memref<10240x128xf32, #tpu.memory_space<hbm>> -> memref<10240x128xf32, #tpu.memory_space<hbm>>
      tpu.wait_indirect_dma semaphore(%arg12 : memref<!tpu.dma_semaphore, #tpu.memory_space<semaphore_mem>>) src(%dma_wait3A_125 : memref<10240x128xf32, #tpu.memory_space<hbm>>) dst(%arg9 : memref<128x128xf32, #tpu.memory_space<vmem>>)
      "tpu.region"() ({
        %run_scoped3A_134 = tpu.sem_alloc : memref<!tpu.dma_semaphore, #tpu.memory_space<semaphore_mem>>
        %dma_start3A_135 = arith.constant 0 : i32
        %dma_start3A_136 = tpu.memref_slice %arg7[%add3A_118, %dma_start3A_135] : memref<40x128xi32, #tpu.memory_space<vmem>> -> memref<1x128xi32, #tpu.memory_space<vmem>>
        %dma_start3A_137 = tpu.memref_squeeze %dma_start3A_136 : memref<1x128xi32, #tpu.memory_space<vmem>> -> memref<128xi32, #tpu.memory_space<vmem>>
        %dma_start3A_138 = arith.constant 0 : i32
        %dma_start3A_139 = arith.constant 0 : i32
        %dma_start3A_140 = tpu.memref_slice %arg10[%dma_start3A_138, %dma_start3A_139] : memref<10240x128xf32, #tpu.memory_space<vmem_shared>> -> memref<10240x128xf32, #tpu.memory_space<vmem_shared>>
        tpu.enqueue_indirect_dma source(%arg9 : memref<128x128xf32, #tpu.memory_space<vmem>>) target(%dma_start3A_140 : memref<10240x128xf32, #tpu.memory_space<vmem_shared>>) offsets(%dma_start3A_137 : memref<128xi32, #tpu.memory_space<vmem>>) semaphore(%run_scoped3A_134 : memref<!tpu.dma_semaphore, #tpu.memory_space<semaphore_mem>>) {add = true}
        %dma_wait3A_141 = arith.constant 0 : i32
        %dma_wait3A_142 = tpu.memref_slice %arg7[%add3A_118, %dma_wait3A_141] : memref<40x128xi32, #tpu.memory_space<vmem>> -> memref<1x128xi32, #tpu.memory_space<vmem>>
        %dma_wait3A_143 = tpu.memref_squeeze %dma_wait3A_142 : memref<1x128xi32, #tpu.memory_space<vmem>> -> memref<128xi32, #tpu.memory_space<vmem>>
        %dma_wait3A_144 = arith.constant 0 : i32
        %dma_wait3A_145 = arith.constant 0 : i32
        %dma_wait3A_146 = tpu.memref_slice %arg10[%dma_wait3A_144, %dma_wait3A_145] : memref<10240x128xf32, #tpu.memory_space<vmem_shared>> -> memref<10240x128xf32, #tpu.memory_space<vmem_shared>>
        tpu.wait_indirect_dma semaphore(%run_scoped3A_134 : memref<!tpu.dma_semaphore, #tpu.memory_space<semaphore_mem>>) src(%arg9 : memref<128x128xf32, #tpu.memory_space<vmem>>) dst(%dma_wait3A_146 : memref<10240x128xf32, #tpu.memory_space<vmem_shared>>)
        tpu.yield
      }) : () -> ()
      %add3A_126 = arith.constant 2 : i32
      %add3A_127 = arith.addi %add3A_118, %add3A_126 : i32
      %dma_start3A_128 = arith.constant 0 : i32
      %dma_start3A_129 = tpu.memref_slice %arg6[%add3A_127, %dma_start3A_128] : memref<40x128xi32, #tpu.memory_space<vmem>> -> memref<1x128xi32, #tpu.memory_space<vmem>>
      %dma_start3A_130 = tpu.memref_squeeze %dma_start3A_129 : memref<1x128xi32, #tpu.memory_space<vmem>> -> memref<128xi32, #tpu.memory_space<vmem>>
      %dma_start3A_131 = arith.constant 0 : i32
      %dma_start3A_132 = arith.constant 0 : i32
      %dma_start3A_133 = tpu.memref_slice %arg2[%dma_start3A_131, %dma_start3A_132] : memref<10240x128xf32, #tpu.memory_space<hbm>> -> memref<10240x128xf32, #tpu.memory_space<hbm>>
      tpu.enqueue_indirect_dma source(%dma_start3A_133 : memref<10240x128xf32, #tpu.memory_space<hbm>>) target(%arg9 : memref<128x128xf32, #tpu.memory_space<vmem>>) offsets(%dma_start3A_130 : memref<128xi32, #tpu.memory_space<vmem>>) semaphore(%arg12 : memref<!tpu.dma_semaphore, #tpu.memory_space<semaphore_mem>>)
    }
    %scan3A_39 = arith.constant 19 : i32
    %dma_wait3A = arith.constant 0 : i32
    %dma_wait3A_40 = arith.constant 0 : i32
    %dma_wait3A_41 = tpu.memref_slice %arg6[%dma_wait3A, %dma_wait3A_40] : memref<40x128xi32, #tpu.memory_space<vmem>> -> memref<1x128xi32, #tpu.memory_space<vmem>>
    %dma_wait3A_42 = tpu.memref_squeeze %dma_wait3A_41 : memref<1x128xi32, #tpu.memory_space<vmem>> -> memref<128xi32, #tpu.memory_space<vmem>>
    %dma_wait3A_43 = arith.constant 0 : i32
    %dma_wait3A_44 = arith.constant 0 : i32
    %dma_wait3A_45 = tpu.memref_slice %arg2[%dma_wait3A_43, %dma_wait3A_44] : memref<10240x128xf32, #tpu.memory_space<hbm>> -> memref<10240x128xf32, #tpu.memory_space<hbm>>
    tpu.wait_indirect_dma semaphore(%arg11 : memref<!tpu.dma_semaphore, #tpu.memory_space<semaphore_mem>>) src(%dma_wait3A_45 : memref<10240x128xf32, #tpu.memory_space<hbm>>) dst(%arg8 : memref<128x128xf32, #tpu.memory_space<vmem>>)
    %run_scoped3A = arith.constant 38 : i32
    "tpu.region"() ({
      %run_scoped3A_95 = tpu.sem_alloc : memref<!tpu.dma_semaphore, #tpu.memory_space<semaphore_mem>>
      %dma_start3A_96 = arith.constant 0 : i32
      %dma_start3A_97 = tpu.memref_slice %arg7[%run_scoped3A, %dma_start3A_96] : memref<40x128xi32, #tpu.memory_space<vmem>> -> memref<1x128xi32, #tpu.memory_space<vmem>>
      %dma_start3A_98 = tpu.memref_squeeze %dma_start3A_97 : memref<1x128xi32, #tpu.memory_space<vmem>> -> memref<128xi32, #tpu.memory_space<vmem>>
      %dma_start3A_99 = arith.constant 0 : i32
      %dma_start3A_100 = arith.constant 0 : i32
      %dma_start3A_101 = tpu.memref_slice %arg10[%dma_start3A_99, %dma_start3A_100] : memref<10240x128xf32, #tpu.memory_space<vmem_shared>> -> memref<10240x128xf32, #tpu.memory_space<vmem_shared>>
      tpu.enqueue_indirect_dma source(%arg8 : memref<128x128xf32, #tpu.memory_space<vmem>>) target(%dma_start3A_101 : memref<10240x128xf32, #tpu.memory_space<vmem_shared>>) offsets(%dma_start3A_98 : memref<128xi32, #tpu.memory_space<vmem>>) semaphore(%run_scoped3A_95 : memref<!tpu.dma_semaphore, #tpu.memory_space<semaphore_mem>>) {add = true}
      %dma_wait3A_102 = arith.constant 0 : i32
      %dma_wait3A_103 = tpu.memref_slice %arg7[%run_scoped3A, %dma_wait3A_102] : memref<40x128xi32, #tpu.memory_space<vmem>> -> memref<1x128xi32, #tpu.memory_space<vmem>>
      %dma_wait3A_104 = tpu.memref_squeeze %dma_wait3A_103 : memref<1x128xi32, #tpu.memory_space<vmem>> -> memref<128xi32, #tpu.memory_space<vmem>>
      %dma_wait3A_105 = arith.constant 0 : i32
      %dma_wait3A_106 = arith.constant 0 : i32
      %dma_wait3A_107 = tpu.memref_slice %arg10[%dma_wait3A_105, %dma_wait3A_106] : memref<10240x128xf32, #tpu.memory_space<vmem_shared>> -> memref<10240x128xf32, #tpu.memory_space<vmem_shared>>
      tpu.wait_indirect_dma semaphore(%run_scoped3A_95 : memref<!tpu.dma_semaphore, #tpu.memory_space<semaphore_mem>>) src(%arg8 : memref<128x128xf32, #tpu.memory_space<vmem>>) dst(%dma_wait3A_107 : memref<10240x128xf32, #tpu.memory_space<vmem_shared>>)
      tpu.yield
    }) : () -> ()
    %dma_wait3A_46 = arith.constant 0 : i32
    %dma_wait3A_47 = arith.constant 0 : i32
    %dma_wait3A_48 = tpu.memref_slice %arg6[%dma_wait3A_46, %dma_wait3A_47] : memref<40x128xi32, #tpu.memory_space<vmem>> -> memref<1x128xi32, #tpu.memory_space<vmem>>
    %dma_wait3A_49 = tpu.memref_squeeze %dma_wait3A_48 : memref<1x128xi32, #tpu.memory_space<vmem>> -> memref<128xi32, #tpu.memory_space<vmem>>
    %dma_wait3A_50 = arith.constant 0 : i32
    %dma_wait3A_51 = arith.constant 0 : i32
    %dma_wait3A_52 = tpu.memref_slice %arg2[%dma_wait3A_50, %dma_wait3A_51] : memref<10240x128xf32, #tpu.memory_space<hbm>> -> memref<10240x128xf32, #tpu.memory_space<hbm>>
    tpu.wait_indirect_dma semaphore(%arg12 : memref<!tpu.dma_semaphore, #tpu.memory_space<semaphore_mem>>) src(%dma_wait3A_52 : memref<10240x128xf32, #tpu.memory_space<hbm>>) dst(%arg9 : memref<128x128xf32, #tpu.memory_space<vmem>>)
    %run_scoped3A_53 = arith.constant 39 : i32
    "tpu.region"() ({
      %run_scoped3A_95 = tpu.sem_alloc : memref<!tpu.dma_semaphore, #tpu.memory_space<semaphore_mem>>
      %dma_start3A_96 = arith.constant 0 : i32
      %dma_start3A_97 = tpu.memref_slice %arg7[%run_scoped3A_53, %dma_start3A_96] : memref<40x128xi32, #tpu.memory_space<vmem>> -> memref<1x128xi32, #tpu.memory_space<vmem>>
      %dma_start3A_98 = tpu.memref_squeeze %dma_start3A_97 : memref<1x128xi32, #tpu.memory_space<vmem>> -> memref<128xi32, #tpu.memory_space<vmem>>
      %dma_start3A_99 = arith.constant 0 : i32
      %dma_start3A_100 = arith.constant 0 : i32
      %dma_start3A_101 = tpu.memref_slice %arg10[%dma_start3A_99, %dma_start3A_100] : memref<10240x128xf32, #tpu.memory_space<vmem_shared>> -> memref<10240x128xf32, #tpu.memory_space<vmem_shared>>
      tpu.enqueue_indirect_dma source(%arg9 : memref<128x128xf32, #tpu.memory_space<vmem>>) target(%dma_start3A_101 : memref<10240x128xf32, #tpu.memory_space<vmem_shared>>) offsets(%dma_start3A_98 : memref<128xi32, #tpu.memory_space<vmem>>) semaphore(%run_scoped3A_95 : memref<!tpu.dma_semaphore, #tpu.memory_space<semaphore_mem>>) {add = true}
      %dma_wait3A_102 = arith.constant 0 : i32
      %dma_wait3A_103 = tpu.memref_slice %arg7[%run_scoped3A_53, %dma_wait3A_102] : memref<40x128xi32, #tpu.memory_space<vmem>> -> memref<1x128xi32, #tpu.memory_space<vmem>>
      %dma_wait3A_104 = tpu.memref_squeeze %dma_wait3A_103 : memref<1x128xi32, #tpu.memory_space<vmem>> -> memref<128xi32, #tpu.memory_space<vmem>>
      %dma_wait3A_105 = arith.constant 0 : i32
      %dma_wait3A_106 = arith.constant 0 : i32
      %dma_wait3A_107 = tpu.memref_slice %arg10[%dma_wait3A_105, %dma_wait3A_106] : memref<10240x128xf32, #tpu.memory_space<vmem_shared>> -> memref<10240x128xf32, #tpu.memory_space<vmem_shared>>
      tpu.wait_indirect_dma semaphore(%run_scoped3A_95 : memref<!tpu.dma_semaphore, #tpu.memory_space<semaphore_mem>>) src(%arg9 : memref<128x128xf32, #tpu.memory_space<vmem>>) dst(%dma_wait3A_107 : memref<10240x128xf32, #tpu.memory_space<vmem_shared>>)
      tpu.yield
    }) : () -> ()
    %mul3A_54 = arith.constant 80 : i32
    %mul3A_55 = arith.muli %add3A, %mul3A_54 : i32
    %add3A_56 = arith.constant 40 : i32
    %add3A_57 = arith.addi %mul3A_55, %add3A_56 : i32
    %multiple_of3A_58 = tpu.assume_multiple %add3A_57, 8 : i32
    "tpu.region"() ({
      %run_scoped3A_95 = tpu.sem_alloc : memref<!tpu.dma_semaphore, #tpu.memory_space<semaphore_mem>>
      %dma_start3A_96 = arith.constant 0 : i32
      %dma_start3A_97 = tpu.memref_slice %arg3[%multiple_of3A_58, %dma_start3A_96] : memref<2560x128xi32, #tpu.memory_space<hbm>> -> memref<40x128xi32, #tpu.memory_space<hbm>>
      %dma_start3A_98 = arith.constant 0 : i32
      %dma_start3A_99 = tpu.memref_slice %arg3[%multiple_of3A_58, %dma_start3A_98] : memref<2560x128xi32, #tpu.memory_space<hbm>> -> memref<40x128xi32, #tpu.memory_space<hbm>>
      tpu.enqueue_dma source(%dma_start3A_99 : memref<40x128xi32, #tpu.memory_space<hbm>>) target(%arg6 : memref<40x128xi32, #tpu.memory_space<vmem>>) target_semaphore(%run_scoped3A_95 : memref<!tpu.dma_semaphore, #tpu.memory_space<semaphore_mem>>)
      %dma_wait3A_100 = arith.constant 0 : i32
      %dma_wait3A_101 = tpu.memref_slice %arg3[%multiple_of3A_58, %dma_wait3A_100] : memref<2560x128xi32, #tpu.memory_space<hbm>> -> memref<40x128xi32, #tpu.memory_space<hbm>>
      %dma_wait3A_102 = arith.constant 0 : i32
      %dma_wait3A_103 = tpu.memref_slice %arg3[%multiple_of3A_58, %dma_wait3A_102] : memref<2560x128xi32, #tpu.memory_space<hbm>> -> memref<40x128xi32, #tpu.memory_space<hbm>>
      tpu.wait_dma2 semaphore(%run_scoped3A_95 : memref<!tpu.dma_semaphore, #tpu.memory_space<semaphore_mem>>) src(%dma_wait3A_103 : memref<40x128xi32, #tpu.memory_space<hbm>>) dst(%arg6 : memref<40x128xi32, #tpu.memory_space<vmem>>)
      tpu.yield
    }) : () -> ()
    "tpu.region"() ({
      %run_scoped3A_95 = tpu.sem_alloc : memref<!tpu.dma_semaphore, #tpu.memory_space<semaphore_mem>>
      %dma_start3A_96 = arith.constant 0 : i32
      %dma_start3A_97 = tpu.memref_slice %arg4[%multiple_of3A_58, %dma_start3A_96] : memref<2560x128xi32, #tpu.memory_space<hbm>> -> memref<40x128xi32, #tpu.memory_space<hbm>>
      %dma_start3A_98 = arith.constant 0 : i32
      %dma_start3A_99 = tpu.memref_slice %arg4[%multiple_of3A_58, %dma_start3A_98] : memref<2560x128xi32, #tpu.memory_space<hbm>> -> memref<40x128xi32, #tpu.memory_space<hbm>>
      tpu.enqueue_dma source(%dma_start3A_99 : memref<40x128xi32, #tpu.memory_space<hbm>>) target(%arg7 : memref<40x128xi32, #tpu.memory_space<vmem>>) target_semaphore(%run_scoped3A_95 : memref<!tpu.dma_semaphore, #tpu.memory_space<semaphore_mem>>)
      %dma_wait3A_100 = arith.constant 0 : i32
      %dma_wait3A_101 = tpu.memref_slice %arg4[%multiple_of3A_58, %dma_wait3A_100] : memref<2560x128xi32, #tpu.memory_space<hbm>> -> memref<40x128xi32, #tpu.memory_space<hbm>>
      %dma_wait3A_102 = arith.constant 0 : i32
      %dma_wait3A_103 = tpu.memref_slice %arg4[%multiple_of3A_58, %dma_wait3A_102] : memref<2560x128xi32, #tpu.memory_space<hbm>> -> memref<40x128xi32, #tpu.memory_space<hbm>>
      tpu.wait_dma2 semaphore(%run_scoped3A_95 : memref<!tpu.dma_semaphore, #tpu.memory_space<semaphore_mem>>) src(%dma_wait3A_103 : memref<40x128xi32, #tpu.memory_space<hbm>>) dst(%arg7 : memref<40x128xi32, #tpu.memory_space<vmem>>)
      tpu.yield
    }) : () -> ()
    %dma_start3A_59 = arith.constant 0 : i32
    %dma_start3A_60 = arith.constant 0 : i32
    %dma_start3A_61 = tpu.memref_slice %arg6[%dma_start3A_59, %dma_start3A_60] : memref<40x128xi32, #tpu.memory_space<vmem>> -> memref<1x128xi32, #tpu.memory_space<vmem>>
    %dma_start3A_62 = tpu.memref_squeeze %dma_start3A_61 : memref<1x128xi32, #tpu.memory_space<vmem>> -> memref<128xi32, #tpu.memory_space<vmem>>
    %dma_start3A_63 = arith.constant 0 : i32
    %dma_start3A_64 = arith.constant 0 : i32
    %dma_start3A_65 = tpu.memref_slice %arg2[%dma_start3A_63, %dma_start3A_64] : memref<10240x128xf32, #tpu.memory_space<hbm>> -> memref<10240x128xf32, #tpu.memory_space<hbm>>
    tpu.enqueue_indirect_dma source(%dma_start3A_65 : memref<10240x128xf32, #tpu.memory_space<hbm>>) target(%arg8 : memref<128x128xf32, #tpu.memory_space<vmem>>) offsets(%dma_start3A_62 : memref<128xi32, #tpu.memory_space<vmem>>) semaphore(%arg11 : memref<!tpu.dma_semaphore, #tpu.memory_space<semaphore_mem>>)
    %dma_start3A_66 = arith.constant 1 : i32
    %dma_start3A_67 = arith.constant 0 : i32
    %dma_start3A_68 = tpu.memref_slice %arg6[%dma_start3A_66, %dma_start3A_67] : memref<40x128xi32, #tpu.memory_space<vmem>> -> memref<1x128xi32, #tpu.memory_space<vmem>>
    %dma_start3A_69 = tpu.memref_squeeze %dma_start3A_68 : memref<1x128xi32, #tpu.memory_space<vmem>> -> memref<128xi32, #tpu.memory_space<vmem>>
    %dma_start3A_70 = arith.constant 0 : i32
    %dma_start3A_71 = arith.constant 0 : i32
    %dma_start3A_72 = tpu.memref_slice %arg2[%dma_start3A_70, %dma_start3A_71] : memref<10240x128xf32, #tpu.memory_space<hbm>> -> memref<10240x128xf32, #tpu.memory_space<hbm>>
    tpu.enqueue_indirect_dma source(%dma_start3A_72 : memref<10240x128xf32, #tpu.memory_space<hbm>>) target(%arg9 : memref<128x128xf32, #tpu.memory_space<vmem>>) offsets(%dma_start3A_69 : memref<128xi32, #tpu.memory_space<vmem>>) semaphore(%arg12 : memref<!tpu.dma_semaphore, #tpu.memory_space<semaphore_mem>>)
    %scan3A_73 = arith.constant 0 : i32
    %scan3A_74 = arith.constant 19 : i32
    %scan3A_75 = arith.addi %scan3A_73, %scan3A_74 : i32
    %scan3A_76 = arith.constant 1 : i32
    scf.for %scan3A_95 = %scan3A_73 to %scan3A_75 step %scan3A_76  : i32 {
      %mul3A_96 = arith.constant 2 : i32
      %mul3A_97 = arith.muli %scan3A_95, %mul3A_96 : i32
      %add3A_98 = arith.constant 0 : i32
      %add3A_99 = arith.addi %add3A_98, %mul3A_97 : i32
      %add3A_100 = arith.constant 0 : i32
      %add3A_101 = arith.addi %add3A_99, %add3A_100 : i32
      %dma_wait3A_102 = arith.constant 0 : i32
      %dma_wait3A_103 = arith.constant 0 : i32
      %dma_wait3A_104 = tpu.memref_slice %arg6[%dma_wait3A_102, %dma_wait3A_103] : memref<40x128xi32, #tpu.memory_space<vmem>> -> memref<1x128xi32, #tpu.memory_space<vmem>>
      %dma_wait3A_105 = tpu.memref_squeeze %dma_wait3A_104 : memref<1x128xi32, #tpu.memory_space<vmem>> -> memref<128xi32, #tpu.memory_space<vmem>>
      %dma_wait3A_106 = arith.constant 0 : i32
      %dma_wait3A_107 = arith.constant 0 : i32
      %dma_wait3A_108 = tpu.memref_slice %arg2[%dma_wait3A_106, %dma_wait3A_107] : memref<10240x128xf32, #tpu.memory_space<hbm>> -> memref<10240x128xf32, #tpu.memory_space<hbm>>
      tpu.wait_indirect_dma semaphore(%arg11 : memref<!tpu.dma_semaphore, #tpu.memory_space<semaphore_mem>>) src(%dma_wait3A_108 : memref<10240x128xf32, #tpu.memory_space<hbm>>) dst(%arg8 : memref<128x128xf32, #tpu.memory_space<vmem>>)
      "tpu.region"() ({
        %run_scoped3A_134 = tpu.sem_alloc : memref<!tpu.dma_semaphore, #tpu.memory_space<semaphore_mem>>
        %dma_start3A_135 = arith.constant 0 : i32
        %dma_start3A_136 = tpu.memref_slice %arg7[%add3A_101, %dma_start3A_135] : memref<40x128xi32, #tpu.memory_space<vmem>> -> memref<1x128xi32, #tpu.memory_space<vmem>>
        %dma_start3A_137 = tpu.memref_squeeze %dma_start3A_136 : memref<1x128xi32, #tpu.memory_space<vmem>> -> memref<128xi32, #tpu.memory_space<vmem>>
        %dma_start3A_138 = arith.constant 0 : i32
        %dma_start3A_139 = arith.constant 0 : i32
        %dma_start3A_140 = tpu.memref_slice %arg10[%dma_start3A_138, %dma_start3A_139] : memref<10240x128xf32, #tpu.memory_space<vmem_shared>> -> memref<10240x128xf32, #tpu.memory_space<vmem_shared>>
        tpu.enqueue_indirect_dma source(%arg8 : memref<128x128xf32, #tpu.memory_space<vmem>>) target(%dma_start3A_140 : memref<10240x128xf32, #tpu.memory_space<vmem_shared>>) offsets(%dma_start3A_137 : memref<128xi32, #tpu.memory_space<vmem>>) semaphore(%run_scoped3A_134 : memref<!tpu.dma_semaphore, #tpu.memory_space<semaphore_mem>>) {add = true}
        %dma_wait3A_141 = arith.constant 0 : i32
        %dma_wait3A_142 = tpu.memref_slice %arg7[%add3A_101, %dma_wait3A_141] : memref<40x128xi32, #tpu.memory_space<vmem>> -> memref<1x128xi32, #tpu.memory_space<vmem>>
        %dma_wait3A_143 = tpu.memref_squeeze %dma_wait3A_142 : memref<1x128xi32, #tpu.memory_space<vmem>> -> memref<128xi32, #tpu.memory_space<vmem>>
        %dma_wait3A_144 = arith.constant 0 : i32
        %dma_wait3A_145 = arith.constant 0 : i32
        %dma_wait3A_146 = tpu.memref_slice %arg10[%dma_wait3A_144, %dma_wait3A_145] : memref<10240x128xf32, #tpu.memory_space<vmem_shared>> -> memref<10240x128xf32, #tpu.memory_space<vmem_shared>>
        tpu.wait_indirect_dma semaphore(%run_scoped3A_134 : memref<!tpu.dma_semaphore, #tpu.memory_space<semaphore_mem>>) src(%arg8 : memref<128x128xf32, #tpu.memory_space<vmem>>) dst(%dma_wait3A_146 : memref<10240x128xf32, #tpu.memory_space<vmem_shared>>)
        tpu.yield
      }) : () -> ()
      %add3A_109 = arith.constant 2 : i32
      %add3A_110 = arith.addi %add3A_101, %add3A_109 : i32
      %dma_start3A_111 = arith.constant 0 : i32
      %dma_start3A_112 = tpu.memref_slice %arg6[%add3A_110, %dma_start3A_111] : memref<40x128xi32, #tpu.memory_space<vmem>> -> memref<1x128xi32, #tpu.memory_space<vmem>>
      %dma_start3A_113 = tpu.memref_squeeze %dma_start3A_112 : memref<1x128xi32, #tpu.memory_space<vmem>> -> memref<128xi32, #tpu.memory_space<vmem>>
      %dma_start3A_114 = arith.constant 0 : i32
      %dma_start3A_115 = arith.constant 0 : i32
      %dma_start3A_116 = tpu.memref_slice %arg2[%dma_start3A_114, %dma_start3A_115] : memref<10240x128xf32, #tpu.memory_space<hbm>> -> memref<10240x128xf32, #tpu.memory_space<hbm>>
      tpu.enqueue_indirect_dma source(%dma_start3A_116 : memref<10240x128xf32, #tpu.memory_space<hbm>>) target(%arg8 : memref<128x128xf32, #tpu.memory_space<vmem>>) offsets(%dma_start3A_113 : memref<128xi32, #tpu.memory_space<vmem>>) semaphore(%arg11 : memref<!tpu.dma_semaphore, #tpu.memory_space<semaphore_mem>>)
      %add3A_117 = arith.constant 1 : i32
      %add3A_118 = arith.addi %add3A_99, %add3A_117 : i32
      %dma_wait3A_119 = arith.constant 0 : i32
      %dma_wait3A_120 = arith.constant 0 : i32
      %dma_wait3A_121 = tpu.memref_slice %arg6[%dma_wait3A_119, %dma_wait3A_120] : memref<40x128xi32, #tpu.memory_space<vmem>> -> memref<1x128xi32, #tpu.memory_space<vmem>>
      %dma_wait3A_122 = tpu.memref_squeeze %dma_wait3A_121 : memref<1x128xi32, #tpu.memory_space<vmem>> -> memref<128xi32, #tpu.memory_space<vmem>>
      %dma_wait3A_123 = arith.constant 0 : i32
      %dma_wait3A_124 = arith.constant 0 : i32
      %dma_wait3A_125 = tpu.memref_slice %arg2[%dma_wait3A_123, %dma_wait3A_124] : memref<10240x128xf32, #tpu.memory_space<hbm>> -> memref<10240x128xf32, #tpu.memory_space<hbm>>
      tpu.wait_indirect_dma semaphore(%arg12 : memref<!tpu.dma_semaphore, #tpu.memory_space<semaphore_mem>>) src(%dma_wait3A_125 : memref<10240x128xf32, #tpu.memory_space<hbm>>) dst(%arg9 : memref<128x128xf32, #tpu.memory_space<vmem>>)
      "tpu.region"() ({
        %run_scoped3A_134 = tpu.sem_alloc : memref<!tpu.dma_semaphore, #tpu.memory_space<semaphore_mem>>
        %dma_start3A_135 = arith.constant 0 : i32
        %dma_start3A_136 = tpu.memref_slice %arg7[%add3A_118, %dma_start3A_135] : memref<40x128xi32, #tpu.memory_space<vmem>> -> memref<1x128xi32, #tpu.memory_space<vmem>>
        %dma_start3A_137 = tpu.memref_squeeze %dma_start3A_136 : memref<1x128xi32, #tpu.memory_space<vmem>> -> memref<128xi32, #tpu.memory_space<vmem>>
        %dma_start3A_138 = arith.constant 0 : i32
        %dma_start3A_139 = arith.constant 0 : i32
        %dma_start3A_140 = tpu.memref_slice %arg10[%dma_start3A_138, %dma_start3A_139] : memref<10240x128xf32, #tpu.memory_space<vmem_shared>> -> memref<10240x128xf32, #tpu.memory_space<vmem_shared>>
        tpu.enqueue_indirect_dma source(%arg9 : memref<128x128xf32, #tpu.memory_space<vmem>>) target(%dma_start3A_140 : memref<10240x128xf32, #tpu.memory_space<vmem_shared>>) offsets(%dma_start3A_137 : memref<128xi32, #tpu.memory_space<vmem>>) semaphore(%run_scoped3A_134 : memref<!tpu.dma_semaphore, #tpu.memory_space<semaphore_mem>>) {add = true}
        %dma_wait3A_141 = arith.constant 0 : i32
        %dma_wait3A_142 = tpu.memref_slice %arg7[%add3A_118, %dma_wait3A_141] : memref<40x128xi32, #tpu.memory_space<vmem>> -> memref<1x128xi32, #tpu.memory_space<vmem>>
        %dma_wait3A_143 = tpu.memref_squeeze %dma_wait3A_142 : memref<1x128xi32, #tpu.memory_space<vmem>> -> memref<128xi32, #tpu.memory_space<vmem>>
        %dma_wait3A_144 = arith.constant 0 : i32
        %dma_wait3A_145 = arith.constant 0 : i32
        %dma_wait3A_146 = tpu.memref_slice %arg10[%dma_wait3A_144, %dma_wait3A_145] : memref<10240x128xf32, #tpu.memory_space<vmem_shared>> -> memref<10240x128xf32, #tpu.memory_space<vmem_shared>>
        tpu.wait_indirect_dma semaphore(%run_scoped3A_134 : memref<!tpu.dma_semaphore, #tpu.memory_space<semaphore_mem>>) src(%arg9 : memref<128x128xf32, #tpu.memory_space<vmem>>) dst(%dma_wait3A_146 : memref<10240x128xf32, #tpu.memory_space<vmem_shared>>)
        tpu.yield
      }) : () -> ()
      %add3A_126 = arith.constant 2 : i32
      %add3A_127 = arith.addi %add3A_118, %add3A_126 : i32
      %dma_start3A_128 = arith.constant 0 : i32
      %dma_start3A_129 = tpu.memref_slice %arg6[%add3A_127, %dma_start3A_128] : memref<40x128xi32, #tpu.memory_space<vmem>> -> memref<1x128xi32, #tpu.memory_space<vmem>>
      %dma_start3A_130 = tpu.memref_squeeze %dma_start3A_129 : memref<1x128xi32, #tpu.memory_space<vmem>> -> memref<128xi32, #tpu.memory_space<vmem>>
      %dma_start3A_131 = arith.constant 0 : i32
      %dma_start3A_132 = arith.constant 0 : i32
      %dma_start3A_133 = tpu.memref_slice %arg2[%dma_start3A_131, %dma_start3A_132] : memref<10240x128xf32, #tpu.memory_space<hbm>> -> memref<10240x128xf32, #tpu.memory_space<hbm>>
      tpu.enqueue_indirect_dma source(%dma_start3A_133 : memref<10240x128xf32, #tpu.memory_space<hbm>>) target(%arg9 : memref<128x128xf32, #tpu.memory_space<vmem>>) offsets(%dma_start3A_130 : memref<128xi32, #tpu.memory_space<vmem>>) semaphore(%arg12 : memref<!tpu.dma_semaphore, #tpu.memory_space<semaphore_mem>>)
    }
    %scan3A_77 = arith.constant 19 : i32
    %dma_wait3A_78 = arith.constant 0 : i32
    %dma_wait3A_79 = arith.constant 0 : i32
    %dma_wait3A_80 = tpu.memref_slice %arg6[%dma_wait3A_78, %dma_wait3A_79] : memref<40x128xi32, #tpu.memory_space<vmem>> -> memref<1x128xi32, #tpu.memory_space<vmem>>
    %dma_wait3A_81 = tpu.memref_squeeze %dma_wait3A_80 : memref<1x128xi32, #tpu.memory_space<vmem>> -> memref<128xi32, #tpu.memory_space<vmem>>
    %dma_wait3A_82 = arith.constant 0 : i32
    %dma_wait3A_83 = arith.constant 0 : i32
    %dma_wait3A_84 = tpu.memref_slice %arg2[%dma_wait3A_82, %dma_wait3A_83] : memref<10240x128xf32, #tpu.memory_space<hbm>> -> memref<10240x128xf32, #tpu.memory_space<hbm>>
    tpu.wait_indirect_dma semaphore(%arg11 : memref<!tpu.dma_semaphore, #tpu.memory_space<semaphore_mem>>) src(%dma_wait3A_84 : memref<10240x128xf32, #tpu.memory_space<hbm>>) dst(%arg8 : memref<128x128xf32, #tpu.memory_space<vmem>>)
    %run_scoped3A_85 = arith.constant 38 : i32
    "tpu.region"() ({
      %run_scoped3A_95 = tpu.sem_alloc : memref<!tpu.dma_semaphore, #tpu.memory_space<semaphore_mem>>
      %dma_start3A_96 = arith.constant 0 : i32
      %dma_start3A_97 = tpu.memref_slice %arg7[%run_scoped3A_85, %dma_start3A_96] : memref<40x128xi32, #tpu.memory_space<vmem>> -> memref<1x128xi32, #tpu.memory_space<vmem>>
      %dma_start3A_98 = tpu.memref_squeeze %dma_start3A_97 : memref<1x128xi32, #tpu.memory_space<vmem>> -> memref<128xi32, #tpu.memory_space<vmem>>
      %dma_start3A_99 = arith.constant 0 : i32
      %dma_start3A_100 = arith.constant 0 : i32
      %dma_start3A_101 = tpu.memref_slice %arg10[%dma_start3A_99, %dma_start3A_100] : memref<10240x128xf32, #tpu.memory_space<vmem_shared>> -> memref<10240x128xf32, #tpu.memory_space<vmem_shared>>
      tpu.enqueue_indirect_dma source(%arg8 : memref<128x128xf32, #tpu.memory_space<vmem>>) target(%dma_start3A_101 : memref<10240x128xf32, #tpu.memory_space<vmem_shared>>) offsets(%dma_start3A_98 : memref<128xi32, #tpu.memory_space<vmem>>) semaphore(%run_scoped3A_95 : memref<!tpu.dma_semaphore, #tpu.memory_space<semaphore_mem>>) {add = true}
      %dma_wait3A_102 = arith.constant 0 : i32
      %dma_wait3A_103 = tpu.memref_slice %arg7[%run_scoped3A_85, %dma_wait3A_102] : memref<40x128xi32, #tpu.memory_space<vmem>> -> memref<1x128xi32, #tpu.memory_space<vmem>>
      %dma_wait3A_104 = tpu.memref_squeeze %dma_wait3A_103 : memref<1x128xi32, #tpu.memory_space<vmem>> -> memref<128xi32, #tpu.memory_space<vmem>>
      %dma_wait3A_105 = arith.constant 0 : i32
      %dma_wait3A_106 = arith.constant 0 : i32
      %dma_wait3A_107 = tpu.memref_slice %arg10[%dma_wait3A_105, %dma_wait3A_106] : memref<10240x128xf32, #tpu.memory_space<vmem_shared>> -> memref<10240x128xf32, #tpu.memory_space<vmem_shared>>
      tpu.wait_indirect_dma semaphore(%run_scoped3A_95 : memref<!tpu.dma_semaphore, #tpu.memory_space<semaphore_mem>>) src(%arg8 : memref<128x128xf32, #tpu.memory_space<vmem>>) dst(%dma_wait3A_107 : memref<10240x128xf32, #tpu.memory_space<vmem_shared>>)
      tpu.yield
    }) : () -> ()
    %dma_wait3A_86 = arith.constant 0 : i32
    %dma_wait3A_87 = arith.constant 0 : i32
    %dma_wait3A_88 = tpu.memref_slice %arg6[%dma_wait3A_86, %dma_wait3A_87] : memref<40x128xi32, #tpu.memory_space<vmem>> -> memref<1x128xi32, #tpu.memory_space<vmem>>
    %dma_wait3A_89 = tpu.memref_squeeze %dma_wait3A_88 : memref<1x128xi32, #tpu.memory_space<vmem>> -> memref<128xi32, #tpu.memory_space<vmem>>
    %dma_wait3A_90 = arith.constant 0 : i32
    %dma_wait3A_91 = arith.constant 0 : i32
    %dma_wait3A_92 = tpu.memref_slice %arg2[%dma_wait3A_90, %dma_wait3A_91] : memref<10240x128xf32, #tpu.memory_space<hbm>> -> memref<10240x128xf32, #tpu.memory_space<hbm>>
    tpu.wait_indirect_dma semaphore(%arg12 : memref<!tpu.dma_semaphore, #tpu.memory_space<semaphore_mem>>) src(%dma_wait3A_92 : memref<10240x128xf32, #tpu.memory_space<hbm>>) dst(%arg9 : memref<128x128xf32, #tpu.memory_space<vmem>>)
    %run_scoped3A_93 = arith.constant 39 : i32
    "tpu.region"() ({
      %run_scoped3A_95 = tpu.sem_alloc : memref<!tpu.dma_semaphore, #tpu.memory_space<semaphore_mem>>
      %dma_start3A_96 = arith.constant 0 : i32
      %dma_start3A_97 = tpu.memref_slice %arg7[%run_scoped3A_93, %dma_start3A_96] : memref<40x128xi32, #tpu.memory_space<vmem>> -> memref<1x128xi32, #tpu.memory_space<vmem>>
      %dma_start3A_98 = tpu.memref_squeeze %dma_start3A_97 : memref<1x128xi32, #tpu.memory_space<vmem>> -> memref<128xi32, #tpu.memory_space<vmem>>
      %dma_start3A_99 = arith.constant 0 : i32
      %dma_start3A_100 = arith.constant 0 : i32
      %dma_start3A_101 = tpu.memref_slice %arg10[%dma_start3A_99, %dma_start3A_100] : memref<10240x128xf32, #tpu.memory_space<vmem_shared>> -> memref<10240x128xf32, #tpu.memory_space<vmem_shared>>
      tpu.enqueue_indirect_dma source(%arg9 : memref<128x128xf32, #tpu.memory_space<vmem>>) target(%dma_start3A_101 : memref<10240x128xf32, #tpu.memory_space<vmem_shared>>) offsets(%dma_start3A_98 : memref<128xi32, #tpu.memory_space<vmem>>) semaphore(%run_scoped3A_95 : memref<!tpu.dma_semaphore, #tpu.memory_space<semaphore_mem>>) {add = true}
      %dma_wait3A_102 = arith.constant 0 : i32
      %dma_wait3A_103 = tpu.memref_slice %arg7[%run_scoped3A_93, %dma_wait3A_102] : memref<40x128xi32, #tpu.memory_space<vmem>> -> memref<1x128xi32, #tpu.memory_space<vmem>>
      %dma_wait3A_104 = tpu.memref_squeeze %dma_wait3A_103 : memref<1x128xi32, #tpu.memory_space<vmem>> -> memref<128xi32, #tpu.memory_space<vmem>>
      %dma_wait3A_105 = arith.constant 0 : i32
      %dma_wait3A_106 = arith.constant 0 : i32
      %dma_wait3A_107 = tpu.memref_slice %arg10[%dma_wait3A_105, %dma_wait3A_106] : memref<10240x128xf32, #tpu.memory_space<vmem_shared>> -> memref<10240x128xf32, #tpu.memory_space<vmem_shared>>
      tpu.wait_indirect_dma semaphore(%run_scoped3A_95 : memref<!tpu.dma_semaphore, #tpu.memory_space<semaphore_mem>>) src(%arg9 : memref<128x128xf32, #tpu.memory_space<vmem>>) dst(%dma_wait3A_107 : memref<10240x128xf32, #tpu.memory_space<vmem_shared>>)
      tpu.yield
    }) : () -> ()
    %barrier3A_94 = arith.constant 0 : index
    tpu.barrier barrier_id(%barrier3A_94)
    "tpu.region"() ({
      %run_scoped3A_95 = tpu.sem_alloc : memref<!tpu.dma_semaphore, #tpu.memory_space<semaphore_mem>>
      %dma_start3A_96 = arith.constant 0 : i32
      %dma_start3A_97 = tpu.memref_slice %arg5[%arg0, %multiple_of3A, %dma_start3A_96] : memref<2x10240x128xf32, #tpu.memory_space<hbm>> -> memref<1x640x128xf32, #tpu.memory_space<hbm>>
      %dma_start3A_98 = tpu.memref_squeeze %dma_start3A_97 : memref<1x640x128xf32, #tpu.memory_space<hbm>> -> memref<640x128xf32, #tpu.memory_space<hbm>>
      %dma_start3A_99 = arith.constant 0 : i32
      %dma_start3A_100 = tpu.memref_slice %arg10[%multiple_of3A, %dma_start3A_99] : memref<10240x128xf32, #tpu.memory_space<vmem_shared>> -> memref<640x128xf32, #tpu.memory_space<vmem_shared>>
      tpu.enqueue_dma source(%dma_start3A_100 : memref<640x128xf32, #tpu.memory_space<vmem_shared>>) target(%dma_start3A_98 : memref<640x128xf32, #tpu.memory_space<hbm>>) target_semaphore(%run_scoped3A_95 : memref<!tpu.dma_semaphore, #tpu.memory_space<semaphore_mem>>)
      %dma_wait3A_101 = arith.constant 0 : i32
      %dma_wait3A_102 = tpu.memref_slice %arg5[%arg0, %multiple_of3A, %dma_wait3A_101] : memref<2x10240x128xf32, #tpu.memory_space<hbm>> -> memref<1x640x128xf32, #tpu.memory_space<hbm>>
      %dma_wait3A_103 = tpu.memref_squeeze %dma_wait3A_102 : memref<1x640x128xf32, #tpu.memory_space<hbm>> -> memref<640x128xf32, #tpu.memory_space<hbm>>
      %dma_wait3A_104 = arith.constant 0 : i32
      %dma_wait3A_105 = tpu.memref_slice %arg10[%multiple_of3A, %dma_wait3A_104] : memref<10240x128xf32, #tpu.memory_space<vmem_shared>> -> memref<640x128xf32, #tpu.memory_space<vmem_shared>>
      tpu.wait_dma2 semaphore(%run_scoped3A_95 : memref<!tpu.dma_semaphore, #tpu.memory_space<semaphore_mem>>) src(%dma_wait3A_105 : memref<640x128xf32, #tpu.memory_space<vmem_shared>>) dst(%dma_wait3A_103 : memref<640x128xf32, #tpu.memory_space<hbm>>)
      tpu.yield
    }) : () -> ()
    return
  }
}

#map = affine_map<(d0, d1) -> (0, 0)>
#map1 = affine_map<(d0, d1) -> (0, 0, 0)>
module attributes {stable_mosaic.version = 14 : i64} {
  func.func @agg_kernel(%arg0: i32, %arg1: i32, %arg2: memref<10240x128xf32, #tpu.memory_space<hbm>>, %arg3: memref<2560x128xi32, #tpu.memory_space<hbm>>, %arg4: memref<2560x128xi32, #tpu.memory_space<hbm>>, %arg5: memref<2x10240x128xf32, #tpu.memory_space<hbm>>, %arg6: memref<40x128xi32, #tpu.memory_space<vmem>>, %arg7: memref<40x128xi32, #tpu.memory_space<vmem>>, %arg8: memref<128x128xf32, #tpu.memory_space<vmem>>, %arg9: memref<128x128xf32, #tpu.memory_space<vmem>>, %arg10: memref<10240x128xf32, #tpu.memory_space<vmem_shared>>, %arg11: memref<!tpu.dma_semaphore, #tpu.memory_space<semaphore_mem>>, %arg12: memref<!tpu.dma_semaphore, #tpu.memory_space<semaphore_mem>>) attributes {dimension_semantics = [#tpu.dimension_semantics<core_parallel>, #tpu.dimension_semantics<subcore_parallel>], iteration_bounds = array<i64: 2, 16>, scalar_prefetch = 0 : i64, scratch_operands = 7 : i64, tpu.core_type = #tpu.core_type<sc_vector_subcore>, window_params = [{transform_indices = #map}, {transform_indices = #map}, {transform_indices = #map}, {transform_indices = #map1}]} {
    %mul3A = arith.constant 2 : i32
    %mul3A_0 = arith.muli %arg1, %mul3A : i32
    %add3A = arith.addi %mul3A_0, %arg0 : i32
    %mul3A_1 = arith.constant 640 : i32
    %mul3A_2 = arith.muli %arg1, %mul3A_1 : i32
    %multiple_of3A = tpu.assume_multiple %mul3A_2, 8 : i32
    %scan3A = arith.constant 0 : i32
    %scan3A_3 = arith.constant 128 : i32
    %scan3A_4 = arith.addi %scan3A, %scan3A_3 : i32
    %scan3A_5 = arith.constant 1 : i32
    scf.for %scan3A_95 = %scan3A to %scan3A_4 step %scan3A_5  : i32 {
      %mul3A_96 = arith.constant 1 : i32
      %mul3A_97 = arith.muli %scan3A_95, %mul3A_96 : i32
      %add3A_98 = arith.constant 0 : i32
      %add3A_99 = arith.addi %add3A_98, %mul3A_97 : i32
      %scan3A_100 = arith.constant 0 : i32
      %scan3A_101 = arith.constant 8 : i32
      %scan3A_102 = arith.addi %scan3A_100, %scan3A_101 : i32
      %scan3A_103 = arith.constant 1 : i32
      scf.for %scan3A_105 = %scan3A_100 to %scan3A_102 step %scan3A_103  : i32 {
        %mul3A_106 = arith.constant 16 : i32
        %mul3A_107 = arith.muli %scan3A_105, %mul3A_106 : i32
        %add3A_108 = arith.constant 0 : i32
        %add3A_109 = arith.addi %add3A_108, %mul3A_107 : i32
        %broadcast_in_dim3A = arith.constant 0.000000e+00 : f32
        %broadcast_in_dim3A_110 = vector.broadcast %broadcast_in_dim3A : f32 to vector<16xf32>
        %swap3A = arith.index_cast %add3A_99 : i32 to index
        %swap3A_111 = arith.index_cast %add3A_109 : i32 to index
        %swap3A_112 = tpu.vector_load %arg8[%swap3A, %swap3A_111] {strides = array<i32>} : memref<128x128xf32, #tpu.memory_space<vmem>>, vector<1x16xf32>,
        %swap3A_113 = vector.shape_cast %swap3A_112 : vector<1x16xf32> to vector<16xf32>
        %swap3A_114 = vector.shape_cast %broadcast_in_dim3A_110 : vector<16xf32> to vector<1x16xf32>
        tpu.vector_store %arg8[%swap3A, %swap3A_111], %swap3A_114 {strides = array<i32>} : memref<128x128xf32, #tpu.memory_space<vmem>>, vector<1x16xf32>,
      }
      %scan3A_104 = arith.constant 8 : i32
    }
    %scan3A_6 = arith.constant 128 : i32
    %add3A_7 = arith.constant 0 : i32
    %add3A_8 = arith.addi %multiple_of3A, %add3A_7 : i32
    "tpu.region"() ({
      %run_scoped3A_95 = tpu.sem_alloc : memref<!tpu.dma_semaphore, #tpu.memory_space<semaphore_mem>>
      %dma_start3A_96 = arith.constant 0 : i32
      %dma_start3A_97 = tpu.memref_slice %arg10[%add3A_8, %dma_start3A_96] : memref<10240x128xf32, #tpu.memory_space<vmem_shared>> -> memref<128x128xf32, #tpu.memory_space<vmem_shared>>
      %dma_start3A_98 = arith.constant 0 : i32
      %dma_start3A_99 = tpu.memref_slice %arg10[%add3A_8, %dma_start3A_98] : memref<10240x128xf32, #tpu.memory_space<vmem_shared>> -> memref<128x128xf32, #tpu.memory_space<vmem_shared>>
      tpu.enqueue_dma source(%arg8 : memref<128x128xf32, #tpu.memory_space<vmem>>) target(%dma_start3A_99 : memref<128x128xf32, #tpu.memory_space<vmem_shared>>) target_semaphore(%run_scoped3A_95 : memref<!tpu.dma_semaphore, #tpu.memory_space<semaphore_mem>>)
      %dma_wait3A_100 = arith.constant 0 : i32
      %dma_wait3A_101 = tpu.memref_slice %arg10[%add3A_8, %dma_wait3A_100] : memref<10240x128xf32, #tpu.memory_space<vmem_shared>> -> memref<128x128xf32, #tpu.memory_space<vmem_shared>>
      %dma_wait3A_102 = arith.constant 0 : i32
      %dma_wait3A_103 = tpu.memref_slice %arg10[%add3A_8, %dma_wait3A_102] : memref<10240x128xf32, #tpu.memory_space<vmem_shared>> -> memref<128x128xf32, #tpu.memory_space<vmem_shared>>
      tpu.wait_dma2 semaphore(%run_scoped3A_95 : memref<!tpu.dma_semaphore, #tpu.memory_space<semaphore_mem>>) src(%arg8 : memref<128x128xf32, #tpu.memory_space<vmem>>) dst(%dma_wait3A_103 : memref<128x128xf32, #tpu.memory_space<vmem_shared>>)
      tpu.yield
    }) : () -> ()
    %add3A_9 = arith.constant 128 : i32
    %add3A_10 = arith.addi %multiple_of3A, %add3A_9 : i32
    "tpu.region"() ({
      %run_scoped3A_95 = tpu.sem_alloc : memref<!tpu.dma_semaphore, #tpu.memory_space<semaphore_mem>>
      %dma_start3A_96 = arith.constant 0 : i32
      %dma_start3A_97 = tpu.memref_slice %arg10[%add3A_10, %dma_start3A_96] : memref<10240x128xf32, #tpu.memory_space<vmem_shared>> -> memref<128x128xf32, #tpu.memory_space<vmem_shared>>
      %dma_start3A_98 = arith.constant 0 : i32
      %dma_start3A_99 = tpu.memref_slice %arg10[%add3A_10, %dma_start3A_98] : memref<10240x128xf32, #tpu.memory_space<vmem_shared>> -> memref<128x128xf32, #tpu.memory_space<vmem_shared>>
      tpu.enqueue_dma source(%arg8 : memref<128x128xf32, #tpu.memory_space<vmem>>) target(%dma_start3A_99 : memref<128x128xf32, #tpu.memory_space<vmem_shared>>) target_semaphore(%run_scoped3A_95 : memref<!tpu.dma_semaphore, #tpu.memory_space<semaphore_mem>>)
      %dma_wait3A_100 = arith.constant 0 : i32
      %dma_wait3A_101 = tpu.memref_slice %arg10[%add3A_10, %dma_wait3A_100] : memref<10240x128xf32, #tpu.memory_space<vmem_shared>> -> memref<128x128xf32, #tpu.memory_space<vmem_shared>>
      %dma_wait3A_102 = arith.constant 0 : i32
      %dma_wait3A_103 = tpu.memref_slice %arg10[%add3A_10, %dma_wait3A_102] : memref<10240x128xf32, #tpu.memory_space<vmem_shared>> -> memref<128x128xf32, #tpu.memory_space<vmem_shared>>
      tpu.wait_dma2 semaphore(%run_scoped3A_95 : memref<!tpu.dma_semaphore, #tpu.memory_space<semaphore_mem>>) src(%arg8 : memref<128x128xf32, #tpu.memory_space<vmem>>) dst(%dma_wait3A_103 : memref<128x128xf32, #tpu.memory_space<vmem_shared>>)
      tpu.yield
    }) : () -> ()
    %add3A_11 = arith.constant 256 : i32
    %add3A_12 = arith.addi %multiple_of3A, %add3A_11 : i32
    "tpu.region"() ({
      %run_scoped3A_95 = tpu.sem_alloc : memref<!tpu.dma_semaphore, #tpu.memory_space<semaphore_mem>>
      %dma_start3A_96 = arith.constant 0 : i32
      %dma_start3A_97 = tpu.memref_slice %arg10[%add3A_12, %dma_start3A_96] : memref<10240x128xf32, #tpu.memory_space<vmem_shared>> -> memref<128x128xf32, #tpu.memory_space<vmem_shared>>
      %dma_start3A_98 = arith.constant 0 : i32
      %dma_start3A_99 = tpu.memref_slice %arg10[%add3A_12, %dma_start3A_98] : memref<10240x128xf32, #tpu.memory_space<vmem_shared>> -> memref<128x128xf32, #tpu.memory_space<vmem_shared>>
      tpu.enqueue_dma source(%arg8 : memref<128x128xf32, #tpu.memory_space<vmem>>) target(%dma_start3A_99 : memref<128x128xf32, #tpu.memory_space<vmem_shared>>) target_semaphore(%run_scoped3A_95 : memref<!tpu.dma_semaphore, #tpu.memory_space<semaphore_mem>>)
      %dma_wait3A_100 = arith.constant 0 : i32
      %dma_wait3A_101 = tpu.memref_slice %arg10[%add3A_12, %dma_wait3A_100] : memref<10240x128xf32, #tpu.memory_space<vmem_shared>> -> memref<128x128xf32, #tpu.memory_space<vmem_shared>>
      %dma_wait3A_102 = arith.constant 0 : i32
      %dma_wait3A_103 = tpu.memref_slice %arg10[%add3A_12, %dma_wait3A_102] : memref<10240x128xf32, #tpu.memory_space<vmem_shared>> -> memref<128x128xf32, #tpu.memory_space<vmem_shared>>
      tpu.wait_dma2 semaphore(%run_scoped3A_95 : memref<!tpu.dma_semaphore, #tpu.memory_space<semaphore_mem>>) src(%arg8 : memref<128x128xf32, #tpu.memory_space<vmem>>) dst(%dma_wait3A_103 : memref<128x128xf32, #tpu.memory_space<vmem_shared>>)
      tpu.yield
    }) : () -> ()
    %add3A_13 = arith.constant 384 : i32
    %add3A_14 = arith.addi %multiple_of3A, %add3A_13 : i32
    "tpu.region"() ({
      %run_scoped3A_95 = tpu.sem_alloc : memref<!tpu.dma_semaphore, #tpu.memory_space<semaphore_mem>>
      %dma_start3A_96 = arith.constant 0 : i32
      %dma_start3A_97 = tpu.memref_slice %arg10[%add3A_14, %dma_start3A_96] : memref<10240x128xf32, #tpu.memory_space<vmem_shared>> -> memref<128x128xf32, #tpu.memory_space<vmem_shared>>
      %dma_start3A_98 = arith.constant 0 : i32
      %dma_start3A_99 = tpu.memref_slice %arg10[%add3A_14, %dma_start3A_98] : memref<10240x128xf32, #tpu.memory_space<vmem_shared>> -> memref<128x128xf32, #tpu.memory_space<vmem_shared>>
      tpu.enqueue_dma source(%arg8 : memref<128x128xf32, #tpu.memory_space<vmem>>) target(%dma_start3A_99 : memref<128x128xf32, #tpu.memory_space<vmem_shared>>) target_semaphore(%run_scoped3A_95 : memref<!tpu.dma_semaphore, #tpu.memory_space<semaphore_mem>>)
      %dma_wait3A_100 = arith.constant 0 : i32
      %dma_wait3A_101 = tpu.memref_slice %arg10[%add3A_14, %dma_wait3A_100] : memref<10240x128xf32, #tpu.memory_space<vmem_shared>> -> memref<128x128xf32, #tpu.memory_space<vmem_shared>>
      %dma_wait3A_102 = arith.constant 0 : i32
      %dma_wait3A_103 = tpu.memref_slice %arg10[%add3A_14, %dma_wait3A_102] : memref<10240x128xf32, #tpu.memory_space<vmem_shared>> -> memref<128x128xf32, #tpu.memory_space<vmem_shared>>
      tpu.wait_dma2 semaphore(%run_scoped3A_95 : memref<!tpu.dma_semaphore, #tpu.memory_space<semaphore_mem>>) src(%arg8 : memref<128x128xf32, #tpu.memory_space<vmem>>) dst(%dma_wait3A_103 : memref<128x128xf32, #tpu.memory_space<vmem_shared>>)
      tpu.yield
    }) : () -> ()
    %add3A_15 = arith.constant 512 : i32
    %add3A_16 = arith.addi %multiple_of3A, %add3A_15 : i32
    "tpu.region"() ({
      %run_scoped3A_95 = tpu.sem_alloc : memref<!tpu.dma_semaphore, #tpu.memory_space<semaphore_mem>>
      %dma_start3A_96 = arith.constant 0 : i32
      %dma_start3A_97 = tpu.memref_slice %arg10[%add3A_16, %dma_start3A_96] : memref<10240x128xf32, #tpu.memory_space<vmem_shared>> -> memref<128x128xf32, #tpu.memory_space<vmem_shared>>
      %dma_start3A_98 = arith.constant 0 : i32
      %dma_start3A_99 = tpu.memref_slice %arg10[%add3A_16, %dma_start3A_98] : memref<10240x128xf32, #tpu.memory_space<vmem_shared>> -> memref<128x128xf32, #tpu.memory_space<vmem_shared>>
      tpu.enqueue_dma source(%arg8 : memref<128x128xf32, #tpu.memory_space<vmem>>) target(%dma_start3A_99 : memref<128x128xf32, #tpu.memory_space<vmem_shared>>) target_semaphore(%run_scoped3A_95 : memref<!tpu.dma_semaphore, #tpu.memory_space<semaphore_mem>>)
      %dma_wait3A_100 = arith.constant 0 : i32
      %dma_wait3A_101 = tpu.memref_slice %arg10[%add3A_16, %dma_wait3A_100] : memref<10240x128xf32, #tpu.memory_space<vmem_shared>> -> memref<128x128xf32, #tpu.memory_space<vmem_shared>>
      %dma_wait3A_102 = arith.constant 0 : i32
      %dma_wait3A_103 = tpu.memref_slice %arg10[%add3A_16, %dma_wait3A_102] : memref<10240x128xf32, #tpu.memory_space<vmem_shared>> -> memref<128x128xf32, #tpu.memory_space<vmem_shared>>
      tpu.wait_dma2 semaphore(%run_scoped3A_95 : memref<!tpu.dma_semaphore, #tpu.memory_space<semaphore_mem>>) src(%arg8 : memref<128x128xf32, #tpu.memory_space<vmem>>) dst(%dma_wait3A_103 : memref<128x128xf32, #tpu.memory_space<vmem_shared>>)
      tpu.yield
    }) : () -> ()
    %barrier3A = arith.constant 0 : index
    tpu.barrier barrier_id(%barrier3A)
    %mul3A_17 = arith.constant 80 : i32
    %mul3A_18 = arith.muli %add3A, %mul3A_17 : i32
    %add3A_19 = arith.constant 0 : i32
    %add3A_20 = arith.addi %mul3A_18, %add3A_19 : i32
    %multiple_of3A_21 = tpu.assume_multiple %add3A_20, 8 : i32
    "tpu.region"() ({
      %run_scoped3A_95 = tpu.sem_alloc : memref<!tpu.dma_semaphore, #tpu.memory_space<semaphore_mem>>
      %dma_start3A_96 = arith.constant 0 : i32
      %dma_start3A_97 = tpu.memref_slice %arg3[%multiple_of3A_21, %dma_start3A_96] : memref<2560x128xi32, #tpu.memory_space<hbm>> -> memref<40x128xi32, #tpu.memory_space<hbm>>
      %dma_start3A_98 = arith.constant 0 : i32
      %dma_start3A_99 = tpu.memref_slice %arg3[%multiple_of3A_21, %dma_start3A_98] : memref<2560x128xi32, #tpu.memory_space<hbm>> -> memref<40x128xi32, #tpu.memory_space<hbm>>
      tpu.enqueue_dma source(%dma_start3A_99 : memref<40x128xi32, #tpu.memory_space<hbm>>) target(%arg6 : memref<40x128xi32, #tpu.memory_space<vmem>>) target_semaphore(%run_scoped3A_95 : memref<!tpu.dma_semaphore, #tpu.memory_space<semaphore_mem>>)
      %dma_wait3A_100 = arith.constant 0 : i32
      %dma_wait3A_101 = tpu.memref_slice %arg3[%multiple_of3A_21, %dma_wait3A_100] : memref<2560x128xi32, #tpu.memory_space<hbm>> -> memref<40x128xi32, #tpu.memory_space<hbm>>
      %dma_wait3A_102 = arith.constant 0 : i32
      %dma_wait3A_103 = tpu.memref_slice %arg3[%multiple_of3A_21, %dma_wait3A_102] : memref<2560x128xi32, #tpu.memory_space<hbm>> -> memref<40x128xi32, #tpu.memory_space<hbm>>
      tpu.wait_dma2 semaphore(%run_scoped3A_95 : memref<!tpu.dma_semaphore, #tpu.memory_space<semaphore_mem>>) src(%dma_wait3A_103 : memref<40x128xi32, #tpu.memory_space<hbm>>) dst(%arg6 : memref<40x128xi32, #tpu.memory_space<vmem>>)
      tpu.yield
    }) : () -> ()
    "tpu.region"() ({
      %run_scoped3A_95 = tpu.sem_alloc : memref<!tpu.dma_semaphore, #tpu.memory_space<semaphore_mem>>
      %dma_start3A_96 = arith.constant 0 : i32
      %dma_start3A_97 = tpu.memref_slice %arg4[%multiple_of3A_21, %dma_start3A_96] : memref<2560x128xi32, #tpu.memory_space<hbm>> -> memref<40x128xi32, #tpu.memory_space<hbm>>
      %dma_start3A_98 = arith.constant 0 : i32
      %dma_start3A_99 = tpu.memref_slice %arg4[%multiple_of3A_21, %dma_start3A_98] : memref<2560x128xi32, #tpu.memory_space<hbm>> -> memref<40x128xi32, #tpu.memory_space<hbm>>
      tpu.enqueue_dma source(%dma_start3A_99 : memref<40x128xi32, #tpu.memory_space<hbm>>) target(%arg7 : memref<40x128xi32, #tpu.memory_space<vmem>>) target_semaphore(%run_scoped3A_95 : memref<!tpu.dma_semaphore, #tpu.memory_space<semaphore_mem>>)
      %dma_wait3A_100 = arith.constant 0 : i32
      %dma_wait3A_101 = tpu.memref_slice %arg4[%multiple_of3A_21, %dma_wait3A_100] : memref<2560x128xi32, #tpu.memory_space<hbm>> -> memref<40x128xi32, #tpu.memory_space<hbm>>
      %dma_wait3A_102 = arith.constant 0 : i32
      %dma_wait3A_103 = tpu.memref_slice %arg4[%multiple_of3A_21, %dma_wait3A_102] : memref<2560x128xi32, #tpu.memory_space<hbm>> -> memref<40x128xi32, #tpu.memory_space<hbm>>
      tpu.wait_dma2 semaphore(%run_scoped3A_95 : memref<!tpu.dma_semaphore, #tpu.memory_space<semaphore_mem>>) src(%dma_wait3A_103 : memref<40x128xi32, #tpu.memory_space<hbm>>) dst(%arg7 : memref<40x128xi32, #tpu.memory_space<vmem>>)
      tpu.yield
    }) : () -> ()
    %dma_start3A = arith.constant 0 : i32
    %dma_start3A_22 = arith.constant 0 : i32
    %dma_start3A_23 = tpu.memref_slice %arg6[%dma_start3A, %dma_start3A_22] : memref<40x128xi32, #tpu.memory_space<vmem>> -> memref<1x128xi32, #tpu.memory_space<vmem>>
    %dma_start3A_24 = tpu.memref_squeeze %dma_start3A_23 : memref<1x128xi32, #tpu.memory_space<vmem>> -> memref<128xi32, #tpu.memory_space<vmem>>
    %dma_start3A_25 = arith.constant 0 : i32
    %dma_start3A_26 = arith.constant 0 : i32
    %dma_start3A_27 = tpu.memref_slice %arg2[%dma_start3A_25, %dma_start3A_26] : memref<10240x128xf32, #tpu.memory_space<hbm>> -> memref<10240x128xf32, #tpu.memory_space<hbm>>
    tpu.enqueue_indirect_dma source(%dma_start3A_27 : memref<10240x128xf32, #tpu.memory_space<hbm>>) target(%arg8 : memref<128x128xf32, #tpu.memory_space<vmem>>) offsets(%dma_start3A_24 : memref<128xi32, #tpu.memory_space<vmem>>) semaphore(%arg11 : memref<!tpu.dma_semaphore, #tpu.memory_space<semaphore_mem>>)
    %dma_start3A_28 = arith.constant 1 : i32
    %dma_start3A_29 = arith.constant 0 : i32
    %dma_start3A_30 = tpu.memref_slice %arg6[%dma_start3A_28, %dma_start3A_29] : memref<40x128xi32, #tpu.memory_space<vmem>> -> memref<1x128xi32, #tpu.memory_space<vmem>>
    %dma_start3A_31 = tpu.memref_squeeze %dma_start3A_30 : memref<1x128xi32, #tpu.memory_space<vmem>> -> memref<128xi32, #tpu.memory_space<vmem>>
    %dma_start3A_32 = arith.constant 0 : i32
    %dma_start3A_33 = arith.constant 0 : i32
    %dma_start3A_34 = tpu.memref_slice %arg2[%dma_start3A_32, %dma_start3A_33] : memref<10240x128xf32, #tpu.memory_space<hbm>> -> memref<10240x128xf32, #tpu.memory_space<hbm>>
    tpu.enqueue_indirect_dma source(%dma_start3A_34 : memref<10240x128xf32, #tpu.memory_space<hbm>>) target(%arg9 : memref<128x128xf32, #tpu.memory_space<vmem>>) offsets(%dma_start3A_31 : memref<128xi32, #tpu.memory_space<vmem>>) semaphore(%arg12 : memref<!tpu.dma_semaphore, #tpu.memory_space<semaphore_mem>>)
    %scan3A_35 = arith.constant 0 : i32
    %scan3A_36 = arith.constant 19 : i32
    %scan3A_37 = arith.addi %scan3A_35, %scan3A_36 : i32
    %scan3A_38 = arith.constant 1 : i32
    scf.for %scan3A_95 = %scan3A_35 to %scan3A_37 step %scan3A_38  : i32 {
      %mul3A_96 = arith.constant 2 : i32
      %mul3A_97 = arith.muli %scan3A_95, %mul3A_96 : i32
      %add3A_98 = arith.constant 0 : i32
      %add3A_99 = arith.addi %add3A_98, %mul3A_97 : i32
      %add3A_100 = arith.constant 0 : i32
      %add3A_101 = arith.addi %add3A_99, %add3A_100 : i32
      %dma_wait3A_102 = arith.constant 0 : i32
      %dma_wait3A_103 = arith.constant 0 : i32
      %dma_wait3A_104 = tpu.memref_slice %arg6[%dma_wait3A_102, %dma_wait3A_103] : memref<40x128xi32, #tpu.memory_space<vmem>> -> memref<1x128xi32, #tpu.memory_space<vmem>>
      %dma_wait3A_105 = tpu.memref_squeeze %dma_wait3A_104 : memref<1x128xi32, #tpu.memory_space<vmem>> -> memref<128xi32, #tpu.memory_space<vmem>>
      %dma_wait3A_106 = arith.constant 0 : i32
      %dma_wait3A_107 = arith.constant 0 : i32
      %dma_wait3A_108 = tpu.memref_slice %arg2[%dma_wait3A_106, %dma_wait3A_107] : memref<10240x128xf32, #tpu.memory_space<hbm>> -> memref<10240x128xf32, #tpu.memory_space<hbm>>
      tpu.wait_indirect_dma semaphore(%arg11 : memref<!tpu.dma_semaphore, #tpu.memory_space<semaphore_mem>>) src(%dma_wait3A_108 : memref<10240x128xf32, #tpu.memory_space<hbm>>) dst(%arg8 : memref<128x128xf32, #tpu.memory_space<vmem>>)
      "tpu.region"() ({
        %run_scoped3A_134 = tpu.sem_alloc : memref<!tpu.dma_semaphore, #tpu.memory_space<semaphore_mem>>
        %dma_start3A_135 = arith.constant 0 : i32
        %dma_start3A_136 = tpu.memref_slice %arg7[%add3A_101, %dma_start3A_135] : memref<40x128xi32, #tpu.memory_space<vmem>> -> memref<1x128xi32, #tpu.memory_space<vmem>>
        %dma_start3A_137 = tpu.memref_squeeze %dma_start3A_136 : memref<1x128xi32, #tpu.memory_space<vmem>> -> memref<128xi32, #tpu.memory_space<vmem>>
        %dma_start3A_138 = arith.constant 0 : i32
        %dma_start3A_139 = arith.constant 0 : i32
        %dma_start3A_140 = tpu.memref_slice %arg10[%dma_start3A_138, %dma_start3A_139] : memref<10240x128xf32, #tpu.memory_space<vmem_shared>> -> memref<10240x128xf32, #tpu.memory_space<vmem_shared>>
        tpu.enqueue_indirect_dma source(%arg8 : memref<128x128xf32, #tpu.memory_space<vmem>>) target(%dma_start3A_140 : memref<10240x128xf32, #tpu.memory_space<vmem_shared>>) offsets(%dma_start3A_137 : memref<128xi32, #tpu.memory_space<vmem>>) semaphore(%run_scoped3A_134 : memref<!tpu.dma_semaphore, #tpu.memory_space<semaphore_mem>>) {add = true}
        %dma_wait3A_141 = arith.constant 0 : i32
        %dma_wait3A_142 = tpu.memref_slice %arg7[%add3A_101, %dma_wait3A_141] : memref<40x128xi32, #tpu.memory_space<vmem>> -> memref<1x128xi32, #tpu.memory_space<vmem>>
        %dma_wait3A_143 = tpu.memref_squeeze %dma_wait3A_142 : memref<1x128xi32, #tpu.memory_space<vmem>> -> memref<128xi32, #tpu.memory_space<vmem>>
        %dma_wait3A_144 = arith.constant 0 : i32
        %dma_wait3A_145 = arith.constant 0 : i32
        %dma_wait3A_146 = tpu.memref_slice %arg10[%dma_wait3A_144, %dma_wait3A_145] : memref<10240x128xf32, #tpu.memory_space<vmem_shared>> -> memref<10240x128xf32, #tpu.memory_space<vmem_shared>>
        tpu.wait_indirect_dma semaphore(%run_scoped3A_134 : memref<!tpu.dma_semaphore, #tpu.memory_space<semaphore_mem>>) src(%arg8 : memref<128x128xf32, #tpu.memory_space<vmem>>) dst(%dma_wait3A_146 : memref<10240x128xf32, #tpu.memory_space<vmem_shared>>)
        tpu.yield
      }) : () -> ()
      %add3A_109 = arith.constant 2 : i32
      %add3A_110 = arith.addi %add3A_101, %add3A_109 : i32
      %dma_start3A_111 = arith.constant 0 : i32
      %dma_start3A_112 = tpu.memref_slice %arg6[%add3A_110, %dma_start3A_111] : memref<40x128xi32, #tpu.memory_space<vmem>> -> memref<1x128xi32, #tpu.memory_space<vmem>>
      %dma_start3A_113 = tpu.memref_squeeze %dma_start3A_112 : memref<1x128xi32, #tpu.memory_space<vmem>> -> memref<128xi32, #tpu.memory_space<vmem>>
      %dma_start3A_114 = arith.constant 0 : i32
      %dma_start3A_115 = arith.constant 0 : i32
      %dma_start3A_116 = tpu.memref_slice %arg2[%dma_start3A_114, %dma_start3A_115] : memref<10240x128xf32, #tpu.memory_space<hbm>> -> memref<10240x128xf32, #tpu.memory_space<hbm>>
      tpu.enqueue_indirect_dma source(%dma_start3A_116 : memref<10240x128xf32, #tpu.memory_space<hbm>>) target(%arg8 : memref<128x128xf32, #tpu.memory_space<vmem>>) offsets(%dma_start3A_113 : memref<128xi32, #tpu.memory_space<vmem>>) semaphore(%arg11 : memref<!tpu.dma_semaphore, #tpu.memory_space<semaphore_mem>>)
      %add3A_117 = arith.constant 1 : i32
      %add3A_118 = arith.addi %add3A_99, %add3A_117 : i32
      %dma_wait3A_119 = arith.constant 0 : i32
      %dma_wait3A_120 = arith.constant 0 : i32
      %dma_wait3A_121 = tpu.memref_slice %arg6[%dma_wait3A_119, %dma_wait3A_120] : memref<40x128xi32, #tpu.memory_space<vmem>> -> memref<1x128xi32, #tpu.memory_space<vmem>>
      %dma_wait3A_122 = tpu.memref_squeeze %dma_wait3A_121 : memref<1x128xi32, #tpu.memory_space<vmem>> -> memref<128xi32, #tpu.memory_space<vmem>>
      %dma_wait3A_123 = arith.constant 0 : i32
      %dma_wait3A_124 = arith.constant 0 : i32
      %dma_wait3A_125 = tpu.memref_slice %arg2[%dma_wait3A_123, %dma_wait3A_124] : memref<10240x128xf32, #tpu.memory_space<hbm>> -> memref<10240x128xf32, #tpu.memory_space<hbm>>
      tpu.wait_indirect_dma semaphore(%arg12 : memref<!tpu.dma_semaphore, #tpu.memory_space<semaphore_mem>>) src(%dma_wait3A_125 : memref<10240x128xf32, #tpu.memory_space<hbm>>) dst(%arg9 : memref<128x128xf32, #tpu.memory_space<vmem>>)
      "tpu.region"() ({
        %run_scoped3A_134 = tpu.sem_alloc : memref<!tpu.dma_semaphore, #tpu.memory_space<semaphore_mem>>
        %dma_start3A_135 = arith.constant 0 : i32
        %dma_start3A_136 = tpu.memref_slice %arg7[%add3A_118, %dma_start3A_135] : memref<40x128xi32, #tpu.memory_space<vmem>> -> memref<1x128xi32, #tpu.memory_space<vmem>>
        %dma_start3A_137 = tpu.memref_squeeze %dma_start3A_136 : memref<1x128xi32, #tpu.memory_space<vmem>> -> memref<128xi32, #tpu.memory_space<vmem>>
        %dma_start3A_138 = arith.constant 0 : i32
        %dma_start3A_139 = arith.constant 0 : i32
        %dma_start3A_140 = tpu.memref_slice %arg10[%dma_start3A_138, %dma_start3A_139] : memref<10240x128xf32, #tpu.memory_space<vmem_shared>> -> memref<10240x128xf32, #tpu.memory_space<vmem_shared>>
        tpu.enqueue_indirect_dma source(%arg9 : memref<128x128xf32, #tpu.memory_space<vmem>>) target(%dma_start3A_140 : memref<10240x128xf32, #tpu.memory_space<vmem_shared>>) offsets(%dma_start3A_137 : memref<128xi32, #tpu.memory_space<vmem>>) semaphore(%run_scoped3A_134 : memref<!tpu.dma_semaphore, #tpu.memory_space<semaphore_mem>>) {add = true}
        %dma_wait3A_141 = arith.constant 0 : i32
        %dma_wait3A_142 = tpu.memref_slice %arg7[%add3A_118, %dma_wait3A_141] : memref<40x128xi32, #tpu.memory_space<vmem>> -> memref<1x128xi32, #tpu.memory_space<vmem>>
        %dma_wait3A_143 = tpu.memref_squeeze %dma_wait3A_142 : memref<1x128xi32, #tpu.memory_space<vmem>> -> memref<128xi32, #tpu.memory_space<vmem>>
        %dma_wait3A_144 = arith.constant 0 : i32
        %dma_wait3A_145 = arith.constant 0 : i32
        %dma_wait3A_146 = tpu.memref_slice %arg10[%dma_wait3A_144, %dma_wait3A_145] : memref<10240x128xf32, #tpu.memory_space<vmem_shared>> -> memref<10240x128xf32, #tpu.memory_space<vmem_shared>>
        tpu.wait_indirect_dma semaphore(%run_scoped3A_134 : memref<!tpu.dma_semaphore, #tpu.memory_space<semaphore_mem>>) src(%arg9 : memref<128x128xf32, #tpu.memory_space<vmem>>) dst(%dma_wait3A_146 : memref<10240x128xf32, #tpu.memory_space<vmem_shared>>)
        tpu.yield
      }) : () -> ()
      %add3A_126 = arith.constant 2 : i32
      %add3A_127 = arith.addi %add3A_118, %add3A_126 : i32
      %dma_start3A_128 = arith.constant 0 : i32
      %dma_start3A_129 = tpu.memref_slice %arg6[%add3A_127, %dma_start3A_128] : memref<40x128xi32, #tpu.memory_space<vmem>> -> memref<1x128xi32, #tpu.memory_space<vmem>>
      %dma_start3A_130 = tpu.memref_squeeze %dma_start3A_129 : memref<1x128xi32, #tpu.memory_space<vmem>> -> memref<128xi32, #tpu.memory_space<vmem>>
      %dma_start3A_131 = arith.constant 0 : i32
      %dma_start3A_132 = arith.constant 0 : i32
      %dma_start3A_133 = tpu.memref_slice %arg2[%dma_start3A_131, %dma_start3A_132] : memref<10240x128xf32, #tpu.memory_space<hbm>> -> memref<10240x128xf32, #tpu.memory_space<hbm>>
      tpu.enqueue_indirect_dma source(%dma_start3A_133 : memref<10240x128xf32, #tpu.memory_space<hbm>>) target(%arg9 : memref<128x128xf32, #tpu.memory_space<vmem>>) offsets(%dma_start3A_130 : memref<128xi32, #tpu.memory_space<vmem>>) semaphore(%arg12 : memref<!tpu.dma_semaphore, #tpu.memory_space<semaphore_mem>>)
    }
    %scan3A_39 = arith.constant 19 : i32
    %dma_wait3A = arith.constant 0 : i32
    %dma_wait3A_40 = arith.constant 0 : i32
    %dma_wait3A_41 = tpu.memref_slice %arg6[%dma_wait3A, %dma_wait3A_40] : memref<40x128xi32, #tpu.memory_space<vmem>> -> memref<1x128xi32, #tpu.memory_space<vmem>>
    %dma_wait3A_42 = tpu.memref_squeeze %dma_wait3A_41 : memref<1x128xi32, #tpu.memory_space<vmem>> -> memref<128xi32, #tpu.memory_space<vmem>>
    %dma_wait3A_43 = arith.constant 0 : i32
    %dma_wait3A_44 = arith.constant 0 : i32
    %dma_wait3A_45 = tpu.memref_slice %arg2[%dma_wait3A_43, %dma_wait3A_44] : memref<10240x128xf32, #tpu.memory_space<hbm>> -> memref<10240x128xf32, #tpu.memory_space<hbm>>
    tpu.wait_indirect_dma semaphore(%arg11 : memref<!tpu.dma_semaphore, #tpu.memory_space<semaphore_mem>>) src(%dma_wait3A_45 : memref<10240x128xf32, #tpu.memory_space<hbm>>) dst(%arg8 : memref<128x128xf32, #tpu.memory_space<vmem>>)
    %run_scoped3A = arith.constant 38 : i32
    "tpu.region"() ({
      %run_scoped3A_95 = tpu.sem_alloc : memref<!tpu.dma_semaphore, #tpu.memory_space<semaphore_mem>>
      %dma_start3A_96 = arith.constant 0 : i32
      %dma_start3A_97 = tpu.memref_slice %arg7[%run_scoped3A, %dma_start3A_96] : memref<40x128xi32, #tpu.memory_space<vmem>> -> memref<1x128xi32, #tpu.memory_space<vmem>>
      %dma_start3A_98 = tpu.memref_squeeze %dma_start3A_97 : memref<1x128xi32, #tpu.memory_space<vmem>> -> memref<128xi32, #tpu.memory_space<vmem>>
      %dma_start3A_99 = arith.constant 0 : i32
      %dma_start3A_100 = arith.constant 0 : i32
      %dma_start3A_101 = tpu.memref_slice %arg10[%dma_start3A_99, %dma_start3A_100] : memref<10240x128xf32, #tpu.memory_space<vmem_shared>> -> memref<10240x128xf32, #tpu.memory_space<vmem_shared>>
      tpu.enqueue_indirect_dma source(%arg8 : memref<128x128xf32, #tpu.memory_space<vmem>>) target(%dma_start3A_101 : memref<10240x128xf32, #tpu.memory_space<vmem_shared>>) offsets(%dma_start3A_98 : memref<128xi32, #tpu.memory_space<vmem>>) semaphore(%run_scoped3A_95 : memref<!tpu.dma_semaphore, #tpu.memory_space<semaphore_mem>>) {add = true}
      %dma_wait3A_102 = arith.constant 0 : i32
      %dma_wait3A_103 = tpu.memref_slice %arg7[%run_scoped3A, %dma_wait3A_102] : memref<40x128xi32, #tpu.memory_space<vmem>> -> memref<1x128xi32, #tpu.memory_space<vmem>>
      %dma_wait3A_104 = tpu.memref_squeeze %dma_wait3A_103 : memref<1x128xi32, #tpu.memory_space<vmem>> -> memref<128xi32, #tpu.memory_space<vmem>>
      %dma_wait3A_105 = arith.constant 0 : i32
      %dma_wait3A_106 = arith.constant 0 : i32
      %dma_wait3A_107 = tpu.memref_slice %arg10[%dma_wait3A_105, %dma_wait3A_106] : memref<10240x128xf32, #tpu.memory_space<vmem_shared>> -> memref<10240x128xf32, #tpu.memory_space<vmem_shared>>
      tpu.wait_indirect_dma semaphore(%run_scoped3A_95 : memref<!tpu.dma_semaphore, #tpu.memory_space<semaphore_mem>>) src(%arg8 : memref<128x128xf32, #tpu.memory_space<vmem>>) dst(%dma_wait3A_107 : memref<10240x128xf32, #tpu.memory_space<vmem_shared>>)
      tpu.yield
    }) : () -> ()
    %dma_wait3A_46 = arith.constant 0 : i32
    %dma_wait3A_47 = arith.constant 0 : i32
    %dma_wait3A_48 = tpu.memref_slice %arg6[%dma_wait3A_46, %dma_wait3A_47] : memref<40x128xi32, #tpu.memory_space<vmem>> -> memref<1x128xi32, #tpu.memory_space<vmem>>
    %dma_wait3A_49 = tpu.memref_squeeze %dma_wait3A_48 : memref<1x128xi32, #tpu.memory_space<vmem>> -> memref<128xi32, #tpu.memory_space<vmem>>
    %dma_wait3A_50 = arith.constant 0 : i32
    %dma_wait3A_51 = arith.constant 0 : i32
    %dma_wait3A_52 = tpu.memref_slice %arg2[%dma_wait3A_50, %dma_wait3A_51] : memref<10240x128xf32, #tpu.memory_space<hbm>> -> memref<10240x128xf32, #tpu.memory_space<hbm>>
    tpu.wait_indirect_dma semaphore(%arg12 : memref<!tpu.dma_semaphore, #tpu.memory_space<semaphore_mem>>) src(%dma_wait3A_52 : memref<10240x128xf32, #tpu.memory_space<hbm>>) dst(%arg9 : memref<128x128xf32, #tpu.memory_space<vmem>>)
    %run_scoped3A_53 = arith.constant 39 : i32
    "tpu.region"() ({
      %run_scoped3A_95 = tpu.sem_alloc : memref<!tpu.dma_semaphore, #tpu.memory_space<semaphore_mem>>
      %dma_start3A_96 = arith.constant 0 : i32
      %dma_start3A_97 = tpu.memref_slice %arg7[%run_scoped3A_53, %dma_start3A_96] : memref<40x128xi32, #tpu.memory_space<vmem>> -> memref<1x128xi32, #tpu.memory_space<vmem>>
      %dma_start3A_98 = tpu.memref_squeeze %dma_start3A_97 : memref<1x128xi32, #tpu.memory_space<vmem>> -> memref<128xi32, #tpu.memory_space<vmem>>
      %dma_start3A_99 = arith.constant 0 : i32
      %dma_start3A_100 = arith.constant 0 : i32
      %dma_start3A_101 = tpu.memref_slice %arg10[%dma_start3A_99, %dma_start3A_100] : memref<10240x128xf32, #tpu.memory_space<vmem_shared>> -> memref<10240x128xf32, #tpu.memory_space<vmem_shared>>
      tpu.enqueue_indirect_dma source(%arg9 : memref<128x128xf32, #tpu.memory_space<vmem>>) target(%dma_start3A_101 : memref<10240x128xf32, #tpu.memory_space<vmem_shared>>) offsets(%dma_start3A_98 : memref<128xi32, #tpu.memory_space<vmem>>) semaphore(%run_scoped3A_95 : memref<!tpu.dma_semaphore, #tpu.memory_space<semaphore_mem>>) {add = true}
      %dma_wait3A_102 = arith.constant 0 : i32
      %dma_wait3A_103 = tpu.memref_slice %arg7[%run_scoped3A_53, %dma_wait3A_102] : memref<40x128xi32, #tpu.memory_space<vmem>> -> memref<1x128xi32, #tpu.memory_space<vmem>>
      %dma_wait3A_104 = tpu.memref_squeeze %dma_wait3A_103 : memref<1x128xi32, #tpu.memory_space<vmem>> -> memref<128xi32, #tpu.memory_space<vmem>>
      %dma_wait3A_105 = arith.constant 0 : i32
      %dma_wait3A_106 = arith.constant 0 : i32
      %dma_wait3A_107 = tpu.memref_slice %arg10[%dma_wait3A_105, %dma_wait3A_106] : memref<10240x128xf32, #tpu.memory_space<vmem_shared>> -> memref<10240x128xf32, #tpu.memory_space<vmem_shared>>
      tpu.wait_indirect_dma semaphore(%run_scoped3A_95 : memref<!tpu.dma_semaphore, #tpu.memory_space<semaphore_mem>>) src(%arg9 : memref<128x128xf32, #tpu.memory_space<vmem>>) dst(%dma_wait3A_107 : memref<10240x128xf32, #tpu.memory_space<vmem_shared>>)
      tpu.yield
    }) : () -> ()
    %mul3A_54 = arith.constant 80 : i32
    %mul3A_55 = arith.muli %add3A, %mul3A_54 : i32
    %add3A_56 = arith.constant 40 : i32
    %add3A_57 = arith.addi %mul3A_55, %add3A_56 : i32
    %multiple_of3A_58 = tpu.assume_multiple %add3A_57, 8 : i32
    "tpu.region"() ({
      %run_scoped3A_95 = tpu.sem_alloc : memref<!tpu.dma_semaphore, #tpu.memory_space<semaphore_mem>>
      %dma_start3A_96 = arith.constant 0 : i32
      %dma_start3A_97 = tpu.memref_slice %arg3[%multiple_of3A_58, %dma_start3A_96] : memref<2560x128xi32, #tpu.memory_space<hbm>> -> memref<40x128xi32, #tpu.memory_space<hbm>>
      %dma_start3A_98 = arith.constant 0 : i32
      %dma_start3A_99 = tpu.memref_slice %arg3[%multiple_of3A_58, %dma_start3A_98] : memref<2560x128xi32, #tpu.memory_space<hbm>> -> memref<40x128xi32, #tpu.memory_space<hbm>>
      tpu.enqueue_dma source(%dma_start3A_99 : memref<40x128xi32, #tpu.memory_space<hbm>>) target(%arg6 : memref<40x128xi32, #tpu.memory_space<vmem>>) target_semaphore(%run_scoped3A_95 : memref<!tpu.dma_semaphore, #tpu.memory_space<semaphore_mem>>)
      %dma_wait3A_100 = arith.constant 0 : i32
      %dma_wait3A_101 = tpu.memref_slice %arg3[%multiple_of3A_58, %dma_wait3A_100] : memref<2560x128xi32, #tpu.memory_space<hbm>> -> memref<40x128xi32, #tpu.memory_space<hbm>>
      %dma_wait3A_102 = arith.constant 0 : i32
      %dma_wait3A_103 = tpu.memref_slice %arg3[%multiple_of3A_58, %dma_wait3A_102] : memref<2560x128xi32, #tpu.memory_space<hbm>> -> memref<40x128xi32, #tpu.memory_space<hbm>>
      tpu.wait_dma2 semaphore(%run_scoped3A_95 : memref<!tpu.dma_semaphore, #tpu.memory_space<semaphore_mem>>) src(%dma_wait3A_103 : memref<40x128xi32, #tpu.memory_space<hbm>>) dst(%arg6 : memref<40x128xi32, #tpu.memory_space<vmem>>)
      tpu.yield
    }) : () -> ()
    "tpu.region"() ({
      %run_scoped3A_95 = tpu.sem_alloc : memref<!tpu.dma_semaphore, #tpu.memory_space<semaphore_mem>>
      %dma_start3A_96 = arith.constant 0 : i32
      %dma_start3A_97 = tpu.memref_slice %arg4[%multiple_of3A_58, %dma_start3A_96] : memref<2560x128xi32, #tpu.memory_space<hbm>> -> memref<40x128xi32, #tpu.memory_space<hbm>>
      %dma_start3A_98 = arith.constant 0 : i32
      %dma_start3A_99 = tpu.memref_slice %arg4[%multiple_of3A_58, %dma_start3A_98] : memref<2560x128xi32, #tpu.memory_space<hbm>> -> memref<40x128xi32, #tpu.memory_space<hbm>>
      tpu.enqueue_dma source(%dma_start3A_99 : memref<40x128xi32, #tpu.memory_space<hbm>>) target(%arg7 : memref<40x128xi32, #tpu.memory_space<vmem>>) target_semaphore(%run_scoped3A_95 : memref<!tpu.dma_semaphore, #tpu.memory_space<semaphore_mem>>)
      %dma_wait3A_100 = arith.constant 0 : i32
      %dma_wait3A_101 = tpu.memref_slice %arg4[%multiple_of3A_58, %dma_wait3A_100] : memref<2560x128xi32, #tpu.memory_space<hbm>> -> memref<40x128xi32, #tpu.memory_space<hbm>>
      %dma_wait3A_102 = arith.constant 0 : i32
      %dma_wait3A_103 = tpu.memref_slice %arg4[%multiple_of3A_58, %dma_wait3A_102] : memref<2560x128xi32, #tpu.memory_space<hbm>> -> memref<40x128xi32, #tpu.memory_space<hbm>>
      tpu.wait_dma2 semaphore(%run_scoped3A_95 : memref<!tpu.dma_semaphore, #tpu.memory_space<semaphore_mem>>) src(%dma_wait3A_103 : memref<40x128xi32, #tpu.memory_space<hbm>>) dst(%arg7 : memref<40x128xi32, #tpu.memory_space<vmem>>)
      tpu.yield
    }) : () -> ()
    %dma_start3A_59 = arith.constant 0 : i32
    %dma_start3A_60 = arith.constant 0 : i32
    %dma_start3A_61 = tpu.memref_slice %arg6[%dma_start3A_59, %dma_start3A_60] : memref<40x128xi32, #tpu.memory_space<vmem>> -> memref<1x128xi32, #tpu.memory_space<vmem>>
    %dma_start3A_62 = tpu.memref_squeeze %dma_start3A_61 : memref<1x128xi32, #tpu.memory_space<vmem>> -> memref<128xi32, #tpu.memory_space<vmem>>
    %dma_start3A_63 = arith.constant 0 : i32
    %dma_start3A_64 = arith.constant 0 : i32
    %dma_start3A_65 = tpu.memref_slice %arg2[%dma_start3A_63, %dma_start3A_64] : memref<10240x128xf32, #tpu.memory_space<hbm>> -> memref<10240x128xf32, #tpu.memory_space<hbm>>
    tpu.enqueue_indirect_dma source(%dma_start3A_65 : memref<10240x128xf32, #tpu.memory_space<hbm>>) target(%arg8 : memref<128x128xf32, #tpu.memory_space<vmem>>) offsets(%dma_start3A_62 : memref<128xi32, #tpu.memory_space<vmem>>) semaphore(%arg11 : memref<!tpu.dma_semaphore, #tpu.memory_space<semaphore_mem>>)
    %dma_start3A_66 = arith.constant 1 : i32
    %dma_start3A_67 = arith.constant 0 : i32
    %dma_start3A_68 = tpu.memref_slice %arg6[%dma_start3A_66, %dma_start3A_67] : memref<40x128xi32, #tpu.memory_space<vmem>> -> memref<1x128xi32, #tpu.memory_space<vmem>>
    %dma_start3A_69 = tpu.memref_squeeze %dma_start3A_68 : memref<1x128xi32, #tpu.memory_space<vmem>> -> memref<128xi32, #tpu.memory_space<vmem>>
    %dma_start3A_70 = arith.constant 0 : i32
    %dma_start3A_71 = arith.constant 0 : i32
    %dma_start3A_72 = tpu.memref_slice %arg2[%dma_start3A_70, %dma_start3A_71] : memref<10240x128xf32, #tpu.memory_space<hbm>> -> memref<10240x128xf32, #tpu.memory_space<hbm>>
    tpu.enqueue_indirect_dma source(%dma_start3A_72 : memref<10240x128xf32, #tpu.memory_space<hbm>>) target(%arg9 : memref<128x128xf32, #tpu.memory_space<vmem>>) offsets(%dma_start3A_69 : memref<128xi32, #tpu.memory_space<vmem>>) semaphore(%arg12 : memref<!tpu.dma_semaphore, #tpu.memory_space<semaphore_mem>>)
    %scan3A_73 = arith.constant 0 : i32
    %scan3A_74 = arith.constant 19 : i32
    %scan3A_75 = arith.addi %scan3A_73, %scan3A_74 : i32
    %scan3A_76 = arith.constant 1 : i32
    scf.for %scan3A_95 = %scan3A_73 to %scan3A_75 step %scan3A_76  : i32 {
      %mul3A_96 = arith.constant 2 : i32
      %mul3A_97 = arith.muli %scan3A_95, %mul3A_96 : i32
      %add3A_98 = arith.constant 0 : i32
      %add3A_99 = arith.addi %add3A_98, %mul3A_97 : i32
      %add3A_100 = arith.constant 0 : i32
      %add3A_101 = arith.addi %add3A_99, %add3A_100 : i32
      %dma_wait3A_102 = arith.constant 0 : i32
      %dma_wait3A_103 = arith.constant 0 : i32
      %dma_wait3A_104 = tpu.memref_slice %arg6[%dma_wait3A_102, %dma_wait3A_103] : memref<40x128xi32, #tpu.memory_space<vmem>> -> memref<1x128xi32, #tpu.memory_space<vmem>>
      %dma_wait3A_105 = tpu.memref_squeeze %dma_wait3A_104 : memref<1x128xi32, #tpu.memory_space<vmem>> -> memref<128xi32, #tpu.memory_space<vmem>>
      %dma_wait3A_106 = arith.constant 0 : i32
      %dma_wait3A_107 = arith.constant 0 : i32
      %dma_wait3A_108 = tpu.memref_slice %arg2[%dma_wait3A_106, %dma_wait3A_107] : memref<10240x128xf32, #tpu.memory_space<hbm>> -> memref<10240x128xf32, #tpu.memory_space<hbm>>
      tpu.wait_indirect_dma semaphore(%arg11 : memref<!tpu.dma_semaphore, #tpu.memory_space<semaphore_mem>>) src(%dma_wait3A_108 : memref<10240x128xf32, #tpu.memory_space<hbm>>) dst(%arg8 : memref<128x128xf32, #tpu.memory_space<vmem>>)
      "tpu.region"() ({
        %run_scoped3A_134 = tpu.sem_alloc : memref<!tpu.dma_semaphore, #tpu.memory_space<semaphore_mem>>
        %dma_start3A_135 = arith.constant 0 : i32
        %dma_start3A_136 = tpu.memref_slice %arg7[%add3A_101, %dma_start3A_135] : memref<40x128xi32, #tpu.memory_space<vmem>> -> memref<1x128xi32, #tpu.memory_space<vmem>>
        %dma_start3A_137 = tpu.memref_squeeze %dma_start3A_136 : memref<1x128xi32, #tpu.memory_space<vmem>> -> memref<128xi32, #tpu.memory_space<vmem>>
        %dma_start3A_138 = arith.constant 0 : i32
        %dma_start3A_139 = arith.constant 0 : i32
        %dma_start3A_140 = tpu.memref_slice %arg10[%dma_start3A_138, %dma_start3A_139] : memref<10240x128xf32, #tpu.memory_space<vmem_shared>> -> memref<10240x128xf32, #tpu.memory_space<vmem_shared>>
        tpu.enqueue_indirect_dma source(%arg8 : memref<128x128xf32, #tpu.memory_space<vmem>>) target(%dma_start3A_140 : memref<10240x128xf32, #tpu.memory_space<vmem_shared>>) offsets(%dma_start3A_137 : memref<128xi32, #tpu.memory_space<vmem>>) semaphore(%run_scoped3A_134 : memref<!tpu.dma_semaphore, #tpu.memory_space<semaphore_mem>>) {add = true}
        %dma_wait3A_141 = arith.constant 0 : i32
        %dma_wait3A_142 = tpu.memref_slice %arg7[%add3A_101, %dma_wait3A_141] : memref<40x128xi32, #tpu.memory_space<vmem>> -> memref<1x128xi32, #tpu.memory_space<vmem>>
        %dma_wait3A_143 = tpu.memref_squeeze %dma_wait3A_142 : memref<1x128xi32, #tpu.memory_space<vmem>> -> memref<128xi32, #tpu.memory_space<vmem>>
        %dma_wait3A_144 = arith.constant 0 : i32
        %dma_wait3A_145 = arith.constant 0 : i32
        %dma_wait3A_146 = tpu.memref_slice %arg10[%dma_wait3A_144, %dma_wait3A_145] : memref<10240x128xf32, #tpu.memory_space<vmem_shared>> -> memref<10240x128xf32, #tpu.memory_space<vmem_shared>>
        tpu.wait_indirect_dma semaphore(%run_scoped3A_134 : memref<!tpu.dma_semaphore, #tpu.memory_space<semaphore_mem>>) src(%arg8 : memref<128x128xf32, #tpu.memory_space<vmem>>) dst(%dma_wait3A_146 : memref<10240x128xf32, #tpu.memory_space<vmem_shared>>)
        tpu.yield
      }) : () -> ()
      %add3A_109 = arith.constant 2 : i32
      %add3A_110 = arith.addi %add3A_101, %add3A_109 : i32
      %dma_start3A_111 = arith.constant 0 : i32
      %dma_start3A_112 = tpu.memref_slice %arg6[%add3A_110, %dma_start3A_111] : memref<40x128xi32, #tpu.memory_space<vmem>> -> memref<1x128xi32, #tpu.memory_space<vmem>>
      %dma_start3A_113 = tpu.memref_squeeze %dma_start3A_112 : memref<1x128xi32, #tpu.memory_space<vmem>> -> memref<128xi32, #tpu.memory_space<vmem>>
      %dma_start3A_114 = arith.constant 0 : i32
      %dma_start3A_115 = arith.constant 0 : i32
      %dma_start3A_116 = tpu.memref_slice %arg2[%dma_start3A_114, %dma_start3A_115] : memref<10240x128xf32, #tpu.memory_space<hbm>> -> memref<10240x128xf32, #tpu.memory_space<hbm>>
      tpu.enqueue_indirect_dma source(%dma_start3A_116 : memref<10240x128xf32, #tpu.memory_space<hbm>>) target(%arg8 : memref<128x128xf32, #tpu.memory_space<vmem>>) offsets(%dma_start3A_113 : memref<128xi32, #tpu.memory_space<vmem>>) semaphore(%arg11 : memref<!tpu.dma_semaphore, #tpu.memory_space<semaphore_mem>>)
      %add3A_117 = arith.constant 1 : i32
      %add3A_118 = arith.addi %add3A_99, %add3A_117 : i32
      %dma_wait3A_119 = arith.constant 0 : i32
      %dma_wait3A_120 = arith.constant 0 : i32
      %dma_wait3A_121 = tpu.memref_slice %arg6[%dma_wait3A_119, %dma_wait3A_120] : memref<40x128xi32, #tpu.memory_space<vmem>> -> memref<1x128xi32, #tpu.memory_space<vmem>>
      %dma_wait3A_122 = tpu.memref_squeeze %dma_wait3A_121 : memref<1x128xi32, #tpu.memory_space<vmem>> -> memref<128xi32, #tpu.memory_space<vmem>>
      %dma_wait3A_123 = arith.constant 0 : i32
      %dma_wait3A_124 = arith.constant 0 : i32
      %dma_wait3A_125 = tpu.memref_slice %arg2[%dma_wait3A_123, %dma_wait3A_124] : memref<10240x128xf32, #tpu.memory_space<hbm>> -> memref<10240x128xf32, #tpu.memory_space<hbm>>
      tpu.wait_indirect_dma semaphore(%arg12 : memref<!tpu.dma_semaphore, #tpu.memory_space<semaphore_mem>>) src(%dma_wait3A_125 : memref<10240x128xf32, #tpu.memory_space<hbm>>) dst(%arg9 : memref<128x128xf32, #tpu.memory_space<vmem>>)
      "tpu.region"() ({
        %run_scoped3A_134 = tpu.sem_alloc : memref<!tpu.dma_semaphore, #tpu.memory_space<semaphore_mem>>
        %dma_start3A_135 = arith.constant 0 : i32
        %dma_start3A_136 = tpu.memref_slice %arg7[%add3A_118, %dma_start3A_135] : memref<40x128xi32, #tpu.memory_space<vmem>> -> memref<1x128xi32, #tpu.memory_space<vmem>>
        %dma_start3A_137 = tpu.memref_squeeze %dma_start3A_136 : memref<1x128xi32, #tpu.memory_space<vmem>> -> memref<128xi32, #tpu.memory_space<vmem>>
        %dma_start3A_138 = arith.constant 0 : i32
        %dma_start3A_139 = arith.constant 0 : i32
        %dma_start3A_140 = tpu.memref_slice %arg10[%dma_start3A_138, %dma_start3A_139] : memref<10240x128xf32, #tpu.memory_space<vmem_shared>> -> memref<10240x128xf32, #tpu.memory_space<vmem_shared>>
        tpu.enqueue_indirect_dma source(%arg9 : memref<128x128xf32, #tpu.memory_space<vmem>>) target(%dma_start3A_140 : memref<10240x128xf32, #tpu.memory_space<vmem_shared>>) offsets(%dma_start3A_137 : memref<128xi32, #tpu.memory_space<vmem>>) semaphore(%run_scoped3A_134 : memref<!tpu.dma_semaphore, #tpu.memory_space<semaphore_mem>>) {add = true}
        %dma_wait3A_141 = arith.constant 0 : i32
        %dma_wait3A_142 = tpu.memref_slice %arg7[%add3A_118, %dma_wait3A_141] : memref<40x128xi32, #tpu.memory_space<vmem>> -> memref<1x128xi32, #tpu.memory_space<vmem>>
        %dma_wait3A_143 = tpu.memref_squeeze %dma_wait3A_142 : memref<1x128xi32, #tpu.memory_space<vmem>> -> memref<128xi32, #tpu.memory_space<vmem>>
        %dma_wait3A_144 = arith.constant 0 : i32
        %dma_wait3A_145 = arith.constant 0 : i32
        %dma_wait3A_146 = tpu.memref_slice %arg10[%dma_wait3A_144, %dma_wait3A_145] : memref<10240x128xf32, #tpu.memory_space<vmem_shared>> -> memref<10240x128xf32, #tpu.memory_space<vmem_shared>>
        tpu.wait_indirect_dma semaphore(%run_scoped3A_134 : memref<!tpu.dma_semaphore, #tpu.memory_space<semaphore_mem>>) src(%arg9 : memref<128x128xf32, #tpu.memory_space<vmem>>) dst(%dma_wait3A_146 : memref<10240x128xf32, #tpu.memory_space<vmem_shared>>)
        tpu.yield
      }) : () -> ()
      %add3A_126 = arith.constant 2 : i32
      %add3A_127 = arith.addi %add3A_118, %add3A_126 : i32
      %dma_start3A_128 = arith.constant 0 : i32
      %dma_start3A_129 = tpu.memref_slice %arg6[%add3A_127, %dma_start3A_128] : memref<40x128xi32, #tpu.memory_space<vmem>> -> memref<1x128xi32, #tpu.memory_space<vmem>>
      %dma_start3A_130 = tpu.memref_squeeze %dma_start3A_129 : memref<1x128xi32, #tpu.memory_space<vmem>> -> memref<128xi32, #tpu.memory_space<vmem>>
      %dma_start3A_131 = arith.constant 0 : i32
      %dma_start3A_132 = arith.constant 0 : i32
      %dma_start3A_133 = tpu.memref_slice %arg2[%dma_start3A_131, %dma_start3A_132] : memref<10240x128xf32, #tpu.memory_space<hbm>> -> memref<10240x128xf32, #tpu.memory_space<hbm>>
      tpu.enqueue_indirect_dma source(%dma_start3A_133 : memref<10240x128xf32, #tpu.memory_space<hbm>>) target(%arg9 : memref<128x128xf32, #tpu.memory_space<vmem>>) offsets(%dma_start3A_130 : memref<128xi32, #tpu.memory_space<vmem>>) semaphore(%arg12 : memref<!tpu.dma_semaphore, #tpu.memory_space<semaphore_mem>>)
    }
    %scan3A_77 = arith.constant 19 : i32
    %dma_wait3A_78 = arith.constant 0 : i32
    %dma_wait3A_79 = arith.constant 0 : i32
    %dma_wait3A_80 = tpu.memref_slice %arg6[%dma_wait3A_78, %dma_wait3A_79] : memref<40x128xi32, #tpu.memory_space<vmem>> -> memref<1x128xi32, #tpu.memory_space<vmem>>
    %dma_wait3A_81 = tpu.memref_squeeze %dma_wait3A_80 : memref<1x128xi32, #tpu.memory_space<vmem>> -> memref<128xi32, #tpu.memory_space<vmem>>
    %dma_wait3A_82 = arith.constant 0 : i32
    %dma_wait3A_83 = arith.constant 0 : i32
    %dma_wait3A_84 = tpu.memref_slice %arg2[%dma_wait3A_82, %dma_wait3A_83] : memref<10240x128xf32, #tpu.memory_space<hbm>> -> memref<10240x128xf32, #tpu.memory_space<hbm>>
    tpu.wait_indirect_dma semaphore(%arg11 : memref<!tpu.dma_semaphore, #tpu.memory_space<semaphore_mem>>) src(%dma_wait3A_84 : memref<10240x128xf32, #tpu.memory_space<hbm>>) dst(%arg8 : memref<128x128xf32, #tpu.memory_space<vmem>>)
    %run_scoped3A_85 = arith.constant 38 : i32
    "tpu.region"() ({
      %run_scoped3A_95 = tpu.sem_alloc : memref<!tpu.dma_semaphore, #tpu.memory_space<semaphore_mem>>
      %dma_start3A_96 = arith.constant 0 : i32
      %dma_start3A_97 = tpu.memref_slice %arg7[%run_scoped3A_85, %dma_start3A_96] : memref<40x128xi32, #tpu.memory_space<vmem>> -> memref<1x128xi32, #tpu.memory_space<vmem>>
      %dma_start3A_98 = tpu.memref_squeeze %dma_start3A_97 : memref<1x128xi32, #tpu.memory_space<vmem>> -> memref<128xi32, #tpu.memory_space<vmem>>
      %dma_start3A_99 = arith.constant 0 : i32
      %dma_start3A_100 = arith.constant 0 : i32
      %dma_start3A_101 = tpu.memref_slice %arg10[%dma_start3A_99, %dma_start3A_100] : memref<10240x128xf32, #tpu.memory_space<vmem_shared>> -> memref<10240x128xf32, #tpu.memory_space<vmem_shared>>
      tpu.enqueue_indirect_dma source(%arg8 : memref<128x128xf32, #tpu.memory_space<vmem>>) target(%dma_start3A_101 : memref<10240x128xf32, #tpu.memory_space<vmem_shared>>) offsets(%dma_start3A_98 : memref<128xi32, #tpu.memory_space<vmem>>) semaphore(%run_scoped3A_95 : memref<!tpu.dma_semaphore, #tpu.memory_space<semaphore_mem>>) {add = true}
      %dma_wait3A_102 = arith.constant 0 : i32
      %dma_wait3A_103 = tpu.memref_slice %arg7[%run_scoped3A_85, %dma_wait3A_102] : memref<40x128xi32, #tpu.memory_space<vmem>> -> memref<1x128xi32, #tpu.memory_space<vmem>>
      %dma_wait3A_104 = tpu.memref_squeeze %dma_wait3A_103 : memref<1x128xi32, #tpu.memory_space<vmem>> -> memref<128xi32, #tpu.memory_space<vmem>>
      %dma_wait3A_105 = arith.constant 0 : i32
      %dma_wait3A_106 = arith.constant 0 : i32
      %dma_wait3A_107 = tpu.memref_slice %arg10[%dma_wait3A_105, %dma_wait3A_106] : memref<10240x128xf32, #tpu.memory_space<vmem_shared>> -> memref<10240x128xf32, #tpu.memory_space<vmem_shared>>
      tpu.wait_indirect_dma semaphore(%run_scoped3A_95 : memref<!tpu.dma_semaphore, #tpu.memory_space<semaphore_mem>>) src(%arg8 : memref<128x128xf32, #tpu.memory_space<vmem>>) dst(%dma_wait3A_107 : memref<10240x128xf32, #tpu.memory_space<vmem_shared>>)
      tpu.yield
    }) : () -> ()
    %dma_wait3A_86 = arith.constant 0 : i32
    %dma_wait3A_87 = arith.constant 0 : i32
    %dma_wait3A_88 = tpu.memref_slice %arg6[%dma_wait3A_86, %dma_wait3A_87] : memref<40x128xi32, #tpu.memory_space<vmem>> -> memref<1x128xi32, #tpu.memory_space<vmem>>
    %dma_wait3A_89 = tpu.memref_squeeze %dma_wait3A_88 : memref<1x128xi32, #tpu.memory_space<vmem>> -> memref<128xi32, #tpu.memory_space<vmem>>
    %dma_wait3A_90 = arith.constant 0 : i32
    %dma_wait3A_91 = arith.constant 0 : i32
    %dma_wait3A_92 = tpu.memref_slice %arg2[%dma_wait3A_90, %dma_wait3A_91] : memref<10240x128xf32, #tpu.memory_space<hbm>> -> memref<10240x128xf32, #tpu.memory_space<hbm>>
    tpu.wait_indirect_dma semaphore(%arg12 : memref<!tpu.dma_semaphore, #tpu.memory_space<semaphore_mem>>) src(%dma_wait3A_92 : memref<10240x128xf32, #tpu.memory_space<hbm>>) dst(%arg9 : memref<128x128xf32, #tpu.memory_space<vmem>>)
    %run_scoped3A_93 = arith.constant 39 : i32
    "tpu.region"() ({
      %run_scoped3A_95 = tpu.sem_alloc : memref<!tpu.dma_semaphore, #tpu.memory_space<semaphore_mem>>
      %dma_start3A_96 = arith.constant 0 : i32
      %dma_start3A_97 = tpu.memref_slice %arg7[%run_scoped3A_93, %dma_start3A_96] : memref<40x128xi32, #tpu.memory_space<vmem>> -> memref<1x128xi32, #tpu.memory_space<vmem>>
      %dma_start3A_98 = tpu.memref_squeeze %dma_start3A_97 : memref<1x128xi32, #tpu.memory_space<vmem>> -> memref<128xi32, #tpu.memory_space<vmem>>
      %dma_start3A_99 = arith.constant 0 : i32
      %dma_start3A_100 = arith.constant 0 : i32
      %dma_start3A_101 = tpu.memref_slice %arg10[%dma_start3A_99, %dma_start3A_100] : memref<10240x128xf32, #tpu.memory_space<vmem_shared>> -> memref<10240x128xf32, #tpu.memory_space<vmem_shared>>
      tpu.enqueue_indirect_dma source(%arg9 : memref<128x128xf32, #tpu.memory_space<vmem>>) target(%dma_start3A_101 : memref<10240x128xf32, #tpu.memory_space<vmem_shared>>) offsets(%dma_start3A_98 : memref<128xi32, #tpu.memory_space<vmem>>) semaphore(%run_scoped3A_95 : memref<!tpu.dma_semaphore, #tpu.memory_space<semaphore_mem>>) {add = true}
      %dma_wait3A_102 = arith.constant 0 : i32
      %dma_wait3A_103 = tpu.memref_slice %arg7[%run_scoped3A_93, %dma_wait3A_102] : memref<40x128xi32, #tpu.memory_space<vmem>> -> memref<1x128xi32, #tpu.memory_space<vmem>>
      %dma_wait3A_104 = tpu.memref_squeeze %dma_wait3A_103 : memref<1x128xi32, #tpu.memory_space<vmem>> -> memref<128xi32, #tpu.memory_space<vmem>>
      %dma_wait3A_105 = arith.constant 0 : i32
      %dma_wait3A_106 = arith.constant 0 : i32
      %dma_wait3A_107 = tpu.memref_slice %arg10[%dma_wait3A_105, %dma_wait3A_106] : memref<10240x128xf32, #tpu.memory_space<vmem_shared>> -> memref<10240x128xf32, #tpu.memory_space<vmem_shared>>
      tpu.wait_indirect_dma semaphore(%run_scoped3A_95 : memref<!tpu.dma_semaphore, #tpu.memory_space<semaphore_mem>>) src(%arg9 : memref<128x128xf32, #tpu.memory_space<vmem>>) dst(%dma_wait3A_107 : memref<10240x128xf32, #tpu.memory_space<vmem_shared>>)
      tpu.yield
    }) : () -> ()
    %barrier3A_94 = arith.constant 0 : index
    tpu.barrier barrier_id(%barrier3A_94)
    "tpu.region"() ({
      %run_scoped3A_95 = tpu.sem_alloc : memref<!tpu.dma_semaphore, #tpu.memory_space<semaphore_mem>>
      %dma_start3A_96 = arith.constant 0 : i32
      %dma_start3A_97 = tpu.memref_slice %arg5[%arg0, %multiple_of3A, %dma_start3A_96] : memref<2x10240x128xf32, #tpu.memory_space<hbm>> -> memref<1x640x128xf32, #tpu.memory_space<hbm>>
      %dma_start3A_98 = tpu.memref_squeeze %dma_start3A_97 : memref<1x640x128xf32, #tpu.memory_space<hbm>> -> memref<640x128xf32, #tpu.memory_space<hbm>>
      %dma_start3A_99 = arith.constant 0 : i32
      %dma_start3A_100 = tpu.memref_slice %arg10[%multiple_of3A, %dma_start3A_99] : memref<10240x128xf32, #tpu.memory_space<vmem_shared>> -> memref<640x128xf32, #tpu.memory_space<vmem_shared>>
      tpu.enqueue_dma source(%dma_start3A_100 : memref<640x128xf32, #tpu.memory_space<vmem_shared>>) target(%dma_start3A_98 : memref<640x128xf32, #tpu.memory_space<hbm>>) target_semaphore(%run_scoped3A_95 : memref<!tpu.dma_semaphore, #tpu.memory_space<semaphore_mem>>)
      %dma_wait3A_101 = arith.constant 0 : i32
      %dma_wait3A_102 = tpu.memref_slice %arg5[%arg0, %multiple_of3A, %dma_wait3A_101] : memref<2x10240x128xf32, #tpu.memory_space<hbm>> -> memref<1x640x128xf32, #tpu.memory_space<hbm>>
      %dma_wait3A_103 = tpu.memref_squeeze %dma_wait3A_102 : memref<1x640x128xf32, #tpu.memory_space<hbm>> -> memref<640x128xf32, #tpu.memory_space<hbm>>
      %dma_wait3A_104 = arith.constant 0 : i32
      %dma_wait3A_105 = tpu.memref_slice %arg10[%multiple_of3A, %dma_wait3A_104] : memref<10240x128xf32, #tpu.memory_space<vmem_shared>> -> memref<640x128xf32, #tpu.memory_space<vmem_shared>>
      tpu.wait_dma2 semaphore(%run_scoped3A_95 : memref<!tpu.dma_semaphore, #tpu.memory_space<semaphore_mem>>) src(%dma_wait3A_105 : memref<640x128xf32, #tpu.memory_space<vmem_shared>>) dst(%dma_wait3A_103 : memref<640x128xf32, #tpu.memory_space<hbm>>)
      tpu.yield
    }) : () -> ()
    return
  }
}

module attributes {stable_mosaic.version = 14 : i64} {
  func.func @_mlp_body(%arg0: i32, %arg1: memref<2x1024x128xf32, #tpu.memory_space<vmem>>, %arg2: memref<1024x128xf32, #tpu.memory_space<vmem>>, %arg3: memref<128x128xf32, #tpu.memory_space<vmem>>, %arg4: memref<1x128xf32, #tpu.memory_space<vmem>>, %arg5: memref<128x128xf32, #tpu.memory_space<vmem>>, %arg6: memref<1x128xf32, #tpu.memory_space<vmem>>, %arg7: memref<1024x128xf32, #tpu.memory_space<vmem>>) attributes {dimension_semantics = [#tpu.dimension_semantics<arbitrary>], iteration_bounds = array<i64: 10>, scalar_prefetch = 0 : i64, scratch_operands = 0 : i64, tpu.core_type = #tpu.core_type<tc>, window_params = [{transform_indices = @transform_0, window_bounds = array<i64: 2, 1024, 128>}, {transform_indices = @transform_1, window_bounds = array<i64: 1024, 128>}, {pipeline_mode = #tpu.pipeline_mode<synchronous>, transform_indices = @transform_2, window_bounds = array<i64: 128, 128>}, {pipeline_mode = #tpu.pipeline_mode<synchronous>, transform_indices = @transform_3, window_bounds = array<i64: 1, 128>}, {pipeline_mode = #tpu.pipeline_mode<synchronous>, transform_indices = @transform_4, window_bounds = array<i64: 128, 128>}, {pipeline_mode = #tpu.pipeline_mode<synchronous>, transform_indices = @transform_5, window_bounds = array<i64: 1, 128>}, {transform_indices = @transform_6, window_bounds = array<i64: 1024, 128>}]} {
    %get3A = arith.constant 0 : index
    %get3A_0 = arith.constant 0 : index
    %get3A_1 = arith.constant 0 : index
    %get3A_2 = vector.load %arg1[%get3A, %get3A_0, %get3A_1] : memref<2x1024x128xf32, #tpu.memory_space<vmem>>, vector<1x1024x128xf32>
    %get3A_3 = vector.shape_cast %get3A_2 : vector<1x1024x128xf32> to vector<1024x128xf32>
    %get3A_4 = arith.constant 1 : index
    %get3A_5 = arith.constant 0 : index
    %get3A_6 = arith.constant 0 : index
    %get3A_7 = vector.load %arg1[%get3A_4, %get3A_5, %get3A_6] : memref<2x1024x128xf32, #tpu.memory_space<vmem>>, vector<1x1024x128xf32>
    %get3A_8 = vector.shape_cast %get3A_7 : vector<1x1024x128xf32> to vector<1024x128xf32>
    %add3A = arith.addf %get3A_3, %get3A_8 : vector<1024x128xf32>
    %get3A_9 = arith.constant 0 : index
    %get3A_10 = arith.constant 0 : index
    %get3A_11 = vector.load %arg2[%get3A_9, %get3A_10] : memref<1024x128xf32, #tpu.memory_space<vmem>>, vector<1024x128xf32>
    %add3A_12 = arith.addf %add3A, %get3A_11 : vector<1024x128xf32>
    %get3A_13 = arith.constant 0 : index
    %get3A_14 = arith.constant 0 : index
    %get3A_15 = vector.load %arg3[%get3A_13, %get3A_14] : memref<128x128xf32, #tpu.memory_space<vmem>>, vector<128x128xf32>
    %dot_general3A = arith.constant dense<0.000000e+00> : vector<1024x128xf32>
    %dot_general3A_16 = tpu.matmul %add3A_12, %get3A_15, %dot_general3A {dimension_numbers = #tpu.dot_dimension_numbers<[1], [0], [0], [1], [0, 0, 1, 1], [], []>, transpose_lhs_hint = false} : vector<1024x128xf32>, vector<128x128xf32>, vector<1024x128xf32> -> vector<1024x128xf32>
    %get3A_17 = arith.constant 0 : index
    %get3A_18 = arith.constant 0 : index
    %get3A_19 = vector.load %arg4[%get3A_17, %get3A_18] : memref<1x128xf32, #tpu.memory_space<vmem>>, vector<1x128xf32>
    %add3A_20 = vector.broadcast %get3A_19 : vector<1x128xf32> to vector<1024x128xf32>
    %add3A_21 = arith.addf %dot_general3A_16, %add3A_20 : vector<1024x128xf32>
    %max3A = arith.constant 0.000000e+00 : f32
    %max3A_22 = vector.broadcast %max3A : f32 to vector<1024x128xf32>
    %max3A_23 = arith.maximumf %add3A_21, %max3A_22 : vector<1024x128xf32>
    %get3A_24 = arith.constant 0 : index
    %get3A_25 = arith.constant 0 : index
    %get3A_26 = vector.load %arg5[%get3A_24, %get3A_25] : memref<128x128xf32, #tpu.memory_space<vmem>>, vector<128x128xf32>
    %dot_general3A_27 = arith.constant dense<0.000000e+00> : vector<1024x128xf32>
    %dot_general3A_28 = tpu.matmul %max3A_23, %get3A_26, %dot_general3A_27 {dimension_numbers = #tpu.dot_dimension_numbers<[1], [0], [0], [1], [0, 0, 1, 1], [], []>, transpose_lhs_hint = false} : vector<1024x128xf32>, vector<128x128xf32>, vector<1024x128xf32> -> vector<1024x128xf32>
    %get3A_29 = arith.constant 0 : index
    %get3A_30 = arith.constant 0 : index
    %get3A_31 = vector.load %arg6[%get3A_29, %get3A_30] : memref<1x128xf32, #tpu.memory_space<vmem>>, vector<1x128xf32>
    %add3A_32 = vector.broadcast %get3A_31 : vector<1x128xf32> to vector<1024x128xf32>
    %add3A_33 = arith.addf %dot_general3A_28, %add3A_32 : vector<1024x128xf32>
    %max3A_34 = arith.constant 0.000000e+00 : f32
    %max3A_35 = vector.broadcast %max3A_34 : f32 to vector<1024x128xf32>
    %max3A_36 = arith.maximumf %add3A_33, %max3A_35 : vector<1024x128xf32>
    %mul3A = arith.constant 1024 : i32
    %mul3A_37 = arith.muli %arg0, %mul3A : i32
    %iota3A = tpu.iota {dimensions = array<i32: 0>} : vector<1024x128xi32>
    %add3A_38 = vector.broadcast %mul3A_37 : i32 to vector<1024x128xi32>
    %add3A_39 = arith.addi %add3A_38, %iota3A : vector<1024x128xi32>
    %lt3A = arith.constant 10000 : i32
    %lt3A_40 = vector.broadcast %lt3A : i32 to vector<1024x128xi32>
    %lt3A_41 = arith.cmpi slt, %add3A_39, %lt3A_40 : vector<1024x128xi32>
    %jit3A = arith.constant 0.000000e+00 : f32
    %broadcast_in_dim3A = vector.broadcast %jit3A : f32 to vector<1024x128xf32>
    %select_n3A = arith.select %lt3A_41, %max3A_36, %broadcast_in_dim3A : vector<1024x128xi1>, vector<1024x128xf32>
    %swap3A = arith.constant 0 : index
    %swap3A_42 = arith.constant 0 : index
    %swap3A_43 = vector.load %arg7[%swap3A, %swap3A_42] : memref<1024x128xf32, #tpu.memory_space<vmem>>, vector<1024x128xf32>
    tpu.vector_store %arg7[%swap3A, %swap3A_42], %select_n3A {strides = array<i32>} : memref<1024x128xf32, #tpu.memory_space<vmem>>, vector<1024x128xf32>,
    return
  }
  func.func @transform_0(%arg0: i32) -> (i32, i32, i32) {
    %c0_i32 = arith.constant 0 : i32
    %c0_i32_0 = arith.constant 0 : i32
    %c0_i32_1 = arith.constant 0 : i32
    return %c0_i32, %arg0, %c0_i32_0 : i32, i32, i32
  }
  func.func @transform_1(%arg0: i32) -> (i32, i32) {
    %c0_i32 = arith.constant 0 : i32
    %c0_i32_0 = arith.constant 0 : i32
    return %arg0, %c0_i32 : i32, i32
  }
  func.func @transform_2(%arg0: i32) -> (i32, i32) {
    %c0_i32 = arith.constant 0 : i32
    %c0_i32_0 = arith.constant 0 : i32
    %c0_i32_1 = arith.constant 0 : i32
    return %c0_i32, %c0_i32_0 : i32, i32
  }
  func.func @transform_3(%arg0: i32) -> (i32, i32) {
    %c0_i32 = arith.constant 0 : i32
    %c0_i32_0 = arith.constant 0 : i32
    %c0_i32_1 = arith.constant 0 : i32
    return %c0_i32, %c0_i32_0 : i32, i32
  }
  func.func @transform_4(%arg0: i32) -> (i32, i32) {
    %c0_i32 = arith.constant 0 : i32
    %c0_i32_0 = arith.constant 0 : i32
    %c0_i32_1 = arith.constant 0 : i32
    return %c0_i32, %c0_i32_0 : i32, i32
  }
  func.func @transform_5(%arg0: i32) -> (i32, i32) {
    %c0_i32 = arith.constant 0 : i32
    %c0_i32_0 = arith.constant 0 : i32
    %c0_i32_1 = arith.constant 0 : i32
    return %c0_i32, %c0_i32_0 : i32, i32
  }
  func.func @transform_6(%arg0: i32) -> (i32, i32) {
    %c0_i32 = arith.constant 0 : i32
    %c0_i32_0 = arith.constant 0 : i32
    return %arg0, %c0_i32 : i32, i32
  }
}

module attributes {stable_mosaic.version = 14 : i64} {
  func.func @_mlp_pool_head_body(%arg0: i32, %arg1: memref<2x1024x128xf32, #tpu.memory_space<vmem>>, %arg2: memref<1024x128xf32, #tpu.memory_space<vmem>>, %arg3: memref<128x128xf32, #tpu.memory_space<vmem>>, %arg4: memref<1x128xf32, #tpu.memory_space<vmem>>, %arg5: memref<128x128xf32, #tpu.memory_space<vmem>>, %arg6: memref<1x128xf32, #tpu.memory_space<vmem>>, %arg7: memref<1x1x1024xi32, #tpu.memory_space<vmem>>, %arg8: memref<128x128xf32, #tpu.memory_space<vmem>>, %arg9: memref<1x128xf32, #tpu.memory_space<vmem>>, %arg10: memref<128x128xf32, #tpu.memory_space<vmem>>, %arg11: memref<1x128xf32, #tpu.memory_space<vmem>>, %arg12: memref<128x128xf32, #tpu.memory_space<vmem>>, %arg13: memref<128x128xf32, #tpu.memory_space<vmem>>) attributes {dimension_semantics = [#tpu.dimension_semantics<arbitrary>], iteration_bounds = array<i64: 10>, scalar_prefetch = 0 : i64, scratch_operands = 1 : i64, tpu.core_type = #tpu.core_type<tc>, window_params = [{transform_indices = @transform_0, window_bounds = array<i64: 2, 1024, 128>}, {transform_indices = @transform_1, window_bounds = array<i64: 1024, 128>}, {pipeline_mode = #tpu.pipeline_mode<synchronous>, transform_indices = @transform_2, window_bounds = array<i64: 128, 128>}, {pipeline_mode = #tpu.pipeline_mode<synchronous>, transform_indices = @transform_3, window_bounds = array<i64: 1, 128>}, {pipeline_mode = #tpu.pipeline_mode<synchronous>, transform_indices = @transform_4, window_bounds = array<i64: 128, 128>}, {pipeline_mode = #tpu.pipeline_mode<synchronous>, transform_indices = @transform_5, window_bounds = array<i64: 1, 128>}, {transform_indices = @transform_6, window_bounds = array<i64: 1, 1, 1024>}, {pipeline_mode = #tpu.pipeline_mode<synchronous>, transform_indices = @transform_7, window_bounds = array<i64: 128, 128>}, {pipeline_mode = #tpu.pipeline_mode<synchronous>, transform_indices = @transform_8, window_bounds = array<i64: 1, 128>}, {pipeline_mode = #tpu.pipeline_mode<synchronous>, transform_indices = @transform_9, window_bounds = array<i64: 128, 128>}, {pipeline_mode = #tpu.pipeline_mode<synchronous>, transform_indices = @transform_10, window_bounds = array<i64: 1, 128>}, {pipeline_mode = #tpu.pipeline_mode<synchronous>, transform_indices = @transform_11, window_bounds = array<i64: 128, 128>}]} {
    %eq3A = arith.constant 0 : i32
    %eq3A_0 = arith.cmpi eq, %arg0, %eq3A : i32
    %convert_element_type3A = arith.extui %eq3A_0 : i1 to i32
    %cond3A = arith.constant 0 : i32
    %cond3A_1 = arith.cmpi ne, %convert_element_type3A, %cond3A : i32
    scf.if %cond3A_1 {
      %broadcast_in_dim3A_67 = arith.constant 0.000000e+00 : f32
      %broadcast_in_dim3A_68 = vector.broadcast %broadcast_in_dim3A_67 : f32 to vector<128x128xf32>
      %swap3A_69 = arith.constant 0 : index
      %swap3A_70 = arith.constant 0 : index
      %swap3A_71 = vector.load %arg13[%swap3A_69, %swap3A_70] : memref<128x128xf32, #tpu.memory_space<vmem>>, vector<128x128xf32>
      tpu.vector_store %arg13[%swap3A_69, %swap3A_70], %broadcast_in_dim3A_68 {strides = array<i32>} : memref<128x128xf32, #tpu.memory_space<vmem>>, vector<128x128xf32>,
    } else {
    }
    %get3A = arith.constant 0 : index
    %get3A_2 = arith.constant 0 : index
    %get3A_3 = arith.constant 0 : index
    %get3A_4 = vector.load %arg1[%get3A, %get3A_2, %get3A_3] : memref<2x1024x128xf32, #tpu.memory_space<vmem>>, vector<1x1024x128xf32>
    %get3A_5 = vector.shape_cast %get3A_4 : vector<1x1024x128xf32> to vector<1024x128xf32>
    %get3A_6 = arith.constant 1 : index
    %get3A_7 = arith.constant 0 : index
    %get3A_8 = arith.constant 0 : index
    %get3A_9 = vector.load %arg1[%get3A_6, %get3A_7, %get3A_8] : memref<2x1024x128xf32, #tpu.memory_space<vmem>>, vector<1x1024x128xf32>
    %get3A_10 = vector.shape_cast %get3A_9 : vector<1x1024x128xf32> to vector<1024x128xf32>
    %add3A = arith.addf %get3A_5, %get3A_10 : vector<1024x128xf32>
    %get3A_11 = arith.constant 0 : index
    %get3A_12 = arith.constant 0 : index
    %get3A_13 = vector.load %arg2[%get3A_11, %get3A_12] : memref<1024x128xf32, #tpu.memory_space<vmem>>, vector<1024x128xf32>
    %add3A_14 = arith.addf %add3A, %get3A_13 : vector<1024x128xf32>
    %get3A_15 = arith.constant 0 : index
    %get3A_16 = arith.constant 0 : index
    %get3A_17 = vector.load %arg3[%get3A_15, %get3A_16] : memref<128x128xf32, #tpu.memory_space<vmem>>, vector<128x128xf32>
    %dot_general3A = arith.constant dense<0.000000e+00> : vector<1024x128xf32>
    %dot_general3A_18 = tpu.matmul %add3A_14, %get3A_17, %dot_general3A {dimension_numbers = #tpu.dot_dimension_numbers<[1], [0], [0], [1], [0, 0, 1, 1], [], []>, transpose_lhs_hint = false} : vector<1024x128xf32>, vector<128x128xf32>, vector<1024x128xf32> -> vector<1024x128xf32>
    %get3A_19 = arith.constant 0 : index
    %get3A_20 = arith.constant 0 : index
    %get3A_21 = vector.load %arg4[%get3A_19, %get3A_20] : memref<1x128xf32, #tpu.memory_space<vmem>>, vector<1x128xf32>
    %add3A_22 = vector.broadcast %get3A_21 : vector<1x128xf32> to vector<1024x128xf32>
    %add3A_23 = arith.addf %dot_general3A_18, %add3A_22 : vector<1024x128xf32>
    %max3A = arith.constant 0.000000e+00 : f32
    %max3A_24 = vector.broadcast %max3A : f32 to vector<1024x128xf32>
    %max3A_25 = arith.maximumf %add3A_23, %max3A_24 : vector<1024x128xf32>
    %get3A_26 = arith.constant 0 : index
    %get3A_27 = arith.constant 0 : index
    %get3A_28 = vector.load %arg5[%get3A_26, %get3A_27] : memref<128x128xf32, #tpu.memory_space<vmem>>, vector<128x128xf32>
    %dot_general3A_29 = arith.constant dense<0.000000e+00> : vector<1024x128xf32>
    %dot_general3A_30 = tpu.matmul %max3A_25, %get3A_28, %dot_general3A_29 {dimension_numbers = #tpu.dot_dimension_numbers<[1], [0], [0], [1], [0, 0, 1, 1], [], []>, transpose_lhs_hint = false} : vector<1024x128xf32>, vector<128x128xf32>, vector<1024x128xf32> -> vector<1024x128xf32>
    %get3A_31 = arith.constant 0 : index
    %get3A_32 = arith.constant 0 : index
    %get3A_33 = vector.load %arg6[%get3A_31, %get3A_32] : memref<1x128xf32, #tpu.memory_space<vmem>>, vector<1x128xf32>
    %add3A_34 = vector.broadcast %get3A_33 : vector<1x128xf32> to vector<1024x128xf32>
    %add3A_35 = arith.addf %dot_general3A_30, %add3A_34 : vector<1024x128xf32>
    %max3A_36 = arith.constant 0.000000e+00 : f32
    %max3A_37 = vector.broadcast %max3A_36 : f32 to vector<1024x128xf32>
    %max3A_38 = arith.maximumf %add3A_35, %max3A_37 : vector<1024x128xf32>
    %mul3A = arith.constant 1024 : i32
    %mul3A_39 = arith.muli %arg0, %mul3A : i32
    %iota3A = tpu.iota {dimensions = array<i32: 0>} : vector<1024x128xi32>
    %add3A_40 = vector.broadcast %mul3A_39 : i32 to vector<1024x128xi32>
    %add3A_41 = arith.addi %add3A_40, %iota3A : vector<1024x128xi32>
    %lt3A = arith.constant 10000 : i32
    %lt3A_42 = vector.broadcast %lt3A : i32 to vector<1024x128xi32>
    %lt3A_43 = arith.cmpi slt, %add3A_41, %lt3A_42 : vector<1024x128xi32>
    %jit3A = arith.constant 0.000000e+00 : f32
    %broadcast_in_dim3A = vector.broadcast %jit3A : f32 to vector<1024x128xf32>
    %select_n3A = arith.select %lt3A_43, %max3A_38, %broadcast_in_dim3A : vector<1024x128xi1>, vector<1024x128xf32>
    %get3A_44 = arith.constant 0 : index
    %get3A_45 = arith.constant 0 : index
    %get3A_46 = arith.constant 0 : index
    %get3A_47 = vector.load %arg7[%get3A_44, %get3A_45, %get3A_46] : memref<1x1x1024xi32, #tpu.memory_space<vmem>>, vector<1x1x1024xi32>
    %get3A_48 = vector.shape_cast %get3A_47 : vector<1x1x1024xi32> to vector<1x1024xi32>
    %iota3A_49 = tpu.iota {dimensions = array<i32: 0>} : vector<128x1024xi32>
    %eq3A_50 = vector.broadcast %get3A_48 : vector<1x1024xi32> to vector<128x1024xi32>
    %eq3A_51 = arith.cmpi eq, %iota3A_49, %eq3A_50 : vector<128x1024xi32>
    %convert_element_type3A_52 = arith.extui %eq3A_51 : vector<128x1024xi1> to vector<128x1024xi32>
    %convert_element_type3A_53 = arith.sitofp %convert_element_type3A_52 : vector<128x1024xi32> to vector<128x1024xf32>
    %get3A_54 = arith.constant 0 : index
    %get3A_55 = arith.constant 0 : index
    %get3A_56 = vector.load %arg13[%get3A_54, %get3A_55] : memref<128x128xf32, #tpu.memory_space<vmem>>, vector<128x128xf32>
    %dot_general3A_57 = arith.constant dense<0.000000e+00> : vector<128x128xf32>
    %dot_general3A_58 = tpu.matmul %convert_element_type3A_53, %select_n3A, %dot_general3A_57 {dimension_numbers = #tpu.dot_dimension_numbers<[1], [0], [0], [1], [0, 0, 1, 1], [], []>, transpose_lhs_hint = false} : vector<128x1024xf32>, vector<1024x128xf32>, vector<128x128xf32> -> vector<128x128xf32>
    %add3A_59 = arith.addf %get3A_56, %dot_general3A_58 : vector<128x128xf32>
    %swap3A = arith.constant 0 : index
    %swap3A_60 = arith.constant 0 : index
    %swap3A_61 = vector.load %arg13[%swap3A, %swap3A_60] : memref<128x128xf32, #tpu.memory_space<vmem>>, vector<128x128xf32>
    tpu.vector_store %arg13[%swap3A, %swap3A_60], %add3A_59 {strides = array<i32>} : memref<128x128xf32, #tpu.memory_space<vmem>>, vector<128x128xf32>,
    %eq3A_62 = arith.constant 9 : i32
    %eq3A_63 = arith.cmpi eq, %arg0, %eq3A_62 : i32
    %convert_element_type3A_64 = arith.extui %eq3A_63 : i1 to i32
    %cond3A_65 = arith.constant 0 : i32
    %cond3A_66 = arith.cmpi ne, %convert_element_type3A_64, %cond3A_65 : i32
    scf.if %cond3A_66 {
      %get3A_67 = arith.constant 0 : index
      %get3A_68 = arith.constant 0 : index
      %get3A_69 = vector.load %arg13[%get3A_67, %get3A_68] : memref<128x128xf32, #tpu.memory_space<vmem>>, vector<128x128xf32>
      %get3A_70 = arith.constant 0 : index
      %get3A_71 = arith.constant 0 : index
      %get3A_72 = vector.load %arg8[%get3A_70, %get3A_71] : memref<128x128xf32, #tpu.memory_space<vmem>>, vector<128x128xf32>
      %dot_general3A_73 = arith.constant dense<0.000000e+00> : vector<128x128xf32>
      %dot_general3A_74 = tpu.matmul %get3A_69, %get3A_72, %dot_general3A_73 {dimension_numbers = #tpu.dot_dimension_numbers<[1], [0], [0], [1], [0, 0, 1, 1], [], []>, transpose_lhs_hint = false} : vector<128x128xf32>, vector<128x128xf32>, vector<128x128xf32> -> vector<128x128xf32>
      %get3A_75 = arith.constant 0 : index
      %get3A_76 = arith.constant 0 : index
      %get3A_77 = vector.load %arg9[%get3A_75, %get3A_76] : memref<1x128xf32, #tpu.memory_space<vmem>>, vector<1x128xf32>
      %add3A_78 = vector.broadcast %get3A_77 : vector<1x128xf32> to vector<128x128xf32>
      %add3A_79 = arith.addf %dot_general3A_74, %add3A_78 : vector<128x128xf32>
      %max3A_80 = arith.constant 0.000000e+00 : f32
      %max3A_81 = vector.broadcast %max3A_80 : f32 to vector<128x128xf32>
      %max3A_82 = arith.maximumf %add3A_79, %max3A_81 : vector<128x128xf32>
      %get3A_83 = arith.constant 0 : index
      %get3A_84 = arith.constant 0 : index
      %get3A_85 = vector.load %arg10[%get3A_83, %get3A_84] : memref<128x128xf32, #tpu.memory_space<vmem>>, vector<128x128xf32>
      %dot_general3A_86 = arith.constant dense<0.000000e+00> : vector<128x128xf32>
      %dot_general3A_87 = tpu.matmul %max3A_82, %get3A_85, %dot_general3A_86 {dimension_numbers = #tpu.dot_dimension_numbers<[1], [0], [0], [1], [0, 0, 1, 1], [], []>, transpose_lhs_hint = false} : vector<128x128xf32>, vector<128x128xf32>, vector<128x128xf32> -> vector<128x128xf32>
      %get3A_88 = arith.constant 0 : index
      %get3A_89 = arith.constant 0 : index
      %get3A_90 = vector.load %arg11[%get3A_88, %get3A_89] : memref<1x128xf32, #tpu.memory_space<vmem>>, vector<1x128xf32>
      %add3A_91 = vector.broadcast %get3A_90 : vector<1x128xf32> to vector<128x128xf32>
      %add3A_92 = arith.addf %dot_general3A_87, %add3A_91 : vector<128x128xf32>
      %iota3A_93 = tpu.iota {dimensions = array<i32: 1>} : vector<128x128xi32>
      %lt3A_94 = arith.constant 10 : i32
      %lt3A_95 = vector.broadcast %lt3A_94 : i32 to vector<128x128xi32>
      %lt3A_96 = arith.cmpi slt, %iota3A_93, %lt3A_95 : vector<128x128xi32>
      %jit3A_97 = arith.constant -1.000000e+30 : f32
      %broadcast_in_dim3A_98 = vector.broadcast %jit3A_97 : f32 to vector<128x128xf32>
      %select_n3A_99 = arith.select %lt3A_96, %add3A_92, %broadcast_in_dim3A_98 : vector<128x128xi1>, vector<128x128xf32>
      %reduce_max3A = arith.constant dense<0xFF800000> : vector<128xf32>
      %reduce_max3A_100 = vector.multi_reduction <maximumf>, %select_n3A_99, %reduce_max3A [1] : vector<128x128xf32> to vector<128xf32>
      %broadcast_in_dim3A_101 = vector.shape_cast %reduce_max3A_100 : vector<128xf32> to vector<128x1xf32>
      %sub3A = vector.broadcast %broadcast_in_dim3A_101 : vector<128x1xf32> to vector<128x128xf32>
      %sub3A_102 = arith.subf %select_n3A_99, %sub3A : vector<128x128xf32>
      %exp3A = math.exp %sub3A_102 : vector<128x128xf32>
      %reduce_sum3A = arith.constant dense<0.000000e+00> : vector<128xf32>
      %reduce_sum3A_103 = vector.multi_reduction <add>, %exp3A, %reduce_sum3A [1] : vector<128x128xf32> to vector<128xf32>
      %broadcast_in_dim3A_104 = vector.shape_cast %reduce_sum3A_103 : vector<128xf32> to vector<128x1xf32>
      %log3A = math.log %broadcast_in_dim3A_104 : vector<128x1xf32>
      %add3A_105 = arith.addf %broadcast_in_dim3A_101, %log3A : vector<128x1xf32>
      %sub3A_106 = vector.broadcast %add3A_105 : vector<128x1xf32> to vector<128x128xf32>
      %sub3A_107 = arith.subf %select_n3A_99, %sub3A_106 : vector<128x128xf32>
      %swap3A_108 = arith.constant 0 : index
      %swap3A_109 = arith.constant 0 : index
      %swap3A_110 = vector.load %arg12[%swap3A_108, %swap3A_109] : memref<128x128xf32, #tpu.memory_space<vmem>>, vector<128x128xf32>
      tpu.vector_store %arg12[%swap3A_108, %swap3A_109], %sub3A_107 {strides = array<i32>} : memref<128x128xf32, #tpu.memory_space<vmem>>, vector<128x128xf32>,
    } else {
    }
    return
  }
  func.func @transform_0(%arg0: i32) -> (i32, i32, i32) {
    %c0_i32 = arith.constant 0 : i32
    %c0_i32_0 = arith.constant 0 : i32
    %c0_i32_1 = arith.constant 0 : i32
    return %c0_i32, %arg0, %c0_i32_0 : i32, i32, i32
  }
  func.func @transform_1(%arg0: i32) -> (i32, i32) {
    %c0_i32 = arith.constant 0 : i32
    %c0_i32_0 = arith.constant 0 : i32
    return %arg0, %c0_i32 : i32, i32
  }
  func.func @transform_2(%arg0: i32) -> (i32, i32) {
    %c0_i32 = arith.constant 0 : i32
    %c0_i32_0 = arith.constant 0 : i32
    %c0_i32_1 = arith.constant 0 : i32
    return %c0_i32, %c0_i32_0 : i32, i32
  }
  func.func @transform_3(%arg0: i32) -> (i32, i32) {
    %c0_i32 = arith.constant 0 : i32
    %c0_i32_0 = arith.constant 0 : i32
    %c0_i32_1 = arith.constant 0 : i32
    return %c0_i32, %c0_i32_0 : i32, i32
  }
  func.func @transform_4(%arg0: i32) -> (i32, i32) {
    %c0_i32 = arith.constant 0 : i32
    %c0_i32_0 = arith.constant 0 : i32
    %c0_i32_1 = arith.constant 0 : i32
    return %c0_i32, %c0_i32_0 : i32, i32
  }
  func.func @transform_5(%arg0: i32) -> (i32, i32) {
    %c0_i32 = arith.constant 0 : i32
    %c0_i32_0 = arith.constant 0 : i32
    %c0_i32_1 = arith.constant 0 : i32
    return %c0_i32, %c0_i32_0 : i32, i32
  }
  func.func @transform_6(%arg0: i32) -> (i32, i32, i32) {
    %c0_i32 = arith.constant 0 : i32
    %c0_i32_0 = arith.constant 0 : i32
    %c0_i32_1 = arith.constant 0 : i32
    return %arg0, %c0_i32, %c0_i32_0 : i32, i32, i32
  }
  func.func @transform_7(%arg0: i32) -> (i32, i32) {
    %c0_i32 = arith.constant 0 : i32
    %c0_i32_0 = arith.constant 0 : i32
    %c0_i32_1 = arith.constant 0 : i32
    return %c0_i32, %c0_i32_0 : i32, i32
  }
  func.func @transform_8(%arg0: i32) -> (i32, i32) {
    %c0_i32 = arith.constant 0 : i32
    %c0_i32_0 = arith.constant 0 : i32
    %c0_i32_1 = arith.constant 0 : i32
    return %c0_i32, %c0_i32_0 : i32, i32
  }
  func.func @transform_9(%arg0: i32) -> (i32, i32) {
    %c0_i32 = arith.constant 0 : i32
    %c0_i32_0 = arith.constant 0 : i32
    %c0_i32_1 = arith.constant 0 : i32
    return %c0_i32, %c0_i32_0 : i32, i32
  }
  func.func @transform_10(%arg0: i32) -> (i32, i32) {
    %c0_i32 = arith.constant 0 : i32
    %c0_i32_0 = arith.constant 0 : i32
    %c0_i32_1 = arith.constant 0 : i32
    return %c0_i32, %c0_i32_0 : i32, i32
  }
  func.func @transform_11(%arg0: i32) -> (i32, i32) {
    %c0_i32 = arith.constant 0 : i32
    %c0_i32_0 = arith.constant 0 : i32
    %c0_i32_1 = arith.constant 0 : i32
    return %c0_i32, %c0_i32_0 : i32, i32
  }
}

</mosaic_0001>

<sc_bundles>
// kernel: kernel.11.cloned.1.call-start
scs
__scs_entry_jumppad:
0x0: {  	(pc) =	sbr.rel $0x88, $3  }
0x1: {  	(tag) =	ssettag $0x0;
	lr =	simm.s32 $0x1  }
0x2: {  	[smem:$0x3F96] =	sst lr;
	_ =	strace $0xD0000000  }
0x3: {  	_ = 	snop  }
0x4: {  	_ = 	snop  }
0x5: {  	_ = 	snop  }
0x6: {  	_ = 	snop  }
0x7: {  	_ = 	snop  }
__scs_overlays_trampoline_lowered:
0x8: {  	[smem:$0x3FA5] =	sst s0  }
0x9: {  	[smem:$0x3FA6] =	sst s1  }
0xa: {  	[smem:$0x3FA7] =	sst s2  }
0xb: {  	[smem:$0x3FA8] =	sst s3  }
0xc: {  	[smem:$0x3FA9] =	sst s4  }
0xd: {  	[smem:$0x3FAA] =	sst s5  }
0xe: {  	[smem:$0x3FAB] =	sst s6  }
0xf: {  	[smem:$0x3FAC] =	sst s7  }
0x10: {  	[smem:$0x3FAD] =	sst s8  }
0x11: {  	[smem:$0x3FAE] =	sst s9;
	s0 =	simm.s32 @!p0 $0x0  }
0x12: {  	s1 =	sld [smem:$0x3F94];
	s0 =	simm.s32 @p0 $0x1  }
0x13: {  	[smem:$0x3FAF] =	sst s0;
	s0 =	simm.s32 @!p1 $0x0  }
0x14: {  	s2 =	sld [smem:$0x3F93];
	s0 =	simm.s32 @p1 $0x1  }
0x15: {  	[smem:$0x3FB0] =	sst s0;
	s0 =	simm.s32 @!p2 $0x0  }
0x16: {  	s3 =	sld [smem:$0x3FDB];
	s0 =	simm.s32 @p2 $0x1  }
0x17: {  	s4 =	simm.s32 $0x1BF5;
	[smem:$0x3FB2] =	sst s0  }
0x18: {  	s0 =	sld [smem:$0x3F95];
	_ =	swait.ge [sflag:s4], $0x0  }
0x19: {  	s7 =	sld [smem:$0x3F96]  }
0x1a: {  	s8 =	sadd.s32 $0xFFFFE003, lr  }
0x1b: {  	s9 =	sadd.s32 $0xFFFFFEF7, lr;
	s5 =	simm.s32 $0xFFFFFFFF;
	p2 =	slt.u32 s8, $0xFFFFF086  }
0x1c: {  	p1 =	slt.u32 s9, $0xF7A;
	s5 =	simm.s32 @!p2 $0x0  }
0x1d: {  	s5 =	simm.s32 @p1 $0x1;
	p0 =	seq.s32 s7, s2  }
0x1e: {  	s7 =	smul.u32 @!p0 $0xF7A, s2;
	p2 =	seq.s32 @!p0 s5, $0x0  }
0x1f: {  	s9 =	smul.u32 $0xF7A, s1;
	s8 =	simm.s32 @!p0 $0x1BF5;
	p2 =	por !p2, p0  }
0x20: {  	[sflag:s8] =	ssyncset.s32 @!p0 $0xFFFFF086;
	s6 =	sadd.s32 @!p0 s3, s7;
	s7 =	simm.s32 @!p0 $0x108  }
0x21: {  	s3 =	sadd.s32 s3, s9;
	s6 =	sadd.s32 @!p0 $0x88, s6;
	s7 =	simm.s32 @p2 $0x1082  }
0x22: {  	[simem:s7], [sflag:s8] =	dma.local @!p0 [hbm:s6], $0xF7A  }
0x23: {  	s9 =	sor.u32 $0xD0000000, s2;
	s6 =	simm.s32 $0x108;
	_ =	swait.ge @!p0 [sflag:s8], $0x0  }
0x24: {  	s3 =	sadd.s32 $0x88, s3;
	s6 =	simm.s32 @!p1 $0x1082;
	[sflag:s4] =	ssyncset.s32 $0xFFFFF086  }
0x25: {  	[simem:s6], [sflag:s4] =	dma.local [hbm:s3], $0xF7A  }
0x26: {  	[smem:$0x3F96] =	sst s1;
	(tag) =	ssettag s2;
	_ =	strace s9  }
0x27: {  	s1 =	sld [smem:$0x3FA6]  }
0x28: {  	s2 =	sld [smem:$0x3FA7]  }
0x29: {  	s4 =	sld [smem:$0x3FA9]  }
0x2a: {  	p0 =	seq.s32 s5, $0x0;
	s5 =	sld [smem:$0x3FAA]  }
0x2b: {  	s6 =	sld [smem:$0x3FAB]  }
0x2c: {  	s7 =	sld [smem:$0x3FAC]  }
0x2d: {  	s3 =	simm.s32 $0x108;
	s8 =	sld [smem:$0x3FAD]  }
0x2e: {  	s3 =	simm.s32 @!p0 $0x1082;
	s9 =	sld [smem:$0x3FAE]  }
0x2f: {  	lr =	sadd.s32 s0, s3;
	s0 =	sld [smem:$0x3FA5]  }
0x30: {  	s3 =	sld [smem:$0x3FA8]  }
0x31: {  	[smem:$0x3FB1] =	sst s10  }
0x32: {  	s10 =	sld [smem:$0x3FAF];
	_ =	sdelay $0x3  }
0x33: {  	p0 =	seq.s32 s10, $0x1;
	s10 =	sld [smem:$0x3FB1];
	_ =	sdelay $0x3  }
0x34: {  	[smem:$0x3FB1] =	sst s10  }
0x35: {  	s10 =	sld [smem:$0x3FB0];
	_ =	sdelay $0x3  }
0x36: {  	p1 =	seq.s32 s10, $0x1;
	s10 =	sld [smem:$0x3FB1];
	_ =	sdelay $0x3  }
0x37: {  	[smem:$0x3FB1] =	sst s10  }
0x38: {  	s10 =	sld [smem:$0x3FB2]  }
0x39: {  	_ = 	snop;
	(pc) =	sbr.ind lr, $3  }
0x3a: {  	_ = 	snop  }
0x3b: {  	_ = 	snop  }
0x3c: {  	p2 =	seq.s32 s10, $0x1;
	s10 =	sld [smem:$0x3FB1]  }
0x3d: {  	_ =	shalt  }
0x3e: {  	_ =	shalt  }
0x3f: {  	_ =	shalt  }
0x40: {  	_ =	shalt  }
0x41: {  	_ =	shalt  }
0x42: {  	_ =	shalt  }
0x43: {  	_ =	shalt  }
0x44: {  	_ =	shalt  }
0x45: {  	_ =	shalt  }
0x46: {  	_ =	shalt  }
0x47: {  	_ =	shalt  }
0x48: {  	_ =	shalt  }
0x49: {  	_ =	shalt  }
0x4a: {  	_ =	shalt  }
0x4b: {  	_ =	shalt  }
0x4c: {  	_ =	shalt  }
0x4d: {  	_ =	shalt  }
0x4e: {  	_ =	shalt  }
0x4f: {  	_ =	shalt  }
0x50: {  	_ =	shalt  }
0x51: {  	_ =	shalt  }
0x52: {  	_ =	shalt  }
0x53: {  	_ =	shalt  }
0x54: {  	_ =	shalt  }
0x55: {  	_ =	shalt  }
0x56: {  	_ =	shalt  }
0x57: {  	_ =	shalt  }
0x58: {  	_ =	shalt  }
0x59: {  	_ =	shalt  }
0x5a: {  	_ =	shalt  }
0x5b: {  	_ =	shalt  }
0x5c: {  	_ =	shalt  }
0x5d: {  	_ =	shalt  }
0x5e: {  	_ =	shalt  }
0x5f: {  	_ =	shalt  }
0x60: {  	_ =	shalt  }
0x61: {  	_ =	shalt  }
0x62: {  	_ =	shalt  }
0x63: {  	_ =	shalt  }
0x64: {  	_ =	shalt  }
0x65: {  	_ =	shalt  }
0x66: {  	_ =	shalt  }
0x67: {  	_ =	shalt  }
0x68: {  	_ =	shalt  }
0x69: {  	_ =	shalt  }
0x6a: {  	_ =	shalt  }
0x6b: {  	_ =	shalt  }
0x6c: {  	_ =	shalt  }
0x6d: {  	_ =	shalt  }
0x6e: {  	_ =	shalt  }
0x6f: {  	_ =	shalt  }
0x70: {  	_ =	shalt  }
0x71: {  	_ =	shalt  }
0x72: {  	_ =	shalt  }
0x73: {  	_ =	shalt  }
0x74: {  	_ =	shalt  }
0x75: {  	_ =	shalt  }
0x76: {  	_ =	shalt  }
0x77: {  	_ =	shalt  }
0x78: {  	_ =	shalt  }
0x79: {  	_ =	shalt  }
0x7a: {  	_ =	shalt  }
0x7b: {  	_ =	shalt  }
0x7c: {  	_ =	shalt  }
0x7d: {  	_ =	shalt  }
0x7e: {  	_ =	shalt  }
0x7f: {  	_ =	shalt  }
0x80: {  	_ =	shalt  }
0x81: {  	_ =	shalt  }
0x82: {  	_ =	shalt  }
0x83: {  	_ =	shalt  }
0x84: {  	_ =	shalt  }
0x85: {  	_ =	shalt  }
0x86: {  	_ =	shalt  }
0x87: {  	_ =	shalt  }
.Lfunc_end0:
.L_simem_size_0:
called_computation.1_lowered:
.L_overlay_start_0:
0x88: {  	s2 =	sld [smem:$0x3FD9]  }
0x89: {  	s3 =	sld [smem:$0x3FFE];
	_ =	sdelay $0x1  }
0x8a: {  	s1 =	srdreg.scid  }
0x8b: {  	s0 =	sand.u32 $0x1, s1  }
0x8c: {  	s16 =	sshll.u32 s0, $0xA;
	s2 =	sadd.s32 s3, s2  }
0x8d: {  	s2 =	sadd.s32 s2, s16  }
0x8e: {  	[smem:$0x3FBD] =	sst s2  }
0x8f: {  	_ = 	snop  }
0x90: {  	(tm) =	ssettm $0x1  }
0x91: {  	s17 =	sld [smem:$0x3FFB];
	_ =	sdelay $0x3  }
0x92: {  	_ =	strace s17  }
0x93: {  	s2 =	sld [smem:$0x3FFC];
	_ =	sdelay $0x3  }
0x94: {  	_ =	strace s2  }
0x95: {  	s2 =	sld [smem:$0x3FFD];
	_ =	sdelay $0x3  }
0x96: {  	_ =	strace s2  }
0x97: {  	_ =	strace $0x8FFFFFFF  }
0x98: {  	s18 =	sld [smem:$0x3FDB];
	_ =	sdelay $0x1  }
0x99: {  	s19 =	simm.s32 $_scs_section_size  }
0x9a: {  	s4 =	simm.s32 $_size__tile_overlayer_lowered;
	s5 =	simm.s32 $_tile_overlayer_lowered  }
0x9b: {  	s22 =	simm.s32 $0x1BFF;
	s21 =	sshll.u32 s5, $0x1;
	s2 =	sadd.s32 s19, s18  }
0x9c: {  	s6 =	simm.s32 $0x0;
	s20 =	sshll.u32 s4, $0x1;
	s4 =	sadd.s32 s21, s2  }
0x9d: {  	[timem:s6], [sflag:s22] =	dma.local [hbm:s4], s20  }
0x9e: {  	_ =	swait.ge [sflag:s22], s20  }
0x9f: {  	s3 =	ssub.s32 $0x0, s20;
	[sflag:s22] =	ssyncset.done $0x0  }
0xa0: {  	[sflag:s22] =	ssyncadd.s32 s3;
	_ =	sdelay $0x1  }
0xa1: {  	s23 =	simm.s32 $0x1B8B  }
0xa2: {  	_ =	swait.ge [sflag:s23], $0x1  }
0xa3: {  	[sflag:s23] =	ssyncset.done $0x0  }
0xa4: {  	s25 =	simm.s32 $0x1B8E;
	s24 =	sld [smem:$0x3FFE];
	[sflag:s23] =	ssyncadd.s32 $0xFFFFFFFF  }
0xa5: {  	s26 =	simm.s32 $execute0_lowered;
	[smem:$0x3FD2] =	sst s25  }
0xa6: {  	s4 =	sshll.u32 s26, $0x1;
	_ =	strace $0x80000049;
	[dreg:$0x1] =	wrdreg $0xFFFFFFFF  }
0xa7: {  	s28 =	simm.s32 $_size_execute0_lowered;
	s2 =	sadd.s32 s2, s4;
	[dreg:$0x0] =	wrdreg $0x0  }
0xa8: {  	s4 =	sshll.u32 s28, $0x1;
	[dreg:$0x2] =	wrdreg s2  }
0xa9: {  	[dreg:$0x3] =	wrdreg s4  }
0xaa: {  	[dreg:$0x4] =	wrdreg $0xC0  }
0xab: {  	_ =	task [dreg:s6], $0x5FFFF  }
0xac: {  	[dreg:$0x1] =	wrdreg $0xFFFFFFFF  }
0xad: {  	[dreg:$0x0] =	wrdreg $0x60  }
0xae: {  	[dreg:$0x2] =	wrdreg s24  }
0xaf: {  	[dreg:$0x3] =	wrdreg $0xA8000  }
0xb0: {  	[dreg:$0x4] =	wrdreg $0x9  }
0xb1: {  	_ =	task.clear_ibuf [dreg:s6], $0x5FFFF;
	_ =	strace $0x90000049  }
0xb2: {  	s29 =	simm.s32 $0x9;
	_ =	strace $0x8000004B  }
0xb3: {  	_ =	swait.ge [sflag:s29], $0x1  }
0xb4: {  	[sflag:s29] =	ssyncadd.s32 $0xFFFFFFFF  }
0xb5: {  	_ =	strace $0x9000004B  }
0xb6: {  	_ =	sfence  }
0xb7: {  	s30 =	sld [smem:$0x0];
	_ =	sdelay $0x2  }
0xb8: {  	s31 =	sshll.u32 s1, $0xD;
	s1 =	sshrl.u32 s1, $0x2  }
0xb9: {  	s3 =	sand.u32 $0x4000, s31;
	s1 =	sadd.s32 s1, s30  }
0xba: {  	s0 =	sor.u32 s3, s0;
	s1 =	sshll.u32 s1, $0x11  }
0xbb: {  	s0 =	sor.u32 s1, s0  }
0xbc: {  	s0 =	sadd.s32 $0x8F2B, s0  }
0xbd: {  	[sflag:s0] =	ssyncadd.remote.s32 $0x1  }
0xbe: {  	_ =	sfence.sel $0xFFFF  }
0xbf: {  	[dreg:$0x0] =	wrdreg $0xFFFFFFFF;
	(pc) =	sbr.abs _section_cstart, $3  }
0xc0: {  	[dreg:$0x1] =	wrdreg $0xFFFFFFFF  }
0xc1: {  	_ =	task.clear_ibuf [dreg:s6], $0x2FFFF;
	_ =	strace $0x9FFFFFFF  }
0xc2: {  	(tm) =	ssettm $0x7FFFFFFF  }
0xc3: {  	_ =	shalt  }
tec
execute0_lowered:
.L_overlay_start_1:
0x0: {  	(tag) =	ssettag $0x1  }
0x1: {  	s6 =	rddreg [dreg:$0x0]  }
0x2: {  	s1 =	rddreg [dreg:$0x1];
	s2 =	srdreg.scid  }
0x3: {  	s0 =	rddreg [dreg:$0x2];
	s3 =	simm.s32 $0x0;
	s18 =	simm.s32 $0x1400  }
0x4: {  	s19 =	simm.s32 $0x80;
	s20 =	simm.s32 $0x6800;
	s21 =	simm.s32 $0x1  }
0x5: {  	s22 =	simm.s32 $0x2;
	s23 =	simm.s32 $0x2700;
	s24 =	simm.s32 $0x2780  }
0x6: {  	s5 =	sand.u32 $0x1, s2;
	s2 =	stileid.u32;
	[smem:$0x7FF] =	sst s3  }
0x7: {  	s4 =	sadd.s32 $0x17200, s6;
	s12 =	sadd.s32 $0x3200, s6;
	s7 =	smul.u32 $0x140000, s5  }
0x8: {  	s13 =	sadd.s32 $0xD200, s6;
	s8 =	smul.u32 $0x14000, s2;
	_ =	strace $0x8000004A  }
0x9: {  	s28 =	smul.u32 $0x50000, s2;
	s9 =	sshll.u32 s2, $0x1;
	s10 =	ssub.s32 $0x2, s5  }
0xa: {  	s9 =	sor.u32 s5, s9;
	s30 =	sshrl.u32 s10, $0x1;
	s7 =	sadd.s32 s8, s7  }
0xb: {  	s29 =	sshrl.u32 s28, $0x2;
	s11 =	smul.u32 $0x2800, s9;
	s15 =	ssub.s32 s10, s30  }
0xc: {  	s16 =	smul.u32 $0x500, s9;
	s7 =	sshrl.u32 s7, $0x3;
	s5 =	sadd.s32 s29, s1  }
0xd: {  	s15 =	smax.u32 s15, $0x1;
	s14 =	sadd.s32 s7, s6;
	s6 =	sadd.s32 $0x4000, s5  }
0xe: {  	s7 =	sadd.s32 $0x8000, s5;
	s31 =	sshrl.u32 s11, $0x3;
	s8 =	sadd.s32 $0xC000, s5  }
0xf: {  	s9 =	sadd.s32 $0x10000, s5;
	s10 =	sadd.s32 s12, s16;
	s11 =	sadd.s32 s13, s16  }
0x10: {  	s16 =	simm.s32 $0x2800;
	s17 =	sadd.s32 $0x280, s31;
	s14 =	sadd.s32 $0x3F200, s14  }
0x11: {  	v0 =	vimm.f32 $0.0e+00;
	s12 =	sadd.s32 s12, s17;
	s13 =	sadd.s32 s13, s17;
	s17 =	simm.s32 $0x3  }
.LBB2_1:
0x12: {  	s25 =	simm.s32 $0x0;
	s26 =	simm.s32 $0x200  }
.LBB2_2:
0x13: {  	p0 =	sne.s32 s26, $0xFE00;
	[tilespmem:s25+$0x2870] =	vst v0  }
0x14: {  	[tilespmem:s25+$0x2800] =	vst v0  }
0x15: {  	[tilespmem:s25+$0x2810] =	vst v0  }
.Ltmp0:
0x16: {  	[tilespmem:s25+$0x2820] =	vst v0;
	(pc) =	sbr.rel @p0 .LBB2_2-.Ltmp0, $4  }
0x17: {  	[tilespmem:s25+$0x2830] =	vst v0  }
0x18: {  	[tilespmem:s25+$0x2840] =	vst v0  }
0x19: {  	[tilespmem:s25+$0x2850] =	vst v0  }
0x1a: {  	[tilespmem:s25+$0x2860] =	vst v0;
	s25 =	sshra.s32 s26, $0x2;
	s26 =	sadd.s32 $0x200, s26  }
0x1b: {  	[tilespmem:s25+$0x2870] =	vst v0  }
0x1c: {  	[tilespmem:s25+$0x2800] =	vst v0  }
0x1d: {  	[tilespmem:s25+$0x2810] =	vst v0  }
0x1e: {  	[tilespmem:s25+$0x2820] =	vst v0  }
0x1f: {  	[tilespmem:s25+$0x2830] =	vst v0  }
0x20: {  	[tilespmem:s25+$0x2840] =	vst v0  }
0x21: {  	[tilespmem:s25+$0x2850] =	vst v0  }
0x22: {  	[tilespmem:s25+$0x2860] =	vst v0  }
0x23: {  	[spmem:s5] =	stream.linear.scatter [tilespmem:s16], [sflag:$0x3], $0x4000, $0x38;
	[tilespmem:$0x1E800] =	vst v63  }
0x24: {  	_ =	swait.ge [sflag:s17], $0x4000  }
0x25: {  	[sflag:s17] =	ssyncset.done $0x0  }
0x26: {  	[sflag:s17] =	ssyncadd.s32 $0xFFFFC000  }
0x27: {  	[spmem:s6] =	stream.linear.scatter [tilespmem:s16], [sflag:$0x3], $0x4000, $0x38;
	[tilespmem:$0x1E800] =	vst v63  }
0x28: {  	_ =	swait.ge [sflag:s17], $0x4000  }
0x29: {  	[sflag:s17] =	ssyncset.done $0x0  }
0x2a: {  	[sflag:s17] =	ssyncadd.s32 $0xFFFFC000  }
0x2b: {  	[spmem:s7] =	stream.linear.scatter [tilespmem:s16], [sflag:$0x3], $0x4000, $0x38;
	[tilespmem:$0x1E800] =	vst v63  }
0x2c: {  	_ =	swait.ge [sflag:s17], $0x4000  }
0x2d: {  	[sflag:s17] =	ssyncset.done $0x0  }
0x2e: {  	[sflag:s17] =	ssyncadd.s32 $0xFFFFC000  }
0x2f: {  	[spmem:s8] =	stream.linear.scatter [tilespmem:s16], [sflag:$0x3], $0x4000, $0x38;
	[tilespmem:$0x1E800] =	vst v63  }
0x30: {  	_ =	swait.ge [sflag:s17], $0x4000  }
0x31: {  	[sflag:s17] =	ssyncset.done $0x0  }
0x32: {  	[sflag:s17] =	ssyncadd.s32 $0xFFFFC000  }
0x33: {  	[spmem:s9] =	stream.linear.scatter [tilespmem:s16], [sflag:$0x3], $0x4000, $0x38;
	[tilespmem:$0x1E800] =	vst v63  }
0x34: {  	_ =	swait.ge [sflag:s17], $0x4000  }
0x35: {  	[sflag:s17] =	ssyncset.done $0x0  }
0x36: {  	[sflag:s17] =	ssyncadd.s32 $0xFFFFC000  }
0x37: {  	s28 =	simm.s32 $0x0;
	[bflag:$0x0] =	sbarrier.arrive $0xFFFF  }
0x38: {  	[tilespmem:s28], [sflag:$0x3] =	stream.linear.gather [hbm4b:s10+s28], $0x1400, $0x38;
	[tilespmem:$0x1E800] =	vst v63  }
0x39: {  	_ =	swait.ge [sflag:s17], $0x1400  }
0x3a: {  	[sflag:s17] =	ssyncset.done $0x0  }
0x3b: {  	[sflag:s17] =	ssyncadd.s32 $0xFFFFEC00  }
0x3c: {  	[tilespmem:s18], [sflag:$0x3] =	stream.linear.gather [hbm4b:s11+s28], $0x1400, $0x38;
	[tilespmem:$0x1E800] =	vst v63  }
0x3d: {  	_ =	swait.ge [sflag:s17], $0x1400  }
0x3e: {  	[sflag:s17] =	ssyncset.done $0x0  }
0x3f: {  	[sflag:s17] =	ssyncadd.s32 $0xFFFFEC00  }
0x40: {  	[tilespmem:s16], [sflag:$0x1] =	stream.indirect.gather [hbm4b:s4+s19], $0x80, s28, s19, $0xb8;
	[tilespmem:$0x1E800] =	vst v63  }
0x41: {  	_ = 	snop  }
0x42: {  	[tilespmem:s20], [sflag:$0x2] =	stream.indirect.gather [hbm4b:s4+s19], $0x80, s19, s19, $0xb8;
	[tilespmem:$0x1E800] =	vst v63  }
0x43: {  	_ =	swait.ge [sflag:s21], $0x4000  }
0x44: {  	[sflag:s21] =	ssyncset.done $0x0  }
0x45: {  	s29 =	simm.s32 $0x1400;
	[sflag:s21] =	ssyncadd.s32 $0xFFFFC000  }
0x46: {  	[spmem:s1] =	stream.indirect.scatter.add.f32 [tilespmem:s16], [sflag:$0x3], $0x80, s29, s19, $0xb8;
	[tilespmem:$0x1E800] =	vst v63  }
0x47: {  	_ =	swait.ge [sflag:s17], $0x4000  }
0x48: {  	[sflag:s17] =	ssyncset.done $0x0  }
0x49: {  	s30 =	simm.s32 $0x100;
	[sflag:s17] =	ssyncadd.s32 $0xFFFFC000  }
0x4a: {  	[tilespmem:s16], [sflag:$0x1] =	stream.indirect.gather [hbm4b:s4+s19], $0x80, s30, s19, $0xb8;
	[tilespmem:$0x1E800] =	vst v63  }
0x4b: {  	_ =	swait.ge [sflag:s22], $0x4000  }
0x4c: {  	[sflag:s22] =	ssyncset.done $0x0  }
0x4d: {  	s31 =	simm.s32 $0x1480;
	[sflag:s22] =	ssyncadd.s32 $0xFFFFC000  }
0x4e: {  	[spmem:s1] =	stream.indirect.scatter.add.f32 [tilespmem:s20], [sflag:$0x3], $0x80, s31, s19, $0xb8;
	[tilespmem:$0x1E800] =	vst v63  }
0x4f: {  	_ =	swait.ge [sflag:s17], $0x4000  }
0x50: {  	[sflag:s17] =	ssyncset.done $0x0  }
0x51: {  	s25 =	simm.s32 $0x400;
	s26 =	simm.s32 $0x180;
	[sflag:s17] =	ssyncadd.s32 $0xFFFFC000  }
.LBB2_4:
0x52: {  	[tilespmem:s20], [sflag:$0x2] =	stream.indirect.gather [hbm4b:s4+s19], $0x80, s26, s19, $0xb8;
	[tilespmem:$0x1E800] =	vst v63  }
0x53: {  	s26 =	smov.u32 s25  }
0x54: {  	p0 =	sne.s32 s25, $0x4800;
	s25 =	sadd.s32 $0x400, s25;
	_ =	swait.ge [sflag:s21], $0x4000  }
0x55: {  	s26 =	sshra.s32 s26, $0x2;
	[sflag:s21] =	ssyncset.done $0x0  }
0x56: {  	s28 =	sadd.s32 $0x1400, s26;
	[sflag:s21] =	ssyncadd.s32 $0xFFFFC000  }
0x57: {  	[spmem:s1] =	stream.indirect.scatter.add.f32 [tilespmem:s16], [sflag:$0x3], $0x80, s28, s19, $0xb8;
	[tilespmem:$0x1E800] =	vst v63  }
0x58: {  	_ =	swait.ge [sflag:s17], $0x4000  }
0x59: {  	[sflag:s17] =	ssyncset.done $0x0  }
0x5a: {  	s28 =	sadd.s32 $0x100, s26;
	[sflag:s17] =	ssyncadd.s32 $0xFFFFC000  }
0x5b: {  	[tilespmem:s16], [sflag:$0x1] =	stream.indirect.gather [hbm4b:s4+s19], $0x80, s28, s19, $0xb8;
	[tilespmem:$0x1E800] =	vst v63  }
0x5c: {  	_ =	swait.ge [sflag:s22], $0x4000  }
0x5d: {  	[sflag:s22] =	ssyncset.done $0x0  }
.Ltmp1:
0x5e: {  	s28 =	sadd.s32 $0x1480, s26;
	[sflag:s22] =	ssyncadd.s32 $0xFFFFC000;
	(pc) =	sbr.rel @p0 .LBB2_4-.Ltmp1, $4  }
0x5f: {  	[spmem:s1] =	stream.indirect.scatter.add.f32 [tilespmem:s20], [sflag:$0x3], $0x80, s28, s19, $0xb8;
	[tilespmem:$0x1E800] =	vst v63  }
0x60: {  	_ =	swait.ge [sflag:s17], $0x4000  }
0x61: {  	[sflag:s17] =	ssyncset.done $0x0  }
0x62: {  	s26 =	sadd.s32 $0x180, s26;
	[sflag:s17] =	ssyncadd.s32 $0xFFFFC000  }
0x63: {  	[tilespmem:s20], [sflag:$0x2] =	stream.indirect.gather [hbm4b:s4+s19], $0x80, s26, s19, $0xb8;
	[tilespmem:$0x1E800] =	vst v63  }
0x64: {  	_ =	swait.ge [sflag:s21], $0x4000  }
0x65: {  	[sflag:s21] =	ssyncset.done $0x0  }
0x66: {  	[sflag:s21] =	ssyncadd.s32 $0xFFFFC000  }
0x67: {  	[spmem:s1] =	stream.indirect.scatter.add.f32 [tilespmem:s16], [sflag:$0x3], $0x80, s23, s19, $0xb8;
	[tilespmem:$0x1E800] =	vst v63  }
0x68: {  	_ =	swait.ge [sflag:s17], $0x4000  }
0x69: {  	[sflag:s17] =	ssyncset.done $0x0  }
0x6a: {  	[sflag:s17] =	ssyncadd.s32 $0xFFFFC000  }
0x6b: {  	_ =	swait.ge [sflag:s22], $0x4000  }
0x6c: {  	[sflag:s22] =	ssyncset.done $0x0  }
0x6d: {  	[sflag:s22] =	ssyncadd.s32 $0xFFFFC000  }
0x6e: {  	[spmem:s1] =	stream.indirect.scatter.add.f32 [tilespmem:s20], [sflag:$0x3], $0x80, s24, s19, $0xb8;
	[tilespmem:$0x1E800] =	vst v63  }
0x6f: {  	_ =	swait.ge [sflag:s17], $0x4000  }
0x70: {  	[sflag:s17] =	ssyncset.done $0x0  }
0x71: {  	s25 =	simm.s32 $0x0;
	[sflag:s17] =	ssyncadd.s32 $0xFFFFC000  }
0x72: {  	[tilespmem:s25], [sflag:$0x3] =	stream.linear.gather [hbm4b:s12+s25], $0x1400, $0x38;
	[tilespmem:$0x1E800] =	vst v63  }
0x73: {  	_ =	swait.ge [sflag:s17], $0x1400  }
0x74: {  	[sflag:s17] =	ssyncset.done $0x0  }
0x75: {  	[sflag:s17] =	ssyncadd.s32 $0xFFFFEC00  }
0x76: {  	[tilespmem:s18], [sflag:$0x3] =	stream.linear.gather [hbm4b:s13+s25], $0x1400, $0x38;
	[tilespmem:$0x1E800] =	vst v63  }
0x77: {  	_ =	swait.ge [sflag:s17], $0x1400  }
0x78: {  	[sflag:s17] =	ssyncset.done $0x0  }
0x79: {  	[sflag:s17] =	ssyncadd.s32 $0xFFFFEC00  }
0x7a: {  	[tilespmem:s16], [sflag:$0x1] =	stream.indirect.gather [hbm4b:s4+s19], $0x80, s25, s19, $0xb8;
	[tilespmem:$0x1E800] =	vst v63  }
0x7b: {  	_ = 	snop  }
0x7c: {  	[tilespmem:s20], [sflag:$0x2] =	stream.indirect.gather [hbm4b:s4+s19], $0x80, s19, s19, $0xb8;
	[tilespmem:$0x1E800] =	vst v63  }
0x7d: {  	_ =	swait.ge [sflag:s21], $0x4000  }
0x7e: {  	[sflag:s21] =	ssyncset.done $0x0  }
0x7f: {  	s29 =	simm.s32 $0x1400;
	[sflag:s21] =	ssyncadd.s32 $0xFFFFC000  }
0x80: {  	[spmem:s1] =	stream.indirect.scatter.add.f32 [tilespmem:s16], [sflag:$0x3], $0x80, s29, s19, $0xb8;
	[tilespmem:$0x1E800] =	vst v63  }
0x81: {  	_ =	swait.ge [sflag:s17], $0x4000  }
0x82: {  	[sflag:s17] =	ssyncset.done $0x0  }
0x83: {  	s30 =	simm.s32 $0x100;
	[sflag:s17] =	ssyncadd.s32 $0xFFFFC000  }
0x84: {  	[tilespmem:s16], [sflag:$0x1] =	stream.indirect.gather [hbm4b:s4+s19], $0x80, s30, s19, $0xb8;
	[tilespmem:$0x1E800] =	vst v63  }
0x85: {  	_ =	swait.ge [sflag:s22], $0x4000  }
0x86: {  	[sflag:s22] =	ssyncset.done $0x0  }
0x87: {  	s31 =	simm.s32 $0x1480;
	[sflag:s22] =	ssyncadd.s32 $0xFFFFC000  }
0x88: {  	[spmem:s1] =	stream.indirect.scatter.add.f32 [tilespmem:s20], [sflag:$0x3], $0x80, s31, s19, $0xb8;
	[tilespmem:$0x1E800] =	vst v63  }
0x89: {  	_ =	swait.ge [sflag:s17], $0x4000  }
0x8a: {  	[sflag:s17] =	ssyncset.done $0x0  }
0x8b: {  	s26 =	simm.s32 $0x180;
	s25 =	simm.s32 $0x400;
	[sflag:s17] =	ssyncadd.s32 $0xFFFFC000  }
.LBB2_6:
0x8c: {  	[tilespmem:s20], [sflag:$0x2] =	stream.indirect.gather [hbm4b:s4+s19], $0x80, s26, s19, $0xb8;
	[tilespmem:$0x1E800] =	vst v63  }
0x8d: {  	s26 =	smov.u32 s25  }
0x8e: {  	p0 =	sne.s32 s25, $0x4800;
	s25 =	sadd.s32 $0x400, s25;
	_ =	swait.ge [sflag:s21], $0x4000  }
0x8f: {  	s26 =	sshra.s32 s26, $0x2;
	[sflag:s21] =	ssyncset.done $0x0  }
0x90: {  	s28 =	sadd.s32 $0x1400, s26;
	[sflag:s21] =	ssyncadd.s32 $0xFFFFC000  }
0x91: {  	[spmem:s1] =	stream.indirect.scatter.add.f32 [tilespmem:s16], [sflag:$0x3], $0x80, s28, s19, $0xb8;
	[tilespmem:$0x1E800] =	vst v63  }
0x92: {  	_ =	swait.ge [sflag:s17], $0x4000  }
0x93: {  	[sflag:s17] =	ssyncset.done $0x0  }
0x94: {  	s28 =	sadd.s32 $0x100, s26;
	[sflag:s17] =	ssyncadd.s32 $0xFFFFC000  }
0x95: {  	[tilespmem:s16], [sflag:$0x1] =	stream.indirect.gather [hbm4b:s4+s19], $0x80, s28, s19, $0xb8;
	[tilespmem:$0x1E800] =	vst v63  }
0x96: {  	_ =	swait.ge [sflag:s22], $0x4000  }
0x97: {  	[sflag:s22] =	ssyncset.done $0x0  }
.Ltmp2:
0x98: {  	s28 =	sadd.s32 $0x1480, s26;
	[sflag:s22] =	ssyncadd.s32 $0xFFFFC000;
	(pc) =	sbr.rel @p0 .LBB2_6-.Ltmp2, $4  }
0x99: {  	[spmem:s1] =	stream.indirect.scatter.add.f32 [tilespmem:s20], [sflag:$0x3], $0x80, s28, s19, $0xb8;
	[tilespmem:$0x1E800] =	vst v63  }
0x9a: {  	_ =	swait.ge [sflag:s17], $0x4000  }
0x9b: {  	[sflag:s17] =	ssyncset.done $0x0  }
0x9c: {  	s26 =	sadd.s32 $0x180, s26;
	[sflag:s17] =	ssyncadd.s32 $0xFFFFC000  }
0x9d: {  	[tilespmem:s20], [sflag:$0x2] =	stream.indirect.gather [hbm4b:s4+s19], $0x80, s26, s19, $0xb8;
	[tilespmem:$0x1E800] =	vst v63  }
0x9e: {  	_ =	swait.ge [sflag:s21], $0x4000  }
0x9f: {  	[sflag:s21] =	ssyncset.done $0x0  }
0xa0: {  	[sflag:s21] =	ssyncadd.s32 $0xFFFFC000  }
0xa1: {  	[spmem:s1] =	stream.indirect.scatter.add.f32 [tilespmem:s16], [sflag:$0x3], $0x80, s23, s19, $0xb8;
	[tilespmem:$0x1E800] =	vst v63  }
0xa2: {  	_ =	swait.ge [sflag:s17], $0x4000  }
0xa3: {  	[sflag:s17] =	ssyncset.done $0x0  }
0xa4: {  	[sflag:s17] =	ssyncadd.s32 $0xFFFFC000  }
0xa5: {  	_ =	swait.ge [sflag:s22], $0x4000  }
0xa6: {  	[sflag:s22] =	ssyncset.done $0x0  }
0xa7: {  	[sflag:s22] =	ssyncadd.s32 $0xFFFFC000  }
0xa8: {  	[spmem:s1] =	stream.indirect.scatter.add.f32 [tilespmem:s20], [sflag:$0x3], $0x80, s24, s19, $0xb8;
	[tilespmem:$0x1E800] =	vst v63  }
0xa9: {  	_ =	swait.ge [sflag:s17], $0x4000  }
0xaa: {  	s25 =	sshll.u32 s2, $0x6;
	s3 =	sadd.s32 $0x1, s3;
	[sflag:s17] =	ssyncset.done $0x0  }
0xab: {  	s31 =	sshrl.u32 s5, $0x3;
	p0 =	sne.s32 s3, s15;
	[sflag:s17] =	ssyncadd.s32 $0xFFFFC000  }
.Ltmp3:
0xac: {  	s25 =	sor.u32 $0x1C03, s25;
	[bflag:$0x0] =	sbarrier.arrive $0xFFFF;
	(pc) =	sbr.rel @p0 .LBB2_1-.Ltmp3, $4  }
0xad: {  	[hbm:s14], [sflag:s25] =	dma.local [spmem:s31], $0x2800  }
0xae: {  	_ =	swait.ge [sflag:s17], $0x2800  }
0xaf: {  	[sflag:s17] =	ssyncset.done $0x0  }
0xb0: {  	[sflag:s17] =	ssyncadd.s32 $0xFFFFD800  }
0xb1: {  	_ =	sfence.sel $0x180000  }
0xb2: {  	[bflag:$0x0] =	sbarrier.arrive $0xFFFF  }
0xb3: {  	p0 =	sne.s32 s2, $0x0;
	_ =	strace $0x9000004A  }
0xb4: {  	s0 =	sadd.s32 @!p0 $0x100000, s0;
	[bflag:$0x2] =	sbarrier.arrive $0xFFFF  }
0xb5: {  	[sflag:s0] =	ssyncadd.tile.s32 @!p0 $0x1;
	_ =	shalt  }
.Lfunc_end2:
_tile_overlayer_lowered:
.L_overlay_start_2:
0xb6: {  	(tag) =	ssettag $0x2  }
0xb7: {  	s0 =	rddreg [dreg:$0x0];
	s2 =	stileid.u32  }
0xb8: {  	s1 =	rddreg [dreg:$0x1];
	p0 =	sne.s32 s2, $0x0  }
0xb9: {  	s3 =	rddreg [dreg:$0x2];
	[bflag:$0x3] =	sbarrier.arrive $0xFFFF;
	s2 =	simm.s32 @!p0 $0x1C03  }
0xba: {  	[timem:s3], [sflag:s2] =	dma.local @!p0 [hbm:s0], s1  }
0xbb: {  	s0 =	simm.s32 @!p0 $0x3  }
0xbc: {  	_ =	swait.ge @!p0 [sflag:s0], s1  }
0xbd: {  	s1 =	ssub.s32 @!p0 $0x0, s1;
	[sflag:s0] =	ssyncset.done @!p0 $0x0  }
0xbe: {  	[sflag:s0] =	ssyncadd.s32 @!p0 s1  }
0xbf: {  	[bflag:$0x3] =	sbarrier.arrive $0xFFFF  }
0xc0: {  	_ =	shalt  }

// kernel: kernel.14.cloned.1.call-start
scs
__scs_entry_jumppad:
0x0: {  	(pc) =	sbr.rel $0x88, $3  }
0x1: {  	(tag) =	ssettag $0x0;
	lr =	simm.s32 $0x1  }
0x2: {  	[smem:$0x3F96] =	sst lr;
	_ =	strace $0xD0000000  }
0x3: {  	_ = 	snop  }
0x4: {  	_ = 	snop  }
0x5: {  	_ = 	snop  }
0x6: {  	_ = 	snop  }
0x7: {  	_ = 	snop  }
__scs_overlays_trampoline_lowered:
0x8: {  	[smem:$0x3FA5] =	sst s0  }
0x9: {  	[smem:$0x3FA6] =	sst s1  }
0xa: {  	[smem:$0x3FA7] =	sst s2  }
0xb: {  	[smem:$0x3FA8] =	sst s3  }
0xc: {  	[smem:$0x3FA9] =	sst s4  }
0xd: {  	[smem:$0x3FAA] =	sst s5  }
0xe: {  	[smem:$0x3FAB] =	sst s6  }
0xf: {  	[smem:$0x3FAC] =	sst s7  }
0x10: {  	[smem:$0x3FAD] =	sst s8  }
0x11: {  	[smem:$0x3FAE] =	sst s9;
	s0 =	simm.s32 @!p0 $0x0  }
0x12: {  	s1 =	sld [smem:$0x3F94];
	s0 =	simm.s32 @p0 $0x1  }
0x13: {  	[smem:$0x3FAF] =	sst s0;
	s0 =	simm.s32 @!p1 $0x0  }
0x14: {  	s2 =	sld [smem:$0x3F93];
	s0 =	simm.s32 @p1 $0x1  }
0x15: {  	[smem:$0x3FB0] =	sst s0;
	s0 =	simm.s32 @!p2 $0x0  }
0x16: {  	s3 =	sld [smem:$0x3FDB];
	s0 =	simm.s32 @p2 $0x1  }
0x17: {  	s4 =	simm.s32 $0x1BF5;
	[smem:$0x3FB2] =	sst s0  }
0x18: {  	s0 =	sld [smem:$0x3F95];
	_ =	swait.ge [sflag:s4], $0x0  }
0x19: {  	s7 =	sld [smem:$0x3F96]  }
0x1a: {  	s8 =	sadd.s32 $0xFFFFE003, lr  }
0x1b: {  	s9 =	sadd.s32 $0xFFFFFEF7, lr;
	s5 =	simm.s32 $0xFFFFFFFF;
	p2 =	slt.u32 s8, $0xFFFFF086  }
0x1c: {  	p1 =	slt.u32 s9, $0xF7A;
	s5 =	simm.s32 @!p2 $0x0  }
0x1d: {  	s5 =	simm.s32 @p1 $0x1;
	p0 =	seq.s32 s7, s2  }
0x1e: {  	s7 =	smul.u32 @!p0 $0xF7A, s2;
	p2 =	seq.s32 @!p0 s5, $0x0  }
0x1f: {  	s9 =	smul.u32 $0xF7A, s1;
	s8 =	simm.s32 @!p0 $0x1BF5;
	p2 =	por !p2, p0  }
0x20: {  	[sflag:s8] =	ssyncset.s32 @!p0 $0xFFFFF086;
	s6 =	sadd.s32 @!p0 s3, s7;
	s7 =	simm.s32 @!p0 $0x108  }
0x21: {  	s3 =	sadd.s32 s3, s9;
	s6 =	sadd.s32 @!p0 $0x88, s6;
	s7 =	simm.s32 @p2 $0x1082  }
0x22: {  	[simem:s7], [sflag:s8] =	dma.local @!p0 [hbm:s6], $0xF7A  }
0x23: {  	s9 =	sor.u32 $0xD0000000, s2;
	s6 =	simm.s32 $0x108;
	_ =	swait.ge @!p0 [sflag:s8], $0x0  }
0x24: {  	s3 =	sadd.s32 $0x88, s3;
	s6 =	simm.s32 @!p1 $0x1082;
	[sflag:s4] =	ssyncset.s32 $0xFFFFF086  }
0x25: {  	[simem:s6], [sflag:s4] =	dma.local [hbm:s3], $0xF7A  }
0x26: {  	[smem:$0x3F96] =	sst s1;
	(tag) =	ssettag s2;
	_ =	strace s9  }
0x27: {  	s1 =	sld [smem:$0x3FA6]  }
0x28: {  	s2 =	sld [smem:$0x3FA7]  }
0x29: {  	s4 =	sld [smem:$0x3FA9]  }
0x2a: {  	p0 =	seq.s32 s5, $0x0;
	s5 =	sld [smem:$0x3FAA]  }
0x2b: {  	s6 =	sld [smem:$0x3FAB]  }
0x2c: {  	s7 =	sld [smem:$0x3FAC]  }
0x2d: {  	s3 =	simm.s32 $0x108;
	s8 =	sld [smem:$0x3FAD]  }
0x2e: {  	s3 =	simm.s32 @!p0 $0x1082;
	s9 =	sld [smem:$0x3FAE]  }
0x2f: {  	lr =	sadd.s32 s0, s3;
	s0 =	sld [smem:$0x3FA5]  }
0x30: {  	s3 =	sld [smem:$0x3FA8]  }
0x31: {  	[smem:$0x3FB1] =	sst s10  }
0x32: {  	s10 =	sld [smem:$0x3FAF];
	_ =	sdelay $0x3  }
0x33: {  	p0 =	seq.s32 s10, $0x1;
	s10 =	sld [smem:$0x3FB1];
	_ =	sdelay $0x3  }
0x34: {  	[smem:$0x3FB1] =	sst s10  }
0x35: {  	s10 =	sld [smem:$0x3FB0];
	_ =	sdelay $0x3  }
0x36: {  	p1 =	seq.s32 s10, $0x1;
	s10 =	sld [smem:$0x3FB1];
	_ =	sdelay $0x3  }
0x37: {  	[smem:$0x3FB1] =	sst s10  }
0x38: {  	s10 =	sld [smem:$0x3FB2]  }
0x39: {  	_ = 	snop;
	(pc) =	sbr.ind lr, $3  }
0x3a: {  	_ = 	snop  }
0x3b: {  	_ = 	snop  }
0x3c: {  	p2 =	seq.s32 s10, $0x1;
	s10 =	sld [smem:$0x3FB1]  }
0x3d: {  	_ =	shalt  }
0x3e: {  	_ =	shalt  }
0x3f: {  	_ =	shalt  }
0x40: {  	_ =	shalt  }
0x41: {  	_ =	shalt  }
0x42: {  	_ =	shalt  }
0x43: {  	_ =	shalt  }
0x44: {  	_ =	shalt  }
0x45: {  	_ =	shalt  }
0x46: {  	_ =	shalt  }
0x47: {  	_ =	shalt  }
0x48: {  	_ =	shalt  }
0x49: {  	_ =	shalt  }
0x4a: {  	_ =	shalt  }
0x4b: {  	_ =	shalt  }
0x4c: {  	_ =	shalt  }
0x4d: {  	_ =	shalt  }
0x4e: {  	_ =	shalt  }
0x4f: {  	_ =	shalt  }
0x50: {  	_ =	shalt  }
0x51: {  	_ =	shalt  }
0x52: {  	_ =	shalt  }
0x53: {  	_ =	shalt  }
0x54: {  	_ =	shalt  }
0x55: {  	_ =	shalt  }
0x56: {  	_ =	shalt  }
0x57: {  	_ =	shalt  }
0x58: {  	_ =	shalt  }
0x59: {  	_ =	shalt  }
0x5a: {  	_ =	shalt  }
0x5b: {  	_ =	shalt  }
0x5c: {  	_ =	shalt  }
0x5d: {  	_ =	shalt  }
0x5e: {  	_ =	shalt  }
0x5f: {  	_ =	shalt  }
0x60: {  	_ =	shalt  }
0x61: {  	_ =	shalt  }
0x62: {  	_ =	shalt  }
0x63: {  	_ =	shalt  }
0x64: {  	_ =	shalt  }
0x65: {  	_ =	shalt  }
0x66: {  	_ =	shalt  }
0x67: {  	_ =	shalt  }
0x68: {  	_ =	shalt  }
0x69: {  	_ =	shalt  }
0x6a: {  	_ =	shalt  }
0x6b: {  	_ =	shalt  }
0x6c: {  	_ =	shalt  }
0x6d: {  	_ =	shalt  }
0x6e: {  	_ =	shalt  }
0x6f: {  	_ =	shalt  }
0x70: {  	_ =	shalt  }
0x71: {  	_ =	shalt  }
0x72: {  	_ =	shalt  }
0x73: {  	_ =	shalt  }
0x74: {  	_ =	shalt  }
0x75: {  	_ =	shalt  }
0x76: {  	_ =	shalt  }
0x77: {  	_ =	shalt  }
0x78: {  	_ =	shalt  }
0x79: {  	_ =	shalt  }
0x7a: {  	_ =	shalt  }
0x7b: {  	_ =	shalt  }
0x7c: {  	_ =	shalt  }
0x7d: {  	_ =	shalt  }
0x7e: {  	_ =	shalt  }
0x7f: {  	_ =	shalt  }
0x80: {  	_ =	shalt  }
0x81: {  	_ =	shalt  }
0x82: {  	_ =	shalt  }
0x83: {  	_ =	shalt  }
0x84: {  	_ =	shalt  }
0x85: {  	_ =	shalt  }
0x86: {  	_ =	shalt  }
0x87: {  	_ =	shalt  }
.Lfunc_end0:
.L_simem_size_0:
called_computation.2_lowered:
.L_overlay_start_0:
0x88: {  	s2 =	sld [smem:$0x3FD9]  }
0x89: {  	s3 =	sld [smem:$0x3FFE];
	_ =	sdelay $0x1  }
0x8a: {  	s1 =	srdreg.scid  }
0x8b: {  	s0 =	sand.u32 $0x1, s1  }
0x8c: {  	s16 =	sshll.u32 s0, $0xA;
	s2 =	sadd.s32 s3, s2  }
0x8d: {  	s2 =	sadd.s32 s2, s16  }
0x8e: {  	[smem:$0x3FBD] =	sst s2  }
0x8f: {  	_ = 	snop  }
0x90: {  	(tm) =	ssettm $0x1  }
0x91: {  	s17 =	sld [smem:$0x3FFB];
	_ =	sdelay $0x3  }
0x92: {  	_ =	strace s17  }
0x93: {  	s2 =	sld [smem:$0x3FFC];
	_ =	sdelay $0x3  }
0x94: {  	_ =	strace s2  }
0x95: {  	s2 =	sld [smem:$0x3FFD];
	_ =	sdelay $0x3  }
0x96: {  	_ =	strace s2  }
0x97: {  	_ =	strace $0x8FFFFFFF  }
0x98: {  	s18 =	sld [smem:$0x3FDB];
	_ =	sdelay $0x1  }
0x99: {  	s19 =	simm.s32 $_scs_section_size  }
0x9a: {  	s4 =	simm.s32 $_size__tile_overlayer_lowered;
	s5 =	simm.s32 $_tile_overlayer_lowered  }
0x9b: {  	s22 =	simm.s32 $0x1BFF;
	s21 =	sshll.u32 s5, $0x1;
	s2 =	sadd.s32 s19, s18  }
0x9c: {  	s6 =	simm.s32 $0x0;
	s20 =	sshll.u32 s4, $0x1;
	s4 =	sadd.s32 s21, s2  }
0x9d: {  	[timem:s6], [sflag:s22] =	dma.local [hbm:s4], s20  }
0x9e: {  	_ =	swait.ge [sflag:s22], s20  }
0x9f: {  	s3 =	ssub.s32 $0x0, s20;
	[sflag:s22] =	ssyncset.done $0x0  }
0xa0: {  	[sflag:s22] =	ssyncadd.s32 s3;
	_ =	sdelay $0x1  }
0xa1: {  	s23 =	simm.s32 $0x1B8B  }
0xa2: {  	_ =	swait.ge [sflag:s23], $0x1  }
0xa3: {  	[sflag:s23] =	ssyncset.done $0x0  }
0xa4: {  	s25 =	simm.s32 $0x1B8E;
	s24 =	sld [smem:$0x3FFE];
	[sflag:s23] =	ssyncadd.s32 $0xFFFFFFFF  }
0xa5: {  	s26 =	simm.s32 $execute0_lowered;
	[smem:$0x3FD2] =	sst s25  }
0xa6: {  	s4 =	sshll.u32 s26, $0x1;
	_ =	strace $0x8000004C;
	[dreg:$0x1] =	wrdreg $0xFFFFFFFF  }
0xa7: {  	s28 =	simm.s32 $_size_execute0_lowered;
	s2 =	sadd.s32 s2, s4;
	[dreg:$0x0] =	wrdreg $0x0  }
0xa8: {  	s4 =	sshll.u32 s28, $0x1;
	[dreg:$0x2] =	wrdreg s2  }
0xa9: {  	[dreg:$0x3] =	wrdreg s4  }
0xaa: {  	[dreg:$0x4] =	wrdreg $0xC0  }
0xab: {  	_ =	task [dreg:s6], $0x5FFFF  }
0xac: {  	[dreg:$0x1] =	wrdreg $0xFFFFFFFF  }
0xad: {  	[dreg:$0x0] =	wrdreg $0x60  }
0xae: {  	[dreg:$0x2] =	wrdreg s24  }
0xaf: {  	[dreg:$0x3] =	wrdreg $0xA8000  }
0xb0: {  	[dreg:$0x4] =	wrdreg $0x9  }
0xb1: {  	_ =	task.clear_ibuf [dreg:s6], $0x5FFFF;
	_ =	strace $0x9000004C  }
0xb2: {  	s29 =	simm.s32 $0x9;
	_ =	strace $0x8000004E  }
0xb3: {  	_ =	swait.ge [sflag:s29], $0x1  }
0xb4: {  	[sflag:s29] =	ssyncadd.s32 $0xFFFFFFFF  }
0xb5: {  	_ =	strace $0x9000004E  }
0xb6: {  	_ =	sfence  }
0xb7: {  	s30 =	sld [smem:$0x0];
	_ =	sdelay $0x2  }
0xb8: {  	s31 =	sshll.u32 s1, $0xD;
	s1 =	sshrl.u32 s1, $0x2  }
0xb9: {  	s3 =	sand.u32 $0x4000, s31;
	s1 =	sadd.s32 s1, s30  }
0xba: {  	s0 =	sor.u32 s3, s0;
	s1 =	sshll.u32 s1, $0x11  }
0xbb: {  	s0 =	sor.u32 s1, s0  }
0xbc: {  	s0 =	sadd.s32 $0x8F2B, s0  }
0xbd: {  	[sflag:s0] =	ssyncadd.remote.s32 $0x1  }
0xbe: {  	_ =	sfence.sel $0xFFFF  }
0xbf: {  	[dreg:$0x0] =	wrdreg $0xFFFFFFFF;
	(pc) =	sbr.abs _section_cstart, $3  }
0xc0: {  	[dreg:$0x1] =	wrdreg $0xFFFFFFFF  }
0xc1: {  	_ =	task.clear_ibuf [dreg:s6], $0x2FFFF;
	_ =	strace $0x9FFFFFFF  }
0xc2: {  	(tm) =	ssettm $0x7FFFFFFF  }
0xc3: {  	_ =	shalt  }
tec
execute0_lowered:
.L_overlay_start_1:
0x0: {  	(tag) =	ssettag $0x1  }
0x1: {  	s6 =	rddreg [dreg:$0x0]  }
0x2: {  	s1 =	rddreg [dreg:$0x1];
	s2 =	srdreg.scid  }
0x3: {  	s0 =	rddreg [dreg:$0x2];
	s3 =	simm.s32 $0x0;
	s18 =	simm.s32 $0x1400  }
0x4: {  	s19 =	simm.s32 $0x80;
	s20 =	simm.s32 $0x6800;
	s21 =	simm.s32 $0x1  }
0x5: {  	s22 =	simm.s32 $0x2;
	s23 =	simm.s32 $0x2700;
	s24 =	simm.s32 $0x2780  }
0x6: {  	s5 =	sand.u32 $0x1, s2;
	s2 =	stileid.u32;
	[smem:$0x7FF] =	sst s3  }
0x7: {  	s4 =	sadd.s32 $0x17200, s6;
	s12 =	sadd.s32 $0x3200, s6;
	s7 =	smul.u32 $0x140000, s5  }
0x8: {  	s13 =	sadd.s32 $0xD200, s6;
	s8 =	smul.u32 $0x14000, s2;
	_ =	strace $0x8000004D  }
0x9: {  	s28 =	smul.u32 $0x50000, s2;
	s9 =	sshll.u32 s2, $0x1;
	s10 =	ssub.s32 $0x2, s5  }
0xa: {  	s9 =	sor.u32 s5, s9;
	s30 =	sshrl.u32 s10, $0x1;
	s7 =	sadd.s32 s8, s7  }
0xb: {  	s29 =	sshrl.u32 s28, $0x2;
	s11 =	smul.u32 $0x2800, s9;
	s15 =	ssub.s32 s10, s30  }
0xc: {  	s16 =	smul.u32 $0x500, s9;
	s7 =	sshrl.u32 s7, $0x3;
	s5 =	sadd.s32 s29, s1  }
0xd: {  	s15 =	smax.u32 s15, $0x1;
	s14 =	sadd.s32 s7, s6;
	s6 =	sadd.s32 $0x4000, s5  }
0xe: {  	s7 =	sadd.s32 $0x8000, s5;
	s31 =	sshrl.u32 s11, $0x3;
	s8 =	sadd.s32 $0xC000, s5  }
0xf: {  	s9 =	sadd.s32 $0x10000, s5;
	s10 =	sadd.s32 s12, s16;
	s11 =	sadd.s32 s13, s16  }
0x10: {  	s16 =	simm.s32 $0x2800;
	s17 =	sadd.s32 $0x280, s31;
	s14 =	sadd.s32 $0x3F200, s14  }
0x11: {  	v0 =	vimm.f32 $0.0e+00;
	s12 =	sadd.s32 s12, s17;
	s13 =	sadd.s32 s13, s17;
	s17 =	simm.s32 $0x3  }
.LBB2_1:
0x12: {  	s25 =	simm.s32 $0x0;
	s26 =	simm.s32 $0x200  }
.LBB2_2:
0x13: {  	p0 =	sne.s32 s26, $0xFE00;
	[tilespmem:s25+$0x2870] =	vst v0  }
0x14: {  	[tilespmem:s25+$0x2800] =	vst v0  }
0x15: {  	[tilespmem:s25+$0x2810] =	vst v0  }
.Ltmp0:
0x16: {  	[tilespmem:s25+$0x2820] =	vst v0;
	(pc) =	sbr.rel @p0 .LBB2_2-.Ltmp0, $4  }
0x17: {  	[tilespmem:s25+$0x2830] =	vst v0  }
0x18: {  	[tilespmem:s25+$0x2840] =	vst v0  }
0x19: {  	[tilespmem:s25+$0x2850] =	vst v0  }
0x1a: {  	[tilespmem:s25+$0x2860] =	vst v0;
	s25 =	sshra.s32 s26, $0x2;
	s26 =	sadd.s32 $0x200, s26  }
0x1b: {  	[tilespmem:s25+$0x2870] =	vst v0  }
0x1c: {  	[tilespmem:s25+$0x2800] =	vst v0  }
0x1d: {  	[tilespmem:s25+$0x2810] =	vst v0  }
0x1e: {  	[tilespmem:s25+$0x2820] =	vst v0  }
0x1f: {  	[tilespmem:s25+$0x2830] =	vst v0  }
0x20: {  	[tilespmem:s25+$0x2840] =	vst v0  }
0x21: {  	[tilespmem:s25+$0x2850] =	vst v0  }
0x22: {  	[tilespmem:s25+$0x2860] =	vst v0  }
0x23: {  	[spmem:s5] =	stream.linear.scatter [tilespmem:s16], [sflag:$0x3], $0x4000, $0x38;
	[tilespmem:$0x1E800] =	vst v63  }
0x24: {  	_ =	swait.ge [sflag:s17], $0x4000  }
0x25: {  	[sflag:s17] =	ssyncset.done $0x0  }
0x26: {  	[sflag:s17] =	ssyncadd.s32 $0xFFFFC000  }
0x27: {  	[spmem:s6] =	stream.linear.scatter [tilespmem:s16], [sflag:$0x3], $0x4000, $0x38;
	[tilespmem:$0x1E800] =	vst v63  }
0x28: {  	_ =	swait.ge [sflag:s17], $0x4000  }
0x29: {  	[sflag:s17] =	ssyncset.done $0x0  }
0x2a: {  	[sflag:s17] =	ssyncadd.s32 $0xFFFFC000  }
0x2b: {  	[spmem:s7] =	stream.linear.scatter [tilespmem:s16], [sflag:$0x3], $0x4000, $0x38;
	[tilespmem:$0x1E800] =	vst v63  }
0x2c: {  	_ =	swait.ge [sflag:s17], $0x4000  }
0x2d: {  	[sflag:s17] =	ssyncset.done $0x0  }
0x2e: {  	[sflag:s17] =	ssyncadd.s32 $0xFFFFC000  }
0x2f: {  	[spmem:s8] =	stream.linear.scatter [tilespmem:s16], [sflag:$0x3], $0x4000, $0x38;
	[tilespmem:$0x1E800] =	vst v63  }
0x30: {  	_ =	swait.ge [sflag:s17], $0x4000  }
0x31: {  	[sflag:s17] =	ssyncset.done $0x0  }
0x32: {  	[sflag:s17] =	ssyncadd.s32 $0xFFFFC000  }
0x33: {  	[spmem:s9] =	stream.linear.scatter [tilespmem:s16], [sflag:$0x3], $0x4000, $0x38;
	[tilespmem:$0x1E800] =	vst v63  }
0x34: {  	_ =	swait.ge [sflag:s17], $0x4000  }
0x35: {  	[sflag:s17] =	ssyncset.done $0x0  }
0x36: {  	[sflag:s17] =	ssyncadd.s32 $0xFFFFC000  }
0x37: {  	s28 =	simm.s32 $0x0;
	[bflag:$0x0] =	sbarrier.arrive $0xFFFF  }
0x38: {  	[tilespmem:s28], [sflag:$0x3] =	stream.linear.gather [hbm4b:s10+s28], $0x1400, $0x38;
	[tilespmem:$0x1E800] =	vst v63  }
0x39: {  	_ =	swait.ge [sflag:s17], $0x1400  }
0x3a: {  	[sflag:s17] =	ssyncset.done $0x0  }
0x3b: {  	[sflag:s17] =	ssyncadd.s32 $0xFFFFEC00  }
0x3c: {  	[tilespmem:s18], [sflag:$0x3] =	stream.linear.gather [hbm4b:s11+s28], $0x1400, $0x38;
	[tilespmem:$0x1E800] =	vst v63  }
0x3d: {  	_ =	swait.ge [sflag:s17], $0x1400  }
0x3e: {  	[sflag:s17] =	ssyncset.done $0x0  }
0x3f: {  	[sflag:s17] =	ssyncadd.s32 $0xFFFFEC00  }
0x40: {  	[tilespmem:s16], [sflag:$0x1] =	stream.indirect.gather [hbm4b:s4+s19], $0x80, s28, s19, $0xb8;
	[tilespmem:$0x1E800] =	vst v63  }
0x41: {  	_ = 	snop  }
0x42: {  	[tilespmem:s20], [sflag:$0x2] =	stream.indirect.gather [hbm4b:s4+s19], $0x80, s19, s19, $0xb8;
	[tilespmem:$0x1E800] =	vst v63  }
0x43: {  	_ =	swait.ge [sflag:s21], $0x4000  }
0x44: {  	[sflag:s21] =	ssyncset.done $0x0  }
0x45: {  	s29 =	simm.s32 $0x1400;
	[sflag:s21] =	ssyncadd.s32 $0xFFFFC000  }
0x46: {  	[spmem:s1] =	stream.indirect.scatter.add.f32 [tilespmem:s16], [sflag:$0x3], $0x80, s29, s19, $0xb8;
	[tilespmem:$0x1E800] =	vst v63  }
0x47: {  	_ =	swait.ge [sflag:s17], $0x4000  }
0x48: {  	[sflag:s17] =	ssyncset.done $0x0  }
0x49: {  	s30 =	simm.s32 $0x100;
	[sflag:s17] =	ssyncadd.s32 $0xFFFFC000  }
0x4a: {  	[tilespmem:s16], [sflag:$0x1] =	stream.indirect.gather [hbm4b:s4+s19], $0x80, s30, s19, $0xb8;
	[tilespmem:$0x1E800] =	vst v63  }
0x4b: {  	_ =	swait.ge [sflag:s22], $0x4000  }
0x4c: {  	[sflag:s22] =	ssyncset.done $0x0  }
0x4d: {  	s31 =	simm.s32 $0x1480;
	[sflag:s22] =	ssyncadd.s32 $0xFFFFC000  }
0x4e: {  	[spmem:s1] =	stream.indirect.scatter.add.f32 [tilespmem:s20], [sflag:$0x3], $0x80, s31, s19, $0xb8;
	[tilespmem:$0x1E800] =	vst v63  }
0x4f: {  	_ =	swait.ge [sflag:s17], $0x4000  }
0x50: {  	[sflag:s17] =	ssyncset.done $0x0  }
0x51: {  	s25 =	simm.s32 $0x400;
	s26 =	simm.s32 $0x180;
	[sflag:s17] =	ssyncadd.s32 $0xFFFFC000  }
.LBB2_4:
0x52: {  	[tilespmem:s20], [sflag:$0x2] =	stream.indirect.gather [hbm4b:s4+s19], $0x80, s26, s19, $0xb8;
	[tilespmem:$0x1E800] =	vst v63  }
0x53: {  	s26 =	smov.u32 s25  }
0x54: {  	p0 =	sne.s32 s25, $0x4800;
	s25 =	sadd.s32 $0x400, s25;
	_ =	swait.ge [sflag:s21], $0x4000  }
0x55: {  	s26 =	sshra.s32 s26, $0x2;
	[sflag:s21] =	ssyncset.done $0x0  }
0x56: {  	s28 =	sadd.s32 $0x1400, s26;
	[sflag:s21] =	ssyncadd.s32 $0xFFFFC000  }
0x57: {  	[spmem:s1] =	stream.indirect.scatter.add.f32 [tilespmem:s16], [sflag:$0x3], $0x80, s28, s19, $0xb8;
	[tilespmem:$0x1E800] =	vst v63  }
0x58: {  	_ =	swait.ge [sflag:s17], $0x4000  }
0x59: {  	[sflag:s17] =	ssyncset.done $0x0  }
0x5a: {  	s28 =	sadd.s32 $0x100, s26;
	[sflag:s17] =	ssyncadd.s32 $0xFFFFC000  }
0x5b: {  	[tilespmem:s16], [sflag:$0x1] =	stream.indirect.gather [hbm4b:s4+s19], $0x80, s28, s19, $0xb8;
	[tilespmem:$0x1E800] =	vst v63  }
0x5c: {  	_ =	swait.ge [sflag:s22], $0x4000  }
0x5d: {  	[sflag:s22] =	ssyncset.done $0x0  }
.Ltmp1:
0x5e: {  	s28 =	sadd.s32 $0x1480, s26;
	[sflag:s22] =	ssyncadd.s32 $0xFFFFC000;
	(pc) =	sbr.rel @p0 .LBB2_4-.Ltmp1, $4  }
0x5f: {  	[spmem:s1] =	stream.indirect.scatter.add.f32 [tilespmem:s20], [sflag:$0x3], $0x80, s28, s19, $0xb8;
	[tilespmem:$0x1E800] =	vst v63  }
0x60: {  	_ =	swait.ge [sflag:s17], $0x4000  }
0x61: {  	[sflag:s17] =	ssyncset.done $0x0  }
0x62: {  	s26 =	sadd.s32 $0x180, s26;
	[sflag:s17] =	ssyncadd.s32 $0xFFFFC000  }
0x63: {  	[tilespmem:s20], [sflag:$0x2] =	stream.indirect.gather [hbm4b:s4+s19], $0x80, s26, s19, $0xb8;
	[tilespmem:$0x1E800] =	vst v63  }
0x64: {  	_ =	swait.ge [sflag:s21], $0x4000  }
0x65: {  	[sflag:s21] =	ssyncset.done $0x0  }
0x66: {  	[sflag:s21] =	ssyncadd.s32 $0xFFFFC000  }
0x67: {  	[spmem:s1] =	stream.indirect.scatter.add.f32 [tilespmem:s16], [sflag:$0x3], $0x80, s23, s19, $0xb8;
	[tilespmem:$0x1E800] =	vst v63  }
0x68: {  	_ =	swait.ge [sflag:s17], $0x4000  }
0x69: {  	[sflag:s17] =	ssyncset.done $0x0  }
0x6a: {  	[sflag:s17] =	ssyncadd.s32 $0xFFFFC000  }
0x6b: {  	_ =	swait.ge [sflag:s22], $0x4000  }
0x6c: {  	[sflag:s22] =	ssyncset.done $0x0  }
0x6d: {  	[sflag:s22] =	ssyncadd.s32 $0xFFFFC000  }
0x6e: {  	[spmem:s1] =	stream.indirect.scatter.add.f32 [tilespmem:s20], [sflag:$0x3], $0x80, s24, s19, $0xb8;
	[tilespmem:$0x1E800] =	vst v63  }
0x6f: {  	_ =	swait.ge [sflag:s17], $0x4000  }
0x70: {  	[sflag:s17] =	ssyncset.done $0x0  }
0x71: {  	s25 =	simm.s32 $0x0;
	[sflag:s17] =	ssyncadd.s32 $0xFFFFC000  }
0x72: {  	[tilespmem:s25], [sflag:$0x3] =	stream.linear.gather [hbm4b:s12+s25], $0x1400, $0x38;
	[tilespmem:$0x1E800] =	vst v63  }
0x73: {  	_ =	swait.ge [sflag:s17], $0x1400  }
0x74: {  	[sflag:s17] =	ssyncset.done $0x0  }
0x75: {  	[sflag:s17] =	ssyncadd.s32 $0xFFFFEC00  }
0x76: {  	[tilespmem:s18], [sflag:$0x3] =	stream.linear.gather [hbm4b:s13+s25], $0x1400, $0x38;
	[tilespmem:$0x1E800] =	vst v63  }
0x77: {  	_ =	swait.ge [sflag:s17], $0x1400  }
0x78: {  	[sflag:s17] =	ssyncset.done $0x0  }
0x79: {  	[sflag:s17] =	ssyncadd.s32 $0xFFFFEC00  }
0x7a: {  	[tilespmem:s16], [sflag:$0x1] =	stream.indirect.gather [hbm4b:s4+s19], $0x80, s25, s19, $0xb8;
	[tilespmem:$0x1E800] =	vst v63  }
0x7b: {  	_ = 	snop  }
0x7c: {  	[tilespmem:s20], [sflag:$0x2] =	stream.indirect.gather [hbm4b:s4+s19], $0x80, s19, s19, $0xb8;
	[tilespmem:$0x1E800] =	vst v63  }
0x7d: {  	_ =	swait.ge [sflag:s21], $0x4000  }
0x7e: {  	[sflag:s21] =	ssyncset.done $0x0  }
0x7f: {  	s29 =	simm.s32 $0x1400;
	[sflag:s21] =	ssyncadd.s32 $0xFFFFC000  }
0x80: {  	[spmem:s1] =	stream.indirect.scatter.add.f32 [tilespmem:s16], [sflag:$0x3], $0x80, s29, s19, $0xb8;
	[tilespmem:$0x1E800] =	vst v63  }
0x81: {  	_ =	swait.ge [sflag:s17], $0x4000  }
0x82: {  	[sflag:s17] =	ssyncset.done $0x0  }
0x83: {  	s30 =	simm.s32 $0x100;
	[sflag:s17] =	ssyncadd.s32 $0xFFFFC000  }
0x84: {  	[tilespmem:s16], [sflag:$0x1] =	stream.indirect.gather [hbm4b:s4+s19], $0x80, s30, s19, $0xb8;
	[tilespmem:$0x1E800] =	vst v63  }
0x85: {  	_ =	swait.ge [sflag:s22], $0x4000  }
0x86: {  	[sflag:s22] =	ssyncset.done $0x0  }
0x87: {  	s31 =	simm.s32 $0x1480;
	[sflag:s22] =	ssyncadd.s32 $0xFFFFC000  }
0x88: {  	[spmem:s1] =	stream.indirect.scatter.add.f32 [tilespmem:s20], [sflag:$0x3], $0x80, s31, s19, $0xb8;
	[tilespmem:$0x1E800] =	vst v63  }
0x89: {  	_ =	swait.ge [sflag:s17], $0x4000  }
0x8a: {  	[sflag:s17] =	ssyncset.done $0x0  }
0x8b: {  	s26 =	simm.s32 $0x180;
	s25 =	simm.s32 $0x400;
	[sflag:s17] =	ssyncadd.s32 $0xFFFFC000  }
.LBB2_6:
0x8c: {  	[tilespmem:s20], [sflag:$0x2] =	stream.indirect.gather [hbm4b:s4+s19], $0x80, s26, s19, $0xb8;
	[tilespmem:$0x1E800] =	vst v63  }
0x8d: {  	s26 =	smov.u32 s25  }
0x8e: {  	p0 =	sne.s32 s25, $0x4800;
	s25 =	sadd.s32 $0x400, s25;
	_ =	swait.ge [sflag:s21], $0x4000  }
0x8f: {  	s26 =	sshra.s32 s26, $0x2;
	[sflag:s21] =	ssyncset.done $0x0  }
0x90: {  	s28 =	sadd.s32 $0x1400, s26;
	[sflag:s21] =	ssyncadd.s32 $0xFFFFC000  }
0x91: {  	[spmem:s1] =	stream.indirect.scatter.add.f32 [tilespmem:s16], [sflag:$0x3], $0x80, s28, s19, $0xb8;
	[tilespmem:$0x1E800] =	vst v63  }
0x92: {  	_ =	swait.ge [sflag:s17], $0x4000  }
0x93: {  	[sflag:s17] =	ssyncset.done $0x0  }
0x94: {  	s28 =	sadd.s32 $0x100, s26;
	[sflag:s17] =	ssyncadd.s32 $0xFFFFC000  }
0x95: {  	[tilespmem:s16], [sflag:$0x1] =	stream.indirect.gather [hbm4b:s4+s19], $0x80, s28, s19, $0xb8;
	[tilespmem:$0x1E800] =	vst v63  }
0x96: {  	_ =	swait.ge [sflag:s22], $0x4000  }
0x97: {  	[sflag:s22] =	ssyncset.done $0x0  }
.Ltmp2:
0x98: {  	s28 =	sadd.s32 $0x1480, s26;
	[sflag:s22] =	ssyncadd.s32 $0xFFFFC000;
	(pc) =	sbr.rel @p0 .LBB2_6-.Ltmp2, $4  }
0x99: {  	[spmem:s1] =	stream.indirect.scatter.add.f32 [tilespmem:s20], [sflag:$0x3], $0x80, s28, s19, $0xb8;
	[tilespmem:$0x1E800] =	vst v63  }
0x9a: {  	_ =	swait.ge [sflag:s17], $0x4000  }
0x9b: {  	[sflag:s17] =	ssyncset.done $0x0  }
0x9c: {  	s26 =	sadd.s32 $0x180, s26;
	[sflag:s17] =	ssyncadd.s32 $0xFFFFC000  }
0x9d: {  	[tilespmem:s20], [sflag:$0x2] =	stream.indirect.gather [hbm4b:s4+s19], $0x80, s26, s19, $0xb8;
	[tilespmem:$0x1E800] =	vst v63  }
0x9e: {  	_ =	swait.ge [sflag:s21], $0x4000  }
0x9f: {  	[sflag:s21] =	ssyncset.done $0x0  }
0xa0: {  	[sflag:s21] =	ssyncadd.s32 $0xFFFFC000  }
0xa1: {  	[spmem:s1] =	stream.indirect.scatter.add.f32 [tilespmem:s16], [sflag:$0x3], $0x80, s23, s19, $0xb8;
	[tilespmem:$0x1E800] =	vst v63  }
0xa2: {  	_ =	swait.ge [sflag:s17], $0x4000  }
0xa3: {  	[sflag:s17] =	ssyncset.done $0x0  }
0xa4: {  	[sflag:s17] =	ssyncadd.s32 $0xFFFFC000  }
0xa5: {  	_ =	swait.ge [sflag:s22], $0x4000  }
0xa6: {  	[sflag:s22] =	ssyncset.done $0x0  }
0xa7: {  	[sflag:s22] =	ssyncadd.s32 $0xFFFFC000  }
0xa8: {  	[spmem:s1] =	stream.indirect.scatter.add.f32 [tilespmem:s20], [sflag:$0x3], $0x80, s24, s19, $0xb8;
	[tilespmem:$0x1E800] =	vst v63  }
0xa9: {  	_ =	swait.ge [sflag:s17], $0x4000  }
0xaa: {  	s25 =	sshll.u32 s2, $0x6;
	s3 =	sadd.s32 $0x1, s3;
	[sflag:s17] =	ssyncset.done $0x0  }
0xab: {  	s31 =	sshrl.u32 s5, $0x3;
	p0 =	sne.s32 s3, s15;
	[sflag:s17] =	ssyncadd.s32 $0xFFFFC000  }
.Ltmp3:
0xac: {  	s25 =	sor.u32 $0x1C03, s25;
	[bflag:$0x0] =	sbarrier.arrive $0xFFFF;
	(pc) =	sbr.rel @p0 .LBB2_1-.Ltmp3, $4  }
0xad: {  	[hbm:s14], [sflag:s25] =	dma.local [spmem:s31], $0x2800  }
0xae: {  	_ =	swait.ge [sflag:s17], $0x2800  }
0xaf: {  	[sflag:s17] =	ssyncset.done $0x0  }
0xb0: {  	[sflag:s17] =	ssyncadd.s32 $0xFFFFD800  }
0xb1: {  	_ =	sfence.sel $0x180000  }
0xb2: {  	[bflag:$0x0] =	sbarrier.arrive $0xFFFF  }
0xb3: {  	p0 =	sne.s32 s2, $0x0;
	_ =	strace $0x9000004D  }
0xb4: {  	s0 =	sadd.s32 @!p0 $0x100000, s0;
	[bflag:$0x2] =	sbarrier.arrive $0xFFFF  }
0xb5: {  	[sflag:s0] =	ssyncadd.tile.s32 @!p0 $0x1;
	_ =	shalt  }
.Lfunc_end2:
_tile_overlayer_lowered:
.L_overlay_start_2:
0xb6: {  	(tag) =	ssettag $0x2  }
0xb7: {  	s0 =	rddreg [dreg:$0x0];
	s2 =	stileid.u32  }
0xb8: {  	s1 =	rddreg [dreg:$0x1];
	p0 =	sne.s32 s2, $0x0  }
0xb9: {  	s3 =	rddreg [dreg:$0x2];
	[bflag:$0x3] =	sbarrier.arrive $0xFFFF;
	s2 =	simm.s32 @!p0 $0x1C03  }
0xba: {  	[timem:s3], [sflag:s2] =	dma.local @!p0 [hbm:s0], s1  }
0xbb: {  	s0 =	simm.s32 @!p0 $0x3  }
0xbc: {  	_ =	swait.ge @!p0 [sflag:s0], s1  }
0xbd: {  	s1 =	ssub.s32 @!p0 $0x0, s1;
	[sflag:s0] =	ssyncset.done @!p0 $0x0  }
0xbe: {  	[sflag:s0] =	ssyncadd.s32 @!p0 s1  }
0xbf: {  	[bflag:$0x3] =	sbarrier.arrive $0xFFFF  }
0xc0: {  	_ =	shalt  }

// kernel: kernel.8.cloned.1.call-start
scs
__scs_entry_jumppad:
0x0: {  	(pc) =	sbr.rel $0x88, $3  }
0x1: {  	(tag) =	ssettag $0x0;
	lr =	simm.s32 $0x1  }
0x2: {  	[smem:$0x3F96] =	sst lr;
	_ =	strace $0xD0000000  }
0x3: {  	_ = 	snop  }
0x4: {  	_ = 	snop  }
0x5: {  	_ = 	snop  }
0x6: {  	_ = 	snop  }
0x7: {  	_ = 	snop  }
__scs_overlays_trampoline_lowered:
0x8: {  	[smem:$0x3FA5] =	sst s0  }
0x9: {  	[smem:$0x3FA6] =	sst s1  }
0xa: {  	[smem:$0x3FA7] =	sst s2  }
0xb: {  	[smem:$0x3FA8] =	sst s3  }
0xc: {  	[smem:$0x3FA9] =	sst s4  }
0xd: {  	[smem:$0x3FAA] =	sst s5  }
0xe: {  	[smem:$0x3FAB] =	sst s6  }
0xf: {  	[smem:$0x3FAC] =	sst s7  }
0x10: {  	[smem:$0x3FAD] =	sst s8  }
0x11: {  	[smem:$0x3FAE] =	sst s9;
	s0 =	simm.s32 @!p0 $0x0  }
0x12: {  	s1 =	sld [smem:$0x3F94];
	s0 =	simm.s32 @p0 $0x1  }
0x13: {  	[smem:$0x3FAF] =	sst s0;
	s0 =	simm.s32 @!p1 $0x0  }
0x14: {  	s2 =	sld [smem:$0x3F93];
	s0 =	simm.s32 @p1 $0x1  }
0x15: {  	[smem:$0x3FB0] =	sst s0;
	s0 =	simm.s32 @!p2 $0x0  }
0x16: {  	s3 =	sld [smem:$0x3FDB];
	s0 =	simm.s32 @p2 $0x1  }
0x17: {  	s4 =	simm.s32 $0x1BF5;
	[smem:$0x3FB2] =	sst s0  }
0x18: {  	s0 =	sld [smem:$0x3F95];
	_ =	swait.ge [sflag:s4], $0x0  }
0x19: {  	s7 =	sld [smem:$0x3F96]  }
0x1a: {  	s8 =	sadd.s32 $0xFFFFE003, lr  }
0x1b: {  	s9 =	sadd.s32 $0xFFFFFEF7, lr;
	s5 =	simm.s32 $0xFFFFFFFF;
	p2 =	slt.u32 s8, $0xFFFFF086  }
0x1c: {  	p1 =	slt.u32 s9, $0xF7A;
	s5 =	simm.s32 @!p2 $0x0  }
0x1d: {  	s5 =	simm.s32 @p1 $0x1;
	p0 =	seq.s32 s7, s2  }
0x1e: {  	s7 =	smul.u32 @!p0 $0xF7A, s2;
	p2 =	seq.s32 @!p0 s5, $0x0  }
0x1f: {  	s9 =	smul.u32 $0xF7A, s1;
	s8 =	simm.s32 @!p0 $0x1BF5;
	p2 =	por !p2, p0  }
0x20: {  	[sflag:s8] =	ssyncset.s32 @!p0 $0xFFFFF086;
	s6 =	sadd.s32 @!p0 s3, s7;
	s7 =	simm.s32 @!p0 $0x108  }
0x21: {  	s3 =	sadd.s32 s3, s9;
	s6 =	sadd.s32 @!p0 $0x88, s6;
	s7 =	simm.s32 @p2 $0x1082  }
0x22: {  	[simem:s7], [sflag:s8] =	dma.local @!p0 [hbm:s6], $0xF7A  }
0x23: {  	s9 =	sor.u32 $0xD0000000, s2;
	s6 =	simm.s32 $0x108;
	_ =	swait.ge @!p0 [sflag:s8], $0x0  }
0x24: {  	s3 =	sadd.s32 $0x88, s3;
	s6 =	simm.s32 @!p1 $0x1082;
	[sflag:s4] =	ssyncset.s32 $0xFFFFF086  }
0x25: {  	[simem:s6], [sflag:s4] =	dma.local [hbm:s3], $0xF7A  }
0x26: {  	[smem:$0x3F96] =	sst s1;
	(tag) =	ssettag s2;
	_ =	strace s9  }
0x27: {  	s1 =	sld [smem:$0x3FA6]  }
0x28: {  	s2 =	sld [smem:$0x3FA7]  }
0x29: {  	s4 =	sld [smem:$0x3FA9]  }
0x2a: {  	p0 =	seq.s32 s5, $0x0;
	s5 =	sld [smem:$0x3FAA]  }
0x2b: {  	s6 =	sld [smem:$0x3FAB]  }
0x2c: {  	s7 =	sld [smem:$0x3FAC]  }
0x2d: {  	s3 =	simm.s32 $0x108;
	s8 =	sld [smem:$0x3FAD]  }
0x2e: {  	s3 =	simm.s32 @!p0 $0x1082;
	s9 =	sld [smem:$0x3FAE]  }
0x2f: {  	lr =	sadd.s32 s0, s3;
	s0 =	sld [smem:$0x3FA5]  }
0x30: {  	s3 =	sld [smem:$0x3FA8]  }
0x31: {  	[smem:$0x3FB1] =	sst s10  }
0x32: {  	s10 =	sld [smem:$0x3FAF];
	_ =	sdelay $0x3  }
0x33: {  	p0 =	seq.s32 s10, $0x1;
	s10 =	sld [smem:$0x3FB1];
	_ =	sdelay $0x3  }
0x34: {  	[smem:$0x3FB1] =	sst s10  }
0x35: {  	s10 =	sld [smem:$0x3FB0];
	_ =	sdelay $0x3  }
0x36: {  	p1 =	seq.s32 s10, $0x1;
	s10 =	sld [smem:$0x3FB1];
	_ =	sdelay $0x3  }
0x37: {  	[smem:$0x3FB1] =	sst s10  }
0x38: {  	s10 =	sld [smem:$0x3FB2]  }
0x39: {  	_ = 	snop;
	(pc) =	sbr.ind lr, $3  }
0x3a: {  	_ = 	snop  }
0x3b: {  	_ = 	snop  }
0x3c: {  	p2 =	seq.s32 s10, $0x1;
	s10 =	sld [smem:$0x3FB1]  }
0x3d: {  	_ =	shalt  }
0x3e: {  	_ =	shalt  }
0x3f: {  	_ =	shalt  }
0x40: {  	_ =	shalt  }
0x41: {  	_ =	shalt  }
0x42: {  	_ =	shalt  }
0x43: {  	_ =	shalt  }
0x44: {  	_ =	shalt  }
0x45: {  	_ =	shalt  }
0x46: {  	_ =	shalt  }
0x47: {  	_ =	shalt  }
0x48: {  	_ =	shalt  }
0x49: {  	_ =	shalt  }
0x4a: {  	_ =	shalt  }
0x4b: {  	_ =	shalt  }
0x4c: {  	_ =	shalt  }
0x4d: {  	_ =	shalt  }
0x4e: {  	_ =	shalt  }
0x4f: {  	_ =	shalt  }
0x50: {  	_ =	shalt  }
0x51: {  	_ =	shalt  }
0x52: {  	_ =	shalt  }
0x53: {  	_ =	shalt  }
0x54: {  	_ =	shalt  }
0x55: {  	_ =	shalt  }
0x56: {  	_ =	shalt  }
0x57: {  	_ =	shalt  }
0x58: {  	_ =	shalt  }
0x59: {  	_ =	shalt  }
0x5a: {  	_ =	shalt  }
0x5b: {  	_ =	shalt  }
0x5c: {  	_ =	shalt  }
0x5d: {  	_ =	shalt  }
0x5e: {  	_ =	shalt  }
0x5f: {  	_ =	shalt  }
0x60: {  	_ =	shalt  }
0x61: {  	_ =	shalt  }
0x62: {  	_ =	shalt  }
0x63: {  	_ =	shalt  }
0x64: {  	_ =	shalt  }
0x65: {  	_ =	shalt  }
0x66: {  	_ =	shalt  }
0x67: {  	_ =	shalt  }
0x68: {  	_ =	shalt  }
0x69: {  	_ =	shalt  }
0x6a: {  	_ =	shalt  }
0x6b: {  	_ =	shalt  }
0x6c: {  	_ =	shalt  }
0x6d: {  	_ =	shalt  }
0x6e: {  	_ =	shalt  }
0x6f: {  	_ =	shalt  }
0x70: {  	_ =	shalt  }
0x71: {  	_ =	shalt  }
0x72: {  	_ =	shalt  }
0x73: {  	_ =	shalt  }
0x74: {  	_ =	shalt  }
0x75: {  	_ =	shalt  }
0x76: {  	_ =	shalt  }
0x77: {  	_ =	shalt  }
0x78: {  	_ =	shalt  }
0x79: {  	_ =	shalt  }
0x7a: {  	_ =	shalt  }
0x7b: {  	_ =	shalt  }
0x7c: {  	_ =	shalt  }
0x7d: {  	_ =	shalt  }
0x7e: {  	_ =	shalt  }
0x7f: {  	_ =	shalt  }
0x80: {  	_ =	shalt  }
0x81: {  	_ =	shalt  }
0x82: {  	_ =	shalt  }
0x83: {  	_ =	shalt  }
0x84: {  	_ =	shalt  }
0x85: {  	_ =	shalt  }
0x86: {  	_ =	shalt  }
0x87: {  	_ =	shalt  }
.Lfunc_end0:
.L_simem_size_0:
called_computation_lowered:
.L_overlay_start_0:
0x88: {  	s2 =	sld [smem:$0x3FD9]  }
0x89: {  	s3 =	sld [smem:$0x3FFE];
	_ =	sdelay $0x1  }
0x8a: {  	s1 =	srdreg.scid  }
0x8b: {  	s0 =	sand.u32 $0x1, s1  }
0x8c: {  	s16 =	sshll.u32 s0, $0xA;
	s2 =	sadd.s32 s3, s2  }
0x8d: {  	s2 =	sadd.s32 s2, s16  }
0x8e: {  	[smem:$0x3FBD] =	sst s2  }
0x8f: {  	_ = 	snop  }
0x90: {  	(tm) =	ssettm $0x1  }
0x91: {  	s17 =	sld [smem:$0x3FFB];
	_ =	sdelay $0x3  }
0x92: {  	_ =	strace s17  }
0x93: {  	s2 =	sld [smem:$0x3FFC];
	_ =	sdelay $0x3  }
0x94: {  	_ =	strace s2  }
0x95: {  	s2 =	sld [smem:$0x3FFD];
	_ =	sdelay $0x3  }
0x96: {  	_ =	strace s2  }
0x97: {  	_ =	strace $0x8FFFFFFF  }
0x98: {  	s18 =	sld [smem:$0x3FDB];
	_ =	sdelay $0x1  }
0x99: {  	s19 =	simm.s32 $_scs_section_size  }
0x9a: {  	s4 =	simm.s32 $_size__tile_overlayer_lowered;
	s5 =	simm.s32 $_tile_overlayer_lowered  }
0x9b: {  	s22 =	simm.s32 $0x1BFF;
	s21 =	sshll.u32 s5, $0x1;
	s2 =	sadd.s32 s19, s18  }
0x9c: {  	s6 =	simm.s32 $0x0;
	s20 =	sshll.u32 s4, $0x1;
	s4 =	sadd.s32 s21, s2  }
0x9d: {  	[timem:s6], [sflag:s22] =	dma.local [hbm:s4], s20  }
0x9e: {  	_ =	swait.ge [sflag:s22], s20  }
0x9f: {  	s3 =	ssub.s32 $0x0, s20;
	[sflag:s22] =	ssyncset.done $0x0  }
0xa0: {  	[sflag:s22] =	ssyncadd.s32 s3;
	_ =	sdelay $0x1  }
0xa1: {  	s23 =	simm.s32 $0x1B8B  }
0xa2: {  	_ =	swait.ge [sflag:s23], $0x1  }
0xa3: {  	[sflag:s23] =	ssyncset.done $0x0  }
0xa4: {  	s25 =	simm.s32 $0x1B8E;
	s24 =	sld [smem:$0x3FFE];
	[sflag:s23] =	ssyncadd.s32 $0xFFFFFFFF  }
0xa5: {  	s26 =	simm.s32 $execute0_lowered;
	[smem:$0x3FD2] =	sst s25  }
0xa6: {  	s4 =	sshll.u32 s26, $0x1;
	_ =	strace $0x80000046;
	[dreg:$0x1] =	wrdreg $0xFFFFFFFF  }
0xa7: {  	s28 =	simm.s32 $_size_execute0_lowered;
	s2 =	sadd.s32 s2, s4;
	[dreg:$0x0] =	wrdreg $0x0  }
0xa8: {  	s4 =	sshll.u32 s28, $0x1;
	[dreg:$0x2] =	wrdreg s2  }
0xa9: {  	[dreg:$0x3] =	wrdreg s4  }
0xaa: {  	[dreg:$0x4] =	wrdreg $0xC0  }
0xab: {  	_ =	task [dreg:s6], $0x5FFFF  }
0xac: {  	[dreg:$0x1] =	wrdreg $0xFFFFFFFF  }
0xad: {  	[dreg:$0x0] =	wrdreg $0x60  }
0xae: {  	[dreg:$0x2] =	wrdreg s24  }
0xaf: {  	[dreg:$0x3] =	wrdreg $0xA8000  }
0xb0: {  	[dreg:$0x4] =	wrdreg $0x9  }
0xb1: {  	_ =	task.clear_ibuf [dreg:s6], $0x5FFFF;
	_ =	strace $0x90000046  }
0xb2: {  	s29 =	simm.s32 $0x9;
	_ =	strace $0x80000048  }
0xb3: {  	_ =	swait.ge [sflag:s29], $0x1  }
0xb4: {  	[sflag:s29] =	ssyncadd.s32 $0xFFFFFFFF  }
0xb5: {  	_ =	strace $0x90000048  }
0xb6: {  	_ =	sfence  }
0xb7: {  	s30 =	sld [smem:$0x0];
	_ =	sdelay $0x2  }
0xb8: {  	s31 =	sshll.u32 s1, $0xD;
	s1 =	sshrl.u32 s1, $0x2  }
0xb9: {  	s3 =	sand.u32 $0x4000, s31;
	s1 =	sadd.s32 s1, s30  }
0xba: {  	s0 =	sor.u32 s3, s0;
	s1 =	sshll.u32 s1, $0x11  }
0xbb: {  	s0 =	sor.u32 s1, s0  }
0xbc: {  	s0 =	sadd.s32 $0x8F2B, s0  }
0xbd: {  	[sflag:s0] =	ssyncadd.remote.s32 $0x1  }
0xbe: {  	_ =	sfence.sel $0xFFFF  }
0xbf: {  	[dreg:$0x0] =	wrdreg $0xFFFFFFFF;
	(pc) =	sbr.abs _section_cstart, $3  }
0xc0: {  	[dreg:$0x1] =	wrdreg $0xFFFFFFFF  }
0xc1: {  	_ =	task.clear_ibuf [dreg:s6], $0x2FFFF;
	_ =	strace $0x9FFFFFFF  }
0xc2: {  	(tm) =	ssettm $0x7FFFFFFF  }
0xc3: {  	_ =	shalt  }
tec
execute0_lowered:
.L_overlay_start_1:
0x0: {  	(tag) =	ssettag $0x1  }
0x1: {  	s6 =	rddreg [dreg:$0x0]  }
0x2: {  	s1 =	rddreg [dreg:$0x1];
	s2 =	srdreg.scid  }
0x3: {  	s0 =	rddreg [dreg:$0x2];
	s3 =	simm.s32 $0x0;
	s18 =	simm.s32 $0x1400  }
0x4: {  	s19 =	simm.s32 $0x80;
	s20 =	simm.s32 $0x6800;
	s21 =	simm.s32 $0x1  }
0x5: {  	s22 =	simm.s32 $0x2;
	s23 =	simm.s32 $0x2700;
	s24 =	simm.s32 $0x2780  }
0x6: {  	s5 =	sand.u32 $0x1, s2;
	s2 =	stileid.u32;
	[smem:$0x7FF] =	sst s3  }
0x7: {  	s4 =	sadd.s32 $0x17200, s6;
	s12 =	sadd.s32 $0x3200, s6;
	s7 =	smul.u32 $0x140000, s5  }
0x8: {  	s13 =	sadd.s32 $0xD200, s6;
	s8 =	smul.u32 $0x14000, s2;
	_ =	strace $0x80000047  }
0x9: {  	s28 =	smul.u32 $0x50000, s2;
	s9 =	sshll.u32 s2, $0x1;
	s10 =	ssub.s32 $0x2, s5  }
0xa: {  	s9 =	sor.u32 s5, s9;
	s30 =	sshrl.u32 s10, $0x1;
	s7 =	sadd.s32 s8, s7  }
0xb: {  	s29 =	sshrl.u32 s28, $0x2;
	s11 =	smul.u32 $0x2800, s9;
	s15 =	ssub.s32 s10, s30  }
0xc: {  	s16 =	smul.u32 $0x500, s9;
	s7 =	sshrl.u32 s7, $0x3;
	s5 =	sadd.s32 s29, s1  }
0xd: {  	s15 =	smax.u32 s15, $0x1;
	s14 =	sadd.s32 s7, s6;
	s6 =	sadd.s32 $0x4000, s5  }
0xe: {  	s7 =	sadd.s32 $0x8000, s5;
	s31 =	sshrl.u32 s11, $0x3;
	s8 =	sadd.s32 $0xC000, s5  }
0xf: {  	s9 =	sadd.s32 $0x10000, s5;
	s10 =	sadd.s32 s12, s16;
	s11 =	sadd.s32 s13, s16  }
0x10: {  	s16 =	simm.s32 $0x2800;
	s17 =	sadd.s32 $0x280, s31;
	s14 =	sadd.s32 $0x3F200, s14  }
0x11: {  	v0 =	vimm.f32 $0.0e+00;
	s12 =	sadd.s32 s12, s17;
	s13 =	sadd.s32 s13, s17;
	s17 =	simm.s32 $0x3  }
.LBB2_1:
0x12: {  	s25 =	simm.s32 $0x0;
	s26 =	simm.s32 $0x200  }
.LBB2_2:
0x13: {  	p0 =	sne.s32 s26, $0xFE00;
	[tilespmem:s25+$0x2870] =	vst v0  }
0x14: {  	[tilespmem:s25+$0x2800] =	vst v0  }
0x15: {  	[tilespmem:s25+$0x2810] =	vst v0  }
.Ltmp0:
0x16: {  	[tilespmem:s25+$0x2820] =	vst v0;
	(pc) =	sbr.rel @p0 .LBB2_2-.Ltmp0, $4  }
0x17: {  	[tilespmem:s25+$0x2830] =	vst v0  }
0x18: {  	[tilespmem:s25+$0x2840] =	vst v0  }
0x19: {  	[tilespmem:s25+$0x2850] =	vst v0  }
0x1a: {  	[tilespmem:s25+$0x2860] =	vst v0;
	s25 =	sshra.s32 s26, $0x2;
	s26 =	sadd.s32 $0x200, s26  }
0x1b: {  	[tilespmem:s25+$0x2870] =	vst v0  }
0x1c: {  	[tilespmem:s25+$0x2800] =	vst v0  }
0x1d: {  	[tilespmem:s25+$0x2810] =	vst v0  }
0x1e: {  	[tilespmem:s25+$0x2820] =	vst v0  }
0x1f: {  	[tilespmem:s25+$0x2830] =	vst v0  }
0x20: {  	[tilespmem:s25+$0x2840] =	vst v0  }
0x21: {  	[tilespmem:s25+$0x2850] =	vst v0  }
0x22: {  	[tilespmem:s25+$0x2860] =	vst v0  }
0x23: {  	[spmem:s5] =	stream.linear.scatter [tilespmem:s16], [sflag:$0x3], $0x4000, $0x38;
	[tilespmem:$0x1E800] =	vst v63  }
0x24: {  	_ =	swait.ge [sflag:s17], $0x4000  }
0x25: {  	[sflag:s17] =	ssyncset.done $0x0  }
0x26: {  	[sflag:s17] =	ssyncadd.s32 $0xFFFFC000  }
0x27: {  	[spmem:s6] =	stream.linear.scatter [tilespmem:s16], [sflag:$0x3], $0x4000, $0x38;
	[tilespmem:$0x1E800] =	vst v63  }
0x28: {  	_ =	swait.ge [sflag:s17], $0x4000  }
0x29: {  	[sflag:s17] =	ssyncset.done $0x0  }
0x2a: {  	[sflag:s17] =	ssyncadd.s32 $0xFFFFC000  }
0x2b: {  	[spmem:s7] =	stream.linear.scatter [tilespmem:s16], [sflag:$0x3], $0x4000, $0x38;
	[tilespmem:$0x1E800] =	vst v63  }
0x2c: {  	_ =	swait.ge [sflag:s17], $0x4000  }
0x2d: {  	[sflag:s17] =	ssyncset.done $0x0  }
0x2e: {  	[sflag:s17] =	ssyncadd.s32 $0xFFFFC000  }
0x2f: {  	[spmem:s8] =	stream.linear.scatter [tilespmem:s16], [sflag:$0x3], $0x4000, $0x38;
	[tilespmem:$0x1E800] =	vst v63  }
0x30: {  	_ =	swait.ge [sflag:s17], $0x4000  }
0x31: {  	[sflag:s17] =	ssyncset.done $0x0  }
0x32: {  	[sflag:s17] =	ssyncadd.s32 $0xFFFFC000  }
0x33: {  	[spmem:s9] =	stream.linear.scatter [tilespmem:s16], [sflag:$0x3], $0x4000, $0x38;
	[tilespmem:$0x1E800] =	vst v63  }
0x34: {  	_ =	swait.ge [sflag:s17], $0x4000  }
0x35: {  	[sflag:s17] =	ssyncset.done $0x0  }
0x36: {  	[sflag:s17] =	ssyncadd.s32 $0xFFFFC000  }
0x37: {  	s28 =	simm.s32 $0x0;
	[bflag:$0x0] =	sbarrier.arrive $0xFFFF  }
0x38: {  	[tilespmem:s28], [sflag:$0x3] =	stream.linear.gather [hbm4b:s10+s28], $0x1400, $0x38;
	[tilespmem:$0x1E800] =	vst v63  }
0x39: {  	_ =	swait.ge [sflag:s17], $0x1400  }
0x3a: {  	[sflag:s17] =	ssyncset.done $0x0  }
0x3b: {  	[sflag:s17] =	ssyncadd.s32 $0xFFFFEC00  }
0x3c: {  	[tilespmem:s18], [sflag:$0x3] =	stream.linear.gather [hbm4b:s11+s28], $0x1400, $0x38;
	[tilespmem:$0x1E800] =	vst v63  }
0x3d: {  	_ =	swait.ge [sflag:s17], $0x1400  }
0x3e: {  	[sflag:s17] =	ssyncset.done $0x0  }
0x3f: {  	[sflag:s17] =	ssyncadd.s32 $0xFFFFEC00  }
0x40: {  	[tilespmem:s16], [sflag:$0x1] =	stream.indirect.gather [hbm4b:s4+s19], $0x80, s28, s19, $0xb8;
	[tilespmem:$0x1E800] =	vst v63  }
0x41: {  	_ = 	snop  }
0x42: {  	[tilespmem:s20], [sflag:$0x2] =	stream.indirect.gather [hbm4b:s4+s19], $0x80, s19, s19, $0xb8;
	[tilespmem:$0x1E800] =	vst v63  }
0x43: {  	_ =	swait.ge [sflag:s21], $0x4000  }
0x44: {  	[sflag:s21] =	ssyncset.done $0x0  }
0x45: {  	s29 =	simm.s32 $0x1400;
	[sflag:s21] =	ssyncadd.s32 $0xFFFFC000  }
0x46: {  	[spmem:s1] =	stream.indirect.scatter.add.f32 [tilespmem:s16], [sflag:$0x3], $0x80, s29, s19, $0xb8;
	[tilespmem:$0x1E800] =	vst v63  }
0x47: {  	_ =	swait.ge [sflag:s17], $0x4000  }
0x48: {  	[sflag:s17] =	ssyncset.done $0x0  }
0x49: {  	s30 =	simm.s32 $0x100;
	[sflag:s17] =	ssyncadd.s32 $0xFFFFC000  }
0x4a: {  	[tilespmem:s16], [sflag:$0x1] =	stream.indirect.gather [hbm4b:s4+s19], $0x80, s30, s19, $0xb8;
	[tilespmem:$0x1E800] =	vst v63  }
0x4b: {  	_ =	swait.ge [sflag:s22], $0x4000  }
0x4c: {  	[sflag:s22] =	ssyncset.done $0x0  }
0x4d: {  	s31 =	simm.s32 $0x1480;
	[sflag:s22] =	ssyncadd.s32 $0xFFFFC000  }
0x4e: {  	[spmem:s1] =	stream.indirect.scatter.add.f32 [tilespmem:s20], [sflag:$0x3], $0x80, s31, s19, $0xb8;
	[tilespmem:$0x1E800] =	vst v63  }
0x4f: {  	_ =	swait.ge [sflag:s17], $0x4000  }
0x50: {  	[sflag:s17] =	ssyncset.done $0x0  }
0x51: {  	s25 =	simm.s32 $0x400;
	s26 =	simm.s32 $0x180;
	[sflag:s17] =	ssyncadd.s32 $0xFFFFC000  }
.LBB2_4:
0x52: {  	[tilespmem:s20], [sflag:$0x2] =	stream.indirect.gather [hbm4b:s4+s19], $0x80, s26, s19, $0xb8;
	[tilespmem:$0x1E800] =	vst v63  }
0x53: {  	s26 =	smov.u32 s25  }
0x54: {  	p0 =	sne.s32 s25, $0x4800;
	s25 =	sadd.s32 $0x400, s25;
	_ =	swait.ge [sflag:s21], $0x4000  }
0x55: {  	s26 =	sshra.s32 s26, $0x2;
	[sflag:s21] =	ssyncset.done $0x0  }
0x56: {  	s28 =	sadd.s32 $0x1400, s26;
	[sflag:s21] =	ssyncadd.s32 $0xFFFFC000  }
0x57: {  	[spmem:s1] =	stream.indirect.scatter.add.f32 [tilespmem:s16], [sflag:$0x3], $0x80, s28, s19, $0xb8;
	[tilespmem:$0x1E800] =	vst v63  }
0x58: {  	_ =	swait.ge [sflag:s17], $0x4000  }
0x59: {  	[sflag:s17] =	ssyncset.done $0x0  }
0x5a: {  	s28 =	sadd.s32 $0x100, s26;
	[sflag:s17] =	ssyncadd.s32 $0xFFFFC000  }
0x5b: {  	[tilespmem:s16], [sflag:$0x1] =	stream.indirect.gather [hbm4b:s4+s19], $0x80, s28, s19, $0xb8;
	[tilespmem:$0x1E800] =	vst v63  }
0x5c: {  	_ =	swait.ge [sflag:s22], $0x4000  }
0x5d: {  	[sflag:s22] =	ssyncset.done $0x0  }
.Ltmp1:
0x5e: {  	s28 =	sadd.s32 $0x1480, s26;
	[sflag:s22] =	ssyncadd.s32 $0xFFFFC000;
	(pc) =	sbr.rel @p0 .LBB2_4-.Ltmp1, $4  }
0x5f: {  	[spmem:s1] =	stream.indirect.scatter.add.f32 [tilespmem:s20], [sflag:$0x3], $0x80, s28, s19, $0xb8;
	[tilespmem:$0x1E800] =	vst v63  }
0x60: {  	_ =	swait.ge [sflag:s17], $0x4000  }
0x61: {  	[sflag:s17] =	ssyncset.done $0x0  }
0x62: {  	s26 =	sadd.s32 $0x180, s26;
	[sflag:s17] =	ssyncadd.s32 $0xFFFFC000  }
0x63: {  	[tilespmem:s20], [sflag:$0x2] =	stream.indirect.gather [hbm4b:s4+s19], $0x80, s26, s19, $0xb8;
	[tilespmem:$0x1E800] =	vst v63  }
0x64: {  	_ =	swait.ge [sflag:s21], $0x4000  }
0x65: {  	[sflag:s21] =	ssyncset.done $0x0  }
0x66: {  	[sflag:s21] =	ssyncadd.s32 $0xFFFFC000  }
0x67: {  	[spmem:s1] =	stream.indirect.scatter.add.f32 [tilespmem:s16], [sflag:$0x3], $0x80, s23, s19, $0xb8;
	[tilespmem:$0x1E800] =	vst v63  }
0x68: {  	_ =	swait.ge [sflag:s17], $0x4000  }
0x69: {  	[sflag:s17] =	ssyncset.done $0x0  }
0x6a: {  	[sflag:s17] =	ssyncadd.s32 $0xFFFFC000  }
0x6b: {  	_ =	swait.ge [sflag:s22], $0x4000  }
0x6c: {  	[sflag:s22] =	ssyncset.done $0x0  }
0x6d: {  	[sflag:s22] =	ssyncadd.s32 $0xFFFFC000  }
0x6e: {  	[spmem:s1] =	stream.indirect.scatter.add.f32 [tilespmem:s20], [sflag:$0x3], $0x80, s24, s19, $0xb8;
	[tilespmem:$0x1E800] =	vst v63  }
0x6f: {  	_ =	swait.ge [sflag:s17], $0x4000  }
0x70: {  	[sflag:s17] =	ssyncset.done $0x0  }
0x71: {  	s25 =	simm.s32 $0x0;
	[sflag:s17] =	ssyncadd.s32 $0xFFFFC000  }
0x72: {  	[tilespmem:s25], [sflag:$0x3] =	stream.linear.gather [hbm4b:s12+s25], $0x1400, $0x38;
	[tilespmem:$0x1E800] =	vst v63  }
0x73: {  	_ =	swait.ge [sflag:s17], $0x1400  }
0x74: {  	[sflag:s17] =	ssyncset.done $0x0  }
0x75: {  	[sflag:s17] =	ssyncadd.s32 $0xFFFFEC00  }
0x76: {  	[tilespmem:s18], [sflag:$0x3] =	stream.linear.gather [hbm4b:s13+s25], $0x1400, $0x38;
	[tilespmem:$0x1E800] =	vst v63  }
0x77: {  	_ =	swait.ge [sflag:s17], $0x1400  }
0x78: {  	[sflag:s17] =	ssyncset.done $0x0  }
0x79: {  	[sflag:s17] =	ssyncadd.s32 $0xFFFFEC00  }
0x7a: {  	[tilespmem:s16], [sflag:$0x1] =	stream.indirect.gather [hbm4b:s4+s19], $0x80, s25, s19, $0xb8;
	[tilespmem:$0x1E800] =	vst v63  }
0x7b: {  	_ = 	snop  }
0x7c: {  	[tilespmem:s20], [sflag:$0x2] =	stream.indirect.gather [hbm4b:s4+s19], $0x80, s19, s19, $0xb8;
	[tilespmem:$0x1E800] =	vst v63  }
0x7d: {  	_ =	swait.ge [sflag:s21], $0x4000  }
0x7e: {  	[sflag:s21] =	ssyncset.done $0x0  }
0x7f: {  	s29 =	simm.s32 $0x1400;
	[sflag:s21] =	ssyncadd.s32 $0xFFFFC000  }
0x80: {  	[spmem:s1] =	stream.indirect.scatter.add.f32 [tilespmem:s16], [sflag:$0x3], $0x80, s29, s19, $0xb8;
	[tilespmem:$0x1E800] =	vst v63  }
0x81: {  	_ =	swait.ge [sflag:s17], $0x4000  }
0x82: {  	[sflag:s17] =	ssyncset.done $0x0  }
0x83: {  	s30 =	simm.s32 $0x100;
	[sflag:s17] =	ssyncadd.s32 $0xFFFFC000  }
0x84: {  	[tilespmem:s16], [sflag:$0x1] =	stream.indirect.gather [hbm4b:s4+s19], $0x80, s30, s19, $0xb8;
	[tilespmem:$0x1E800] =	vst v63  }
0x85: {  	_ =	swait.ge [sflag:s22], $0x4000  }
0x86: {  	[sflag:s22] =	ssyncset.done $0x0  }
0x87: {  	s31 =	simm.s32 $0x1480;
	[sflag:s22] =	ssyncadd.s32 $0xFFFFC000  }
0x88: {  	[spmem:s1] =	stream.indirect.scatter.add.f32 [tilespmem:s20], [sflag:$0x3], $0x80, s31, s19, $0xb8;
	[tilespmem:$0x1E800] =	vst v63  }
0x89: {  	_ =	swait.ge [sflag:s17], $0x4000  }
0x8a: {  	[sflag:s17] =	ssyncset.done $0x0  }
0x8b: {  	s26 =	simm.s32 $0x180;
	s25 =	simm.s32 $0x400;
	[sflag:s17] =	ssyncadd.s32 $0xFFFFC000  }
.LBB2_6:
0x8c: {  	[tilespmem:s20], [sflag:$0x2] =	stream.indirect.gather [hbm4b:s4+s19], $0x80, s26, s19, $0xb8;
	[tilespmem:$0x1E800] =	vst v63  }
0x8d: {  	s26 =	smov.u32 s25  }
0x8e: {  	p0 =	sne.s32 s25, $0x4800;
	s25 =	sadd.s32 $0x400, s25;
	_ =	swait.ge [sflag:s21], $0x4000  }
0x8f: {  	s26 =	sshra.s32 s26, $0x2;
	[sflag:s21] =	ssyncset.done $0x0  }
0x90: {  	s28 =	sadd.s32 $0x1400, s26;
	[sflag:s21] =	ssyncadd.s32 $0xFFFFC000  }
0x91: {  	[spmem:s1] =	stream.indirect.scatter.add.f32 [tilespmem:s16], [sflag:$0x3], $0x80, s28, s19, $0xb8;
	[tilespmem:$0x1E800] =	vst v63  }
0x92: {  	_ =	swait.ge [sflag:s17], $0x4000  }
0x93: {  	[sflag:s17] =	ssyncset.done $0x0  }
0x94: {  	s28 =	sadd.s32 $0x100, s26;
	[sflag:s17] =	ssyncadd.s32 $0xFFFFC000  }
0x95: {  	[tilespmem:s16], [sflag:$0x1] =	stream.indirect.gather [hbm4b:s4+s19], $0x80, s28, s19, $0xb8;
	[tilespmem:$0x1E800] =	vst v63  }
0x96: {  	_ =	swait.ge [sflag:s22], $0x4000  }
0x97: {  	[sflag:s22] =	ssyncset.done $0x0  }
.Ltmp2:
0x98: {  	s28 =	sadd.s32 $0x1480, s26;
	[sflag:s22] =	ssyncadd.s32 $0xFFFFC000;
	(pc) =	sbr.rel @p0 .LBB2_6-.Ltmp2, $4  }
0x99: {  	[spmem:s1] =	stream.indirect.scatter.add.f32 [tilespmem:s20], [sflag:$0x3], $0x80, s28, s19, $0xb8;
	[tilespmem:$0x1E800] =	vst v63  }
0x9a: {  	_ =	swait.ge [sflag:s17], $0x4000  }
0x9b: {  	[sflag:s17] =	ssyncset.done $0x0  }
0x9c: {  	s26 =	sadd.s32 $0x180, s26;
	[sflag:s17] =	ssyncadd.s32 $0xFFFFC000  }
0x9d: {  	[tilespmem:s20], [sflag:$0x2] =	stream.indirect.gather [hbm4b:s4+s19], $0x80, s26, s19, $0xb8;
	[tilespmem:$0x1E800] =	vst v63  }
0x9e: {  	_ =	swait.ge [sflag:s21], $0x4000  }
0x9f: {  	[sflag:s21] =	ssyncset.done $0x0  }
0xa0: {  	[sflag:s21] =	ssyncadd.s32 $0xFFFFC000  }
0xa1: {  	[spmem:s1] =	stream.indirect.scatter.add.f32 [tilespmem:s16], [sflag:$0x3], $0x80, s23, s19, $0xb8;
	[tilespmem:$0x1E800] =	vst v63  }
0xa2: {  	_ =	swait.ge [sflag:s17], $0x4000  }
0xa3: {  	[sflag:s17] =	ssyncset.done $0x0  }
0xa4: {  	[sflag:s17] =	ssyncadd.s32 $0xFFFFC000  }
0xa5: {  	_ =	swait.ge [sflag:s22], $0x4000  }
0xa6: {  	[sflag:s22] =	ssyncset.done $0x0  }
0xa7: {  	[sflag:s22] =	ssyncadd.s32 $0xFFFFC000  }
0xa8: {  	[spmem:s1] =	stream.indirect.scatter.add.f32 [tilespmem:s20], [sflag:$0x3], $0x80, s24, s19, $0xb8;
	[tilespmem:$0x1E800] =	vst v63  }
0xa9: {  	_ =	swait.ge [sflag:s17], $0x4000  }
0xaa: {  	s25 =	sshll.u32 s2, $0x6;
	s3 =	sadd.s32 $0x1, s3;
	[sflag:s17] =	ssyncset.done $0x0  }
0xab: {  	s31 =	sshrl.u32 s5, $0x3;
	p0 =	sne.s32 s3, s15;
	[sflag:s17] =	ssyncadd.s32 $0xFFFFC000  }
.Ltmp3:
0xac: {  	s25 =	sor.u32 $0x1C03, s25;
	[bflag:$0x0] =	sbarrier.arrive $0xFFFF;
	(pc) =	sbr.rel @p0 .LBB2_1-.Ltmp3, $4  }
0xad: {  	[hbm:s14], [sflag:s25] =	dma.local [spmem:s31], $0x2800  }
0xae: {  	_ =	swait.ge [sflag:s17], $0x2800  }
0xaf: {  	[sflag:s17] =	ssyncset.done $0x0  }
0xb0: {  	[sflag:s17] =	ssyncadd.s32 $0xFFFFD800  }
0xb1: {  	_ =	sfence.sel $0x180000  }
0xb2: {  	[bflag:$0x0] =	sbarrier.arrive $0xFFFF  }
0xb3: {  	p0 =	sne.s32 s2, $0x0;
	_ =	strace $0x90000047  }
0xb4: {  	s0 =	sadd.s32 @!p0 $0x100000, s0;
	[bflag:$0x2] =	sbarrier.arrive $0xFFFF  }
0xb5: {  	[sflag:s0] =	ssyncadd.tile.s32 @!p0 $0x1;
	_ =	shalt  }
.Lfunc_end2:
_tile_overlayer_lowered:
.L_overlay_start_2:
0xb6: {  	(tag) =	ssettag $0x2  }
0xb7: {  	s0 =	rddreg [dreg:$0x0];
	s2 =	stileid.u32  }
0xb8: {  	s1 =	rddreg [dreg:$0x1];
	p0 =	sne.s32 s2, $0x0  }
0xb9: {  	s3 =	rddreg [dreg:$0x2];
	[bflag:$0x3] =	sbarrier.arrive $0xFFFF;
	s2 =	simm.s32 @!p0 $0x1C03  }
0xba: {  	[timem:s3], [sflag:s2] =	dma.local @!p0 [hbm:s0], s1  }
0xbb: {  	s0 =	simm.s32 @!p0 $0x3  }
0xbc: {  	_ =	swait.ge @!p0 [sflag:s0], s1  }
0xbd: {  	s1 =	ssub.s32 @!p0 $0x0, s1;
	[sflag:s0] =	ssyncset.done @!p0 $0x0  }
0xbe: {  	[sflag:s0] =	ssyncadd.s32 @!p0 s1  }
0xbf: {  	[bflag:$0x3] =	sbarrier.arrive $0xFFFF  }
0xc0: {  	_ =	shalt  }

</sc_bundles>
